<compile_context>
chip_gen: v7x
topology: tpu7x:2x2x1
jax: 0.10.2.dev20260603
libtpu: 0.0.44.dev20260713+nightly
codegen_flags: <defaults>
</compile_context>

<pallas_src>
import functools

import numpy as np

import jax
import jax.numpy as jnp
from jax import lax
from jax.experimental import pallas as pl
from jax.experimental.pallas import tpu as pltpu
from jax.experimental.pallas import tpu_sc as plsc

IMG_SIZE = 512
B, N, D = 2, 5000, 256
HID, NCLS = 4096, 81
NMS_KEEP = 100
IOU_THRESH = 0.5

NPAD = 5120
ROW_T = 1024
NSUB = 16
LANES = 16
CHUNK = NPAD // NSUB
KPAD = 128
_ROWID = np.arange(NPAD, dtype=np.int32)[None, :]


def _stage1_body(rois_ref, p0_ref, p1_ref, p2_ref, p3_ref, rowid_ref,
                 w1_ref, b1_ref, wcr_ref, bcr_ref,
                 s_o, x_o, y_o, w_o, h_o, x1_o, y1_o, ar_o):
    x = jnp.dot(rois_ref[0], w1_ref[...],
                preferred_element_type=jnp.float32) + b1_ref[...]
    y = jnp.dot(x, wcr_ref[...], preferred_element_type=jnp.float32) + bcr_ref[...]
    clss = y[:, :NCLS]
    m2 = jnp.max(clss, axis=1, keepdims=True)
    ssum2 = jnp.sum(jnp.exp(clss - m2), axis=1, keepdims=True)
    z = jnp.concatenate(
        [m2, ssum2, clss[:, 0:1], y[:, NCLS:NCLS + 1], y[:, NCLS + 1:NCLS + 2],
         y[:, NCLS + 2:NCLS + 3], y[:, NCLS + 3:NCLS + 4], m2], axis=1)
    zT = z.T
    m = zT[0, :]
    ssum = zT[1, :]
    c0 = zT[2, :]
    reg0 = zT[3, :]
    reg1 = zT[4, :]
    reg2 = zT[5, :]
    reg3 = zT[6, :]
    score = 1.0 / ssum
    valid = (c0 < m) & (score >= 0.01) & (rowid_ref[0] < N)
    score = jnp.where(valid, score, 0.0)

    p0 = p0_ref[0, 0, :]
    p1 = p1_ref[0, 0, :]
    p2 = p2_ref[0, 0, :]
    p3 = p3_ref[0, 0, :]
    px = p0 + p2 * reg0
    py = p1 + p3 * reg1
    pw = p2 * jnp.exp(reg2)
    ph = p3 * jnp.exp(reg3)
    bx = jnp.clip(px, 0.0, IMG_SIZE - 1.0)
    by = jnp.clip(py, 0.0, IMG_SIZE - 1.0)
    bw = jnp.clip(pw, 1.0, float(IMG_SIZE))
    bh = jnp.clip(ph, 1.0, float(IMG_SIZE))
    x1 = bx + bw - 1.0
    y1 = by + bh - 1.0
    area = (x1 - bx + 1.0) * (y1 - by + 1.0)

    s_o[...] = score
    x_o[...] = bx
    y_o[...] = by
    w_o[...] = bw
    h_o[...] = bh
    x1_o[...] = x1
    y1_o[...] = y1
    ar_o[...] = area


def _stage1(rois_p, p0, p1, p2, p3, rowid, W1, b1r, Wcr, bcr):
    nt = NPAD // ROW_T
    flat = pl.BlockSpec((ROW_T,), lambda b, t: (b * nt + t,))
    return pl.pallas_call(
        _stage1_body,
        grid=(B, nt),
        in_specs=[
            pl.BlockSpec((1, ROW_T, D), lambda b, t: (b, t, 0)),
            pl.BlockSpec((1, 1, ROW_T), lambda b, t: (b, 0, t)),
            pl.BlockSpec((1, 1, ROW_T), lambda b, t: (b, 0, t)),
            pl.BlockSpec((1, 1, ROW_T), lambda b, t: (b, 0, t)),
            pl.BlockSpec((1, 1, ROW_T), lambda b, t: (b, 0, t)),
            pl.BlockSpec((1, ROW_T), lambda b, t: (0, t)),
            pl.BlockSpec((D, HID), lambda b, t: (0, 0)),
            pl.BlockSpec((1, HID), lambda b, t: (0, 0)),
            pl.BlockSpec((HID, NCLS + 4), lambda b, t: (0, 0)),
            pl.BlockSpec((1, NCLS + 4), lambda b, t: (0, 0)),
        ],
        out_specs=[flat] * 8,
        out_shape=[jax.ShapeDtypeStruct((B * NPAD,), jnp.float32)] * 8,
        compiler_params=pltpu.CompilerParams(
            dimension_semantics=("parallel", "parallel")),
    )(rois_p, p0, p1, p2, p3, rowid, W1, b1r, Wcr, bcr)


def _nms_body(s_hbm, x_hbm, y_hbm, w_hbm, h_hbm, x1_hbm, y1_hbm, ar_hbm,
              out_s_hbm, out_b_hbm,
              s_ref, ox0, oy0, ox1, oy1, oar,
              fx, fy, fw, fh,
              ks, kb,
              stg, allv, shx):
    img = lax.axis_index("c")
    sid = lax.axis_index("s")
    base = sid * CHUNK
    ib = img * NPAD

    pltpu.sync_copy(s_hbm.at[pl.ds(ib + base, CHUNK)], s_ref)
    pltpu.sync_copy(x_hbm.at[pl.ds(ib + base, CHUNK)], ox0)
    pltpu.sync_copy(y_hbm.at[pl.ds(ib + base, CHUNK)], oy0)
    pltpu.sync_copy(x1_hbm.at[pl.ds(ib + base, CHUNK)], ox1)
    pltpu.sync_copy(y1_hbm.at[pl.ds(ib + base, CHUNK)], oy1)
    pltpu.sync_copy(ar_hbm.at[pl.ds(ib + base, CHUNK)], oar)
    pltpu.sync_copy(x_hbm.at[pl.ds(ib, NPAD)], fx)
    pltpu.sync_copy(y_hbm.at[pl.ds(ib, NPAD)], fy)
    pltpu.sync_copy(w_hbm.at[pl.ds(ib, NPAD)], fw)
    pltpu.sync_copy(h_hbm.at[pl.ds(ib, NPAD)], fh)

    lanes = lax.iota(jnp.int32, LANES)
    lane0 = lanes == 0
    neg1 = jnp.full((LANES,), -1.0, jnp.float32)

    def _rot(v, sh):
        idx = (lanes + sh) & (LANES - 1)
        return lax.gather(
            v, idx[:, None],
            dimension_numbers=lax.GatherDimensionNumbers(
                offset_dims=(), collapsed_slice_dims=(0,),
                start_index_map=(0,)),
            slice_sizes=(1,),
            mode=lax.GatherScatterMode.PROMISE_IN_BOUNDS)

    def _lane_argmax(m, ix):
        for sh in (1, 2, 4, 8):
            m2 = _rot(m, sh)
            ix2 = _rot(ix, sh)
            better = (m2 > m) | ((m2 == m) & (ix2 < ix))
            m = jnp.where(better, m2, m)
            ix = jnp.where(better, ix2, ix)
        return m, ix

    m0 = s_ref[pl.ds(0, LANES)]
    ix0 = lanes + base
    for j in range(1, CHUNK // LANES):
        v = s_ref[pl.ds(j * LANES, LANES)]
        take = v > m0
        m0 = jnp.where(take, v, m0)
        ix0 = jnp.where(take, lanes + (base + j * LANES), ix0)
    m0, ix0 = _lane_argmax(m0, ix0)

    def step(k, carry):
        m, ix = carry

        p = k & 1
        stg[pl.ds(0, LANES)] = m
        stg[pl.ds(LANES, LANES)] = plsc.bitcast(ix, jnp.float32)
        pltpu.sync_copy(stg, shx.at[p, sid, pl.ds(0, 2 * LANES)])
        plsc.subcore_barrier()
        pltpu.sync_copy(shx.at[p], allv)
        wm = allv[0, pl.ds(0, LANES)]
        wi = plsc.bitcast(allv[0, pl.ds(LANES, LANES)], jnp.int32)
        for t in range(1, NSUB):
            vm = allv[t, pl.ds(0, LANES)]
            vi = plsc.bitcast(allv[t, pl.ds(LANES, LANES)], jnp.int32)
            better = (vm > wm) | ((vm == wm) & (vi < wi))
            wm = jnp.where(better, vm, wm)
            wi = jnp.where(better, vi, wi)

        wx = plsc.load_gather(fx, [wi])
        wy = plsc.load_gather(fy, [wi])
        ww = plsc.load_gather(fw, [wi])
        wh = plsc.load_gather(fh, [wi])
        wx1 = wx + ww - 1.0
        wy1 = wy + wh - 1.0
        wa = (wx1 - wx + 1.0) * (wy1 - wy + 1.0)

        ok = wm > 0.0
        kidx = jnp.full((LANES,), k, jnp.int32)
        zero = jnp.zeros((LANES,), jnp.float32)
        plsc.store_scatter(ks, [kidx], jnp.where(ok, wm, zero), mask=lane0)
        lane4 = lanes & 3
        bv = jnp.where(lane4 == 0, wx,
                       jnp.where(lane4 == 1, wy,
                                 jnp.where(lane4 == 2, wx1, wy1)))
        inv = jnp.where(lane4 >= 2, neg1, zero)
        plsc.store_scatter(kb, [kidx * 4 + lanes], jnp.where(ok, bv, inv),
                           mask=lanes < 4)

        nm = neg1
        nix = lanes + base
        for j in range(CHUNK // LANES):
            sl = pl.ds(j * LANES, LANES)
            x0 = ox0[sl]
            y0 = oy0[sl]
            x1 = ox1[sl]
            y1 = oy1[sl]
            iw = jnp.maximum(jnp.minimum(wx1, x1) - jnp.maximum(wx, x0) + 1.0, 0.0)
            ih = jnp.maximum(jnp.minimum(wy1, y1) - jnp.maximum(wy, y0) + 1.0, 0.0)
            inter = iw * ih
            iou = inter / (wa + oar[sl] - inter + 1e-9)
            s = jnp.where(iou >= IOU_THRESH, neg1, s_ref[sl])
            s_ref[sl] = s
            take = s > nm
            nm = jnp.where(take, s, nm)
            nix = jnp.where(take, lanes + (base + j * LANES), nix)
        return _lane_argmax(nm, nix)

    lax.fori_loop(0, NMS_KEEP, step, (m0, ix0))

    @pl.when(sid == 0)
    def _():
        pltpu.sync_copy(ks, out_s_hbm.at[pl.ds(img * KPAD, KPAD)])
        pltpu.sync_copy(kb, out_b_hbm.at[pl.ds(img * 4 * KPAD, 4 * KPAD)])


@functools.cache
def _make_nms_sc():
    return functools.partial(
        pl.kernel,
        out_type=[
            jax.ShapeDtypeStruct((B * KPAD,), jnp.float32),
            jax.ShapeDtypeStruct((B * 4 * KPAD,), jnp.float32),
        ],
        mesh=plsc.VectorSubcoreMesh(core_axis_name="c", subcore_axis_name="s"),
        compiler_params=pltpu.CompilerParams(needs_layout_passes=False),
        scratch_types=[
        pltpu.VMEM((CHUNK,), jnp.float32),
        pltpu.VMEM((CHUNK,), jnp.float32),
        pltpu.VMEM((CHUNK,), jnp.float32),
        pltpu.VMEM((CHUNK,), jnp.float32),
        pltpu.VMEM((CHUNK,), jnp.float32),
        pltpu.VMEM((CHUNK,), jnp.float32),
        pltpu.VMEM((NPAD,), jnp.float32),
        pltpu.VMEM((NPAD,), jnp.float32),
        pltpu.VMEM((NPAD,), jnp.float32),
        pltpu.VMEM((NPAD,), jnp.float32),
        pltpu.VMEM((KPAD,), jnp.float32),
        pltpu.VMEM((4 * KPAD,), jnp.float32),
        pltpu.VMEM((2 * LANES,), jnp.float32),
        pltpu.VMEM((NSUB, 128), jnp.float32),
            pltpu.VMEM_SHARED((2, NSUB, 128), jnp.float32),
        ],
    )(_nms_body)


def kernel(rois, proposals, W1, b1, Wc, bc, Wr, br):
    rois = rois.reshape(B, N, D)
    pcols = [proposals[:, :, j][:, None, :] for j in range(4)]
    rowid = _ROWID
    Wcr = jnp.concatenate([Wc, Wr], axis=1)
    bcr = jnp.concatenate([bc, br], axis=0)[None, :]
    packed = _stage1(rois, *pcols, rowid, W1, b1[None, :], Wcr, bcr)
    out_s, out_b = _make_nms_sc()(*packed)
    clss_out = out_s.reshape(B, KPAD)[:, :NMS_KEEP]
    bboxes_out = out_b.reshape(B, KPAD, 4)[:, :NMS_KEEP, :]
    return (clss_out, bboxes_out)

# --- scband reference (transcript-rebuilt; emitter-appended) ---
"""Pipeline reference for scband-classifier-regressor-63324997812587 (READ-ONLY COPY).

The authoritative reference and input builder live on the scoring server;
editing this copy changes nothing except your own understanding.
"""

import jax, jax.numpy as jnp
import numpy as np

IMG_SIZE = 512
B, N, D = 2, 5000, 256
HID, NCLS = 4096, 81
NMS_KEEP = 100
IOU_THRESH = 0.5


def _corners(b):
    x0 = b[..., 0]
    y0 = b[..., 1]
    x1 = x0 + b[..., 2] - 1.0
    y1 = y0 + b[..., 3] - 1.0
    return x0, y0, x1, y1


def _iou_one_vs_all(box, boxes):
    bx0, by0, bx1, by1 = _corners(box)
    x0, y0, x1, y1 = _corners(boxes)
    ix0 = jnp.maximum(bx0, x0)
    iy0 = jnp.maximum(by0, y0)
    ix1 = jnp.minimum(bx1, x1)
    iy1 = jnp.minimum(by1, y1)
    iw = jnp.maximum(ix1 - ix0 + 1.0, 0.0)
    ih = jnp.maximum(iy1 - iy0 + 1.0, 0.0)
    inter = iw * ih
    a1 = (bx1 - bx0 + 1.0) * (by1 - by0 + 1.0)
    a2 = (x1 - x0 + 1.0) * (y1 - y0 + 1.0)
    return inter / (a1 + a2 - inter + 1e-9)


def _nms(img_size, boxes, scores):
    x = jnp.clip(boxes[:, 0], 0.0, img_size - 1.0)
    y = jnp.clip(boxes[:, 1], 0.0, img_size - 1.0)
    w = jnp.clip(boxes[:, 2], 1.0, img_size)
    h = jnp.clip(boxes[:, 3], 1.0, img_size)
    boxes = jnp.stack([x, y, w, h], axis=1)
    s = scores
    keep_b = []
    keep_s = []
    for _ in range(NMS_KEEP):
        i = jnp.argmax(s)
        valid = s[i] > 0.0
        b = jnp.where(valid, boxes[i], jnp.zeros((4,), boxes.dtype))
        keep_b.append(b)
        keep_s.append(jnp.where(valid, s[i], 0.0))
        iou = _iou_one_vs_all(boxes[i], boxes)
        s = jnp.where(iou >= IOU_THRESH, -1.0, s)
        s = s.at[i].set(-1.0)
    return jnp.stack(keep_b, axis=0), jnp.stack(keep_s, axis=0)


def setup_inputs(seed: int = 0):
    key = jax.random.key(seed)
    ks = jax.random.split(key, 10)
    rois = jax.random.normal(ks[0], (B, N, D), dtype=jnp.float32)
    px = jax.random.uniform(ks[1], (B, N)) * (IMG_SIZE * 0.75)
    py = jax.random.uniform(ks[2], (B, N)) * (IMG_SIZE * 0.75)
    pw = 8.0 + jax.random.uniform(ks[3], (B, N)) * (IMG_SIZE * 0.25)
    ph = 8.0 + jax.random.uniform(ks[4], (B, N)) * (IMG_SIZE * 0.25)
    proposals = jnp.stack([px, py, pw, ph], axis=2).astype(jnp.float32)
    W1 = jax.random.normal(ks[5], (D, HID), dtype=jnp.float32) * 0.02
    b1 = jnp.zeros((HID,), jnp.float32)
    Wc = jax.random.normal(ks[6], (HID, NCLS), dtype=jnp.float32) * 0.02
    bc = jnp.zeros((NCLS,), jnp.float32)
    Wr = jax.random.normal(ks[7], (HID, 4), dtype=jnp.float32) * 0.01
    br = jnp.zeros((4,), jnp.float32)
    return {"rois": rois, "proposals": proposals, "W1": W1, "b1": b1, "Wc": Wc, "bc": bc, "Wr": Wr, "br": br}


def reference(rois, proposals, W1, b1, Wc, bc, Wr, br):
    rois = rois.reshape(rois.shape[0], rois.shape[1], -1)
    clss_out = []
    props_out = []
    for i in range(rois.shape[0]):
        x = rois[i] @ W1 + b1
        clss = x @ Wc + bc
        reg = x @ Wr + br
        clss_score = jax.nn.softmax(clss, axis=1)
        clss_idxs = jnp.argmax(clss_score, axis=1)
        score = jnp.take_along_axis(clss_score, clss_idxs[:, None], axis=1)[:, 0]
        # background filter + low-score filter, expressed as score zeroing to keep fixed shapes
        valid = (clss_idxs != 0) & (score >= 0.01)
        score = jnp.where(valid, score, 0.0)
        ip = proposals[i]
        px = ip[:, 0] + ip[:, 2] * reg[:, 0]
        py = ip[:, 1] + ip[:, 3] * reg[:, 1]
        pw = ip[:, 2] * jnp.exp(reg[:, 2])
        ph = ip[:, 3] * jnp.exp(reg[:, 3])
        refined = jnp.stack([px, py, pw, ph], axis=1)
        rb, rs = _nms(float(IMG_SIZE), refined, score)
        clss_out.append(rs)
        props_out.append(rb)
    clss_out = jnp.stack(clss_out, axis=0)
    props = jnp.stack(props_out, axis=0)
    bx0 = props[:, :, 0]
    by0 = props[:, :, 1]
    bx1 = bx0 + props[:, :, 2] - 1.0
    by1 = by0 + props[:, :, 3] - 1.0
    bboxes_out = jnp.stack([bx0, by0, bx1, by1], axis=2)
    return (clss_out, bboxes_out)

if __name__ == "__main__":
    import jax
    _d = setup_inputs()
    print(jax.jit(kernel)(*tuple(_d.values())))

</pallas_src>

<mosaic_0001>
#map = affine_map<(d0, d1) -> (0)>
module attributes {stable_mosaic.version = 14 : i64} {
  func.func @_nms_body(%arg0: i32, %arg1: i32, %arg2: memref<10240xf32, #tpu.memory_space<hbm>>, %arg3: memref<10240xf32, #tpu.memory_space<hbm>>, %arg4: memref<10240xf32, #tpu.memory_space<hbm>>, %arg5: memref<10240xf32, #tpu.memory_space<hbm>>, %arg6: memref<10240xf32, #tpu.memory_space<hbm>>, %arg7: memref<10240xf32, #tpu.memory_space<hbm>>, %arg8: memref<10240xf32, #tpu.memory_space<hbm>>, %arg9: memref<10240xf32, #tpu.memory_space<hbm>>, %arg10: memref<256xf32, #tpu.memory_space<hbm>>, %arg11: memref<1024xf32, #tpu.memory_space<hbm>>, %arg12: memref<320xf32, #tpu.memory_space<vmem>>, %arg13: memref<320xf32, #tpu.memory_space<vmem>>, %arg14: memref<320xf32, #tpu.memory_space<vmem>>, %arg15: memref<320xf32, #tpu.memory_space<vmem>>, %arg16: memref<320xf32, #tpu.memory_space<vmem>>, %arg17: memref<320xf32, #tpu.memory_space<vmem>>, %arg18: memref<5120xf32, #tpu.memory_space<vmem>>, %arg19: memref<5120xf32, #tpu.memory_space<vmem>>, %arg20: memref<5120xf32, #tpu.memory_space<vmem>>, %arg21: memref<5120xf32, #tpu.memory_space<vmem>>, %arg22: memref<128xf32, #tpu.memory_space<vmem>>, %arg23: memref<512xf32, #tpu.memory_space<vmem>>, %arg24: memref<32xf32, #tpu.memory_space<vmem>>, %arg25: memref<16x128xf32, #tpu.memory_space<vmem>>, %arg26: memref<2x16x128xf32, #tpu.memory_space<vmem_shared>>) attributes {dimension_semantics = [#tpu.dimension_semantics<core_parallel>, #tpu.dimension_semantics<subcore_parallel>], iteration_bounds = array<i64: 2, 16>, scalar_prefetch = 0 : i64, scratch_operands = 15 : i64, tpu.core_type = #tpu.core_type<sc_vector_subcore>, window_params = [{transform_indices = #map}, {transform_indices = #map}, {transform_indices = #map}, {transform_indices = #map}, {transform_indices = #map}, {transform_indices = #map}, {transform_indices = #map}, {transform_indices = #map}, {transform_indices = #map}, {transform_indices = #map}]} {
    %mul3A = arith.constant 320 : i32
    %mul3A_0 = arith.muli %arg1, %mul3A : i32
    %mul3A_1 = arith.constant 5120 : i32
    %mul3A_2 = arith.muli %arg0, %mul3A_1 : i32
    %add3A = arith.addi %mul3A_2, %mul3A_0 : i32
    "tpu.region"() ({
      %run_scoped3A = tpu.sem_alloc : memref<!tpu.dma_semaphore, #tpu.memory_space<semaphore_mem>>
      %dma_start3A = tpu.memref_slice %arg2[%add3A] : memref<10240xf32, #tpu.memory_space<hbm>> -> memref<320xf32, #tpu.memory_space<hbm>>
      %dma_start3A_287 = tpu.memref_slice %arg2[%add3A] : memref<10240xf32, #tpu.memory_space<hbm>> -> memref<320xf32, #tpu.memory_space<hbm>>
      tpu.enqueue_dma source(%dma_start3A_287 : memref<320xf32, #tpu.memory_space<hbm>>) target(%arg12 : memref<320xf32, #tpu.memory_space<vmem>>) target_semaphore(%run_scoped3A : memref<!tpu.dma_semaphore, #tpu.memory_space<semaphore_mem>>)
      %dma_wait3A = tpu.memref_slice %arg2[%add3A] : memref<10240xf32, #tpu.memory_space<hbm>> -> memref<320xf32, #tpu.memory_space<hbm>>
      %dma_wait3A_288 = tpu.memref_slice %arg2[%add3A] : memref<10240xf32, #tpu.memory_space<hbm>> -> memref<320xf32, #tpu.memory_space<hbm>>
      tpu.wait_dma2 semaphore(%run_scoped3A : memref<!tpu.dma_semaphore, #tpu.memory_space<semaphore_mem>>) src(%dma_wait3A_288 : memref<320xf32, #tpu.memory_space<hbm>>) dst(%arg12 : memref<320xf32, #tpu.memory_space<vmem>>)
      tpu.yield
    }) : () -> ()
    %add3A_3 = arith.addi %mul3A_2, %mul3A_0 : i32
    "tpu.region"() ({
      %run_scoped3A = tpu.sem_alloc : memref<!tpu.dma_semaphore, #tpu.memory_space<semaphore_mem>>
      %dma_start3A = tpu.memref_slice %arg3[%add3A_3] : memref<10240xf32, #tpu.memory_space<hbm>> -> memref<320xf32, #tpu.memory_space<hbm>>
      %dma_start3A_287 = tpu.memref_slice %arg3[%add3A_3] : memref<10240xf32, #tpu.memory_space<hbm>> -> memref<320xf32, #tpu.memory_space<hbm>>
      tpu.enqueue_dma source(%dma_start3A_287 : memref<320xf32, #tpu.memory_space<hbm>>) target(%arg13 : memref<320xf32, #tpu.memory_space<vmem>>) target_semaphore(%run_scoped3A : memref<!tpu.dma_semaphore, #tpu.memory_space<semaphore_mem>>)
      %dma_wait3A = tpu.memref_slice %arg3[%add3A_3] : memref<10240xf32, #tpu.memory_space<hbm>> -> memref<320xf32, #tpu.memory_space<hbm>>
      %dma_wait3A_288 = tpu.memref_slice %arg3[%add3A_3] : memref<10240xf32, #tpu.memory_space<hbm>> -> memref<320xf32, #tpu.memory_space<hbm>>
      tpu.wait_dma2 semaphore(%run_scoped3A : memref<!tpu.dma_semaphore, #tpu.memory_space<semaphore_mem>>) src(%dma_wait3A_288 : memref<320xf32, #tpu.memory_space<hbm>>) dst(%arg13 : memref<320xf32, #tpu.memory_space<vmem>>)
      tpu.yield
    }) : () -> ()
    %add3A_4 = arith.addi %mul3A_2, %mul3A_0 : i32
    "tpu.region"() ({
      %run_scoped3A = tpu.sem_alloc : memref<!tpu.dma_semaphore, #tpu.memory_space<semaphore_mem>>
      %dma_start3A = tpu.memref_slice %arg4[%add3A_4] : memref<10240xf32, #tpu.memory_space<hbm>> -> memref<320xf32, #tpu.memory_space<hbm>>
      %dma_start3A_287 = tpu.memref_slice %arg4[%add3A_4] : memref<10240xf32, #tpu.memory_space<hbm>> -> memref<320xf32, #tpu.memory_space<hbm>>
      tpu.enqueue_dma source(%dma_start3A_287 : memref<320xf32, #tpu.memory_space<hbm>>) target(%arg14 : memref<320xf32, #tpu.memory_space<vmem>>) target_semaphore(%run_scoped3A : memref<!tpu.dma_semaphore, #tpu.memory_space<semaphore_mem>>)
      %dma_wait3A = tpu.memref_slice %arg4[%add3A_4] : memref<10240xf32, #tpu.memory_space<hbm>> -> memref<320xf32, #tpu.memory_space<hbm>>
      %dma_wait3A_288 = tpu.memref_slice %arg4[%add3A_4] : memref<10240xf32, #tpu.memory_space<hbm>> -> memref<320xf32, #tpu.memory_space<hbm>>
      tpu.wait_dma2 semaphore(%run_scoped3A : memref<!tpu.dma_semaphore, #tpu.memory_space<semaphore_mem>>) src(%dma_wait3A_288 : memref<320xf32, #tpu.memory_space<hbm>>) dst(%arg14 : memref<320xf32, #tpu.memory_space<vmem>>)
      tpu.yield
    }) : () -> ()
    %add3A_5 = arith.addi %mul3A_2, %mul3A_0 : i32
    "tpu.region"() ({
      %run_scoped3A = tpu.sem_alloc : memref<!tpu.dma_semaphore, #tpu.memory_space<semaphore_mem>>
      %dma_start3A = tpu.memref_slice %arg7[%add3A_5] : memref<10240xf32, #tpu.memory_space<hbm>> -> memref<320xf32, #tpu.memory_space<hbm>>
      %dma_start3A_287 = tpu.memref_slice %arg7[%add3A_5] : memref<10240xf32, #tpu.memory_space<hbm>> -> memref<320xf32, #tpu.memory_space<hbm>>
      tpu.enqueue_dma source(%dma_start3A_287 : memref<320xf32, #tpu.memory_space<hbm>>) target(%arg15 : memref<320xf32, #tpu.memory_space<vmem>>) target_semaphore(%run_scoped3A : memref<!tpu.dma_semaphore, #tpu.memory_space<semaphore_mem>>)
      %dma_wait3A = tpu.memref_slice %arg7[%add3A_5] : memref<10240xf32, #tpu.memory_space<hbm>> -> memref<320xf32, #tpu.memory_space<hbm>>
      %dma_wait3A_288 = tpu.memref_slice %arg7[%add3A_5] : memref<10240xf32, #tpu.memory_space<hbm>> -> memref<320xf32, #tpu.memory_space<hbm>>
      tpu.wait_dma2 semaphore(%run_scoped3A : memref<!tpu.dma_semaphore, #tpu.memory_space<semaphore_mem>>) src(%dma_wait3A_288 : memref<320xf32, #tpu.memory_space<hbm>>) dst(%arg15 : memref<320xf32, #tpu.memory_space<vmem>>)
      tpu.yield
    }) : () -> ()
    %add3A_6 = arith.addi %mul3A_2, %mul3A_0 : i32
    "tpu.region"() ({
      %run_scoped3A = tpu.sem_alloc : memref<!tpu.dma_semaphore, #tpu.memory_space<semaphore_mem>>
      %dma_start3A = tpu.memref_slice %arg8[%add3A_6] : memref<10240xf32, #tpu.memory_space<hbm>> -> memref<320xf32, #tpu.memory_space<hbm>>
      %dma_start3A_287 = tpu.memref_slice %arg8[%add3A_6] : memref<10240xf32, #tpu.memory_space<hbm>> -> memref<320xf32, #tpu.memory_space<hbm>>
      tpu.enqueue_dma source(%dma_start3A_287 : memref<320xf32, #tpu.memory_space<hbm>>) target(%arg16 : memref<320xf32, #tpu.memory_space<vmem>>) target_semaphore(%run_scoped3A : memref<!tpu.dma_semaphore, #tpu.memory_space<semaphore_mem>>)
      %dma_wait3A = tpu.memref_slice %arg8[%add3A_6] : memref<10240xf32, #tpu.memory_space<hbm>> -> memref<320xf32, #tpu.memory_space<hbm>>
      %dma_wait3A_288 = tpu.memref_slice %arg8[%add3A_6] : memref<10240xf32, #tpu.memory_space<hbm>> -> memref<320xf32, #tpu.memory_space<hbm>>
      tpu.wait_dma2 semaphore(%run_scoped3A : memref<!tpu.dma_semaphore, #tpu.memory_space<semaphore_mem>>) src(%dma_wait3A_288 : memref<320xf32, #tpu.memory_space<hbm>>) dst(%arg16 : memref<320xf32, #tpu.memory_space<vmem>>)
      tpu.yield
    }) : () -> ()
    %add3A_7 = arith.addi %mul3A_2, %mul3A_0 : i32
    "tpu.region"() ({
      %run_scoped3A = tpu.sem_alloc : memref<!tpu.dma_semaphore, #tpu.memory_space<semaphore_mem>>
      %dma_start3A = tpu.memref_slice %arg9[%add3A_7] : memref<10240xf32, #tpu.memory_space<hbm>> -> memref<320xf32, #tpu.memory_space<hbm>>
      %dma_start3A_287 = tpu.memref_slice %arg9[%add3A_7] : memref<10240xf32, #tpu.memory_space<hbm>> -> memref<320xf32, #tpu.memory_space<hbm>>
      tpu.enqueue_dma source(%dma_start3A_287 : memref<320xf32, #tpu.memory_space<hbm>>) target(%arg17 : memref<320xf32, #tpu.memory_space<vmem>>) target_semaphore(%run_scoped3A : memref<!tpu.dma_semaphore, #tpu.memory_space<semaphore_mem>>)
      %dma_wait3A = tpu.memref_slice %arg9[%add3A_7] : memref<10240xf32, #tpu.memory_space<hbm>> -> memref<320xf32, #tpu.memory_space<hbm>>
      %dma_wait3A_288 = tpu.memref_slice %arg9[%add3A_7] : memref<10240xf32, #tpu.memory_space<hbm>> -> memref<320xf32, #tpu.memory_space<hbm>>
      tpu.wait_dma2 semaphore(%run_scoped3A : memref<!tpu.dma_semaphore, #tpu.memory_space<semaphore_mem>>) src(%dma_wait3A_288 : memref<320xf32, #tpu.memory_space<hbm>>) dst(%arg17 : memref<320xf32, #tpu.memory_space<vmem>>)
      tpu.yield
    }) : () -> ()
    "tpu.region"() ({
      %run_scoped3A = tpu.sem_alloc : memref<!tpu.dma_semaphore, #tpu.memory_space<semaphore_mem>>
      %dma_start3A = tpu.memref_slice %arg3[%mul3A_2] : memref<10240xf32, #tpu.memory_space<hbm>> -> memref<5120xf32, #tpu.memory_space<hbm>>
      %dma_start3A_287 = tpu.memref_slice %arg3[%mul3A_2] : memref<10240xf32, #tpu.memory_space<hbm>> -> memref<5120xf32, #tpu.memory_space<hbm>>
      tpu.enqueue_dma source(%dma_start3A_287 : memref<5120xf32, #tpu.memory_space<hbm>>) target(%arg18 : memref<5120xf32, #tpu.memory_space<vmem>>) target_semaphore(%run_scoped3A : memref<!tpu.dma_semaphore, #tpu.memory_space<semaphore_mem>>)
      %dma_wait3A = tpu.memref_slice %arg3[%mul3A_2] : memref<10240xf32, #tpu.memory_space<hbm>> -> memref<5120xf32, #tpu.memory_space<hbm>>
      %dma_wait3A_288 = tpu.memref_slice %arg3[%mul3A_2] : memref<10240xf32, #tpu.memory_space<hbm>> -> memref<5120xf32, #tpu.memory_space<hbm>>
      tpu.wait_dma2 semaphore(%run_scoped3A : memref<!tpu.dma_semaphore, #tpu.memory_space<semaphore_mem>>) src(%dma_wait3A_288 : memref<5120xf32, #tpu.memory_space<hbm>>) dst(%arg18 : memref<5120xf32, #tpu.memory_space<vmem>>)
      tpu.yield
    }) : () -> ()
    "tpu.region"() ({
      %run_scoped3A = tpu.sem_alloc : memref<!tpu.dma_semaphore, #tpu.memory_space<semaphore_mem>>
      %dma_start3A = tpu.memref_slice %arg4[%mul3A_2] : memref<10240xf32, #tpu.memory_space<hbm>> -> memref<5120xf32, #tpu.memory_space<hbm>>
      %dma_start3A_287 = tpu.memref_slice %arg4[%mul3A_2] : memref<10240xf32, #tpu.memory_space<hbm>> -> memref<5120xf32, #tpu.memory_space<hbm>>
      tpu.enqueue_dma source(%dma_start3A_287 : memref<5120xf32, #tpu.memory_space<hbm>>) target(%arg19 : memref<5120xf32, #tpu.memory_space<vmem>>) target_semaphore(%run_scoped3A : memref<!tpu.dma_semaphore, #tpu.memory_space<semaphore_mem>>)
      %dma_wait3A = tpu.memref_slice %arg4[%mul3A_2] : memref<10240xf32, #tpu.memory_space<hbm>> -> memref<5120xf32, #tpu.memory_space<hbm>>
      %dma_wait3A_288 = tpu.memref_slice %arg4[%mul3A_2] : memref<10240xf32, #tpu.memory_space<hbm>> -> memref<5120xf32, #tpu.memory_space<hbm>>
      tpu.wait_dma2 semaphore(%run_scoped3A : memref<!tpu.dma_semaphore, #tpu.memory_space<semaphore_mem>>) src(%dma_wait3A_288 : memref<5120xf32, #tpu.memory_space<hbm>>) dst(%arg19 : memref<5120xf32, #tpu.memory_space<vmem>>)
      tpu.yield
    }) : () -> ()
    "tpu.region"() ({
      %run_scoped3A = tpu.sem_alloc : memref<!tpu.dma_semaphore, #tpu.memory_space<semaphore_mem>>
      %dma_start3A = tpu.memref_slice %arg5[%mul3A_2] : memref<10240xf32, #tpu.memory_space<hbm>> -> memref<5120xf32, #tpu.memory_space<hbm>>
      %dma_start3A_287 = tpu.memref_slice %arg5[%mul3A_2] : memref<10240xf32, #tpu.memory_space<hbm>> -> memref<5120xf32, #tpu.memory_space<hbm>>
      tpu.enqueue_dma source(%dma_start3A_287 : memref<5120xf32, #tpu.memory_space<hbm>>) target(%arg20 : memref<5120xf32, #tpu.memory_space<vmem>>) target_semaphore(%run_scoped3A : memref<!tpu.dma_semaphore, #tpu.memory_space<semaphore_mem>>)
      %dma_wait3A = tpu.memref_slice %arg5[%mul3A_2] : memref<10240xf32, #tpu.memory_space<hbm>> -> memref<5120xf32, #tpu.memory_space<hbm>>
      %dma_wait3A_288 = tpu.memref_slice %arg5[%mul3A_2] : memref<10240xf32, #tpu.memory_space<hbm>> -> memref<5120xf32, #tpu.memory_space<hbm>>
      tpu.wait_dma2 semaphore(%run_scoped3A : memref<!tpu.dma_semaphore, #tpu.memory_space<semaphore_mem>>) src(%dma_wait3A_288 : memref<5120xf32, #tpu.memory_space<hbm>>) dst(%arg20 : memref<5120xf32, #tpu.memory_space<vmem>>)
      tpu.yield
    }) : () -> ()
    "tpu.region"() ({
      %run_scoped3A = tpu.sem_alloc : memref<!tpu.dma_semaphore, #tpu.memory_space<semaphore_mem>>
      %dma_start3A = tpu.memref_slice %arg6[%mul3A_2] : memref<10240xf32, #tpu.memory_space<hbm>> -> memref<5120xf32, #tpu.memory_space<hbm>>
      %dma_start3A_287 = tpu.memref_slice %arg6[%mul3A_2] : memref<10240xf32, #tpu.memory_space<hbm>> -> memref<5120xf32, #tpu.memory_space<hbm>>
      tpu.enqueue_dma source(%dma_start3A_287 : memref<5120xf32, #tpu.memory_space<hbm>>) target(%arg21 : memref<5120xf32, #tpu.memory_space<vmem>>) target_semaphore(%run_scoped3A : memref<!tpu.dma_semaphore, #tpu.memory_space<semaphore_mem>>)
      %dma_wait3A = tpu.memref_slice %arg6[%mul3A_2] : memref<10240xf32, #tpu.memory_space<hbm>> -> memref<5120xf32, #tpu.memory_space<hbm>>
      %dma_wait3A_288 = tpu.memref_slice %arg6[%mul3A_2] : memref<10240xf32, #tpu.memory_space<hbm>> -> memref<5120xf32, #tpu.memory_space<hbm>>
      tpu.wait_dma2 semaphore(%run_scoped3A : memref<!tpu.dma_semaphore, #tpu.memory_space<semaphore_mem>>) src(%dma_wait3A_288 : memref<5120xf32, #tpu.memory_space<hbm>>) dst(%arg21 : memref<5120xf32, #tpu.memory_space<vmem>>)
      tpu.yield
    }) : () -> ()
    %iota3A = tpu.iota {dimensions = array<i32: 0>} : vector<16xi32>
    %eq3A = arith.constant 0 : i32
    %eq3A_8 = vector.broadcast %eq3A : i32 to vector<16xi32>
    %eq3A_9 = arith.cmpi eq, %iota3A, %eq3A_8 : vector<16xi32>
    %broadcast_in_dim3A = arith.constant -1.000000e+00 : f32
    %broadcast_in_dim3A_10 = vector.broadcast %broadcast_in_dim3A : f32 to vector<16xf32>
    %get3A = arith.constant 0 : index
    %get3A_11 = tpu.vector_load %arg12[%get3A] {strides = array<i32>} : memref<320xf32, #tpu.memory_space<vmem>>, vector<16xf32>,
    %add3A_12 = vector.broadcast %mul3A_0 : i32 to vector<16xi32>
    %add3A_13 = arith.addi %iota3A, %add3A_12 : vector<16xi32>
    %get3A_14 = arith.constant 16 : index
    %get3A_15 = tpu.vector_load %arg12[%get3A_14] {strides = array<i32>} : memref<320xf32, #tpu.memory_space<vmem>>, vector<16xf32>,
    %gt3A = arith.cmpf ogt, %get3A_15, %get3A_11 : vector<16xf32>
    %select_n3A = arith.select %gt3A, %get3A_15, %get3A_11 : vector<16xi1>, vector<16xf32>
    %add3A_16 = arith.constant 16 : i32
    %add3A_17 = arith.addi %mul3A_0, %add3A_16 : i32
    %add3A_18 = vector.broadcast %add3A_17 : i32 to vector<16xi32>
    %add3A_19 = arith.addi %iota3A, %add3A_18 : vector<16xi32>
    %select_n3A_20 = arith.select %gt3A, %add3A_19, %add3A_13 : vector<16xi1>, vector<16xi32>
    %get3A_21 = arith.constant 32 : index
    %get3A_22 = tpu.vector_load %arg12[%get3A_21] {strides = array<i32>} : memref<320xf32, #tpu.memory_space<vmem>>, vector<16xf32>,
    %gt3A_23 = arith.cmpf ogt, %get3A_22, %select_n3A : vector<16xf32>
    %select_n3A_24 = arith.select %gt3A_23, %get3A_22, %select_n3A : vector<16xi1>, vector<16xf32>
    %add3A_25 = arith.constant 32 : i32
    %add3A_26 = arith.addi %mul3A_0, %add3A_25 : i32
    %add3A_27 = vector.broadcast %add3A_26 : i32 to vector<16xi32>
    %add3A_28 = arith.addi %iota3A, %add3A_27 : vector<16xi32>
    %select_n3A_29 = arith.select %gt3A_23, %add3A_28, %select_n3A_20 : vector<16xi1>, vector<16xi32>
    %get3A_30 = arith.constant 48 : index
    %get3A_31 = tpu.vector_load %arg12[%get3A_30] {strides = array<i32>} : memref<320xf32, #tpu.memory_space<vmem>>, vector<16xf32>,
    %gt3A_32 = arith.cmpf ogt, %get3A_31, %select_n3A_24 : vector<16xf32>
    %select_n3A_33 = arith.select %gt3A_32, %get3A_31, %select_n3A_24 : vector<16xi1>, vector<16xf32>
    %add3A_34 = arith.constant 48 : i32
    %add3A_35 = arith.addi %mul3A_0, %add3A_34 : i32
    %add3A_36 = vector.broadcast %add3A_35 : i32 to vector<16xi32>
    %add3A_37 = arith.addi %iota3A, %add3A_36 : vector<16xi32>
    %select_n3A_38 = arith.select %gt3A_32, %add3A_37, %select_n3A_29 : vector<16xi1>, vector<16xi32>
    %get3A_39 = arith.constant 64 : index
    %get3A_40 = tpu.vector_load %arg12[%get3A_39] {strides = array<i32>} : memref<320xf32, #tpu.memory_space<vmem>>, vector<16xf32>,
    %gt3A_41 = arith.cmpf ogt, %get3A_40, %select_n3A_33 : vector<16xf32>
    %select_n3A_42 = arith.select %gt3A_41, %get3A_40, %select_n3A_33 : vector<16xi1>, vector<16xf32>
    %add3A_43 = arith.constant 64 : i32
    %add3A_44 = arith.addi %mul3A_0, %add3A_43 : i32
    %add3A_45 = vector.broadcast %add3A_44 : i32 to vector<16xi32>
    %add3A_46 = arith.addi %iota3A, %add3A_45 : vector<16xi32>
    %select_n3A_47 = arith.select %gt3A_41, %add3A_46, %select_n3A_38 : vector<16xi1>, vector<16xi32>
    %get3A_48 = arith.constant 80 : index
    %get3A_49 = tpu.vector_load %arg12[%get3A_48] {strides = array<i32>} : memref<320xf32, #tpu.memory_space<vmem>>, vector<16xf32>,
    %gt3A_50 = arith.cmpf ogt, %get3A_49, %select_n3A_42 : vector<16xf32>
    %select_n3A_51 = arith.select %gt3A_50, %get3A_49, %select_n3A_42 : vector<16xi1>, vector<16xf32>
    %add3A_52 = arith.constant 80 : i32
    %add3A_53 = arith.addi %mul3A_0, %add3A_52 : i32
    %add3A_54 = vector.broadcast %add3A_53 : i32 to vector<16xi32>
    %add3A_55 = arith.addi %iota3A, %add3A_54 : vector<16xi32>
    %select_n3A_56 = arith.select %gt3A_50, %add3A_55, %select_n3A_47 : vector<16xi1>, vector<16xi32>
    %get3A_57 = arith.constant 96 : index
    %get3A_58 = tpu.vector_load %arg12[%get3A_57] {strides = array<i32>} : memref<320xf32, #tpu.memory_space<vmem>>, vector<16xf32>,
    %gt3A_59 = arith.cmpf ogt, %get3A_58, %select_n3A_51 : vector<16xf32>
    %select_n3A_60 = arith.select %gt3A_59, %get3A_58, %select_n3A_51 : vector<16xi1>, vector<16xf32>
    %add3A_61 = arith.constant 96 : i32
    %add3A_62 = arith.addi %mul3A_0, %add3A_61 : i32
    %add3A_63 = vector.broadcast %add3A_62 : i32 to vector<16xi32>
    %add3A_64 = arith.addi %iota3A, %add3A_63 : vector<16xi32>
    %select_n3A_65 = arith.select %gt3A_59, %add3A_64, %select_n3A_56 : vector<16xi1>, vector<16xi32>
    %get3A_66 = arith.constant 112 : index
    %get3A_67 = tpu.vector_load %arg12[%get3A_66] {strides = array<i32>} : memref<320xf32, #tpu.memory_space<vmem>>, vector<16xf32>,
    %gt3A_68 = arith.cmpf ogt, %get3A_67, %select_n3A_60 : vector<16xf32>
    %select_n3A_69 = arith.select %gt3A_68, %get3A_67, %select_n3A_60 : vector<16xi1>, vector<16xf32>
    %add3A_70 = arith.constant 112 : i32
    %add3A_71 = arith.addi %mul3A_0, %add3A_70 : i32
    %add3A_72 = vector.broadcast %add3A_71 : i32 to vector<16xi32>
    %add3A_73 = arith.addi %iota3A, %add3A_72 : vector<16xi32>
    %select_n3A_74 = arith.select %gt3A_68, %add3A_73, %select_n3A_65 : vector<16xi1>, vector<16xi32>
    %get3A_75 = arith.constant 128 : index
    %get3A_76 = tpu.vector_load %arg12[%get3A_75] {strides = array<i32>} : memref<320xf32, #tpu.memory_space<vmem>>, vector<16xf32>,
    %gt3A_77 = arith.cmpf ogt, %get3A_76, %select_n3A_69 : vector<16xf32>
    %select_n3A_78 = arith.select %gt3A_77, %get3A_76, %select_n3A_69 : vector<16xi1>, vector<16xf32>
    %add3A_79 = arith.constant 128 : i32
    %add3A_80 = arith.addi %mul3A_0, %add3A_79 : i32
    %add3A_81 = vector.broadcast %add3A_80 : i32 to vector<16xi32>
    %add3A_82 = arith.addi %iota3A, %add3A_81 : vector<16xi32>
    %select_n3A_83 = arith.select %gt3A_77, %add3A_82, %select_n3A_74 : vector<16xi1>, vector<16xi32>
    %get3A_84 = arith.constant 144 : index
    %get3A_85 = tpu.vector_load %arg12[%get3A_84] {strides = array<i32>} : memref<320xf32, #tpu.memory_space<vmem>>, vector<16xf32>,
    %gt3A_86 = arith.cmpf ogt, %get3A_85, %select_n3A_78 : vector<16xf32>
    %select_n3A_87 = arith.select %gt3A_86, %get3A_85, %select_n3A_78 : vector<16xi1>, vector<16xf32>
    %add3A_88 = arith.constant 144 : i32
    %add3A_89 = arith.addi %mul3A_0, %add3A_88 : i32
    %add3A_90 = vector.broadcast %add3A_89 : i32 to vector<16xi32>
    %add3A_91 = arith.addi %iota3A, %add3A_90 : vector<16xi32>
    %select_n3A_92 = arith.select %gt3A_86, %add3A_91, %select_n3A_83 : vector<16xi1>, vector<16xi32>
    %get3A_93 = arith.constant 160 : index
    %get3A_94 = tpu.vector_load %arg12[%get3A_93] {strides = array<i32>} : memref<320xf32, #tpu.memory_space<vmem>>, vector<16xf32>,
    %gt3A_95 = arith.cmpf ogt, %get3A_94, %select_n3A_87 : vector<16xf32>
    %select_n3A_96 = arith.select %gt3A_95, %get3A_94, %select_n3A_87 : vector<16xi1>, vector<16xf32>
    %add3A_97 = arith.constant 160 : i32
    %add3A_98 = arith.addi %mul3A_0, %add3A_97 : i32
    %add3A_99 = vector.broadcast %add3A_98 : i32 to vector<16xi32>
    %add3A_100 = arith.addi %iota3A, %add3A_99 : vector<16xi32>
    %select_n3A_101 = arith.select %gt3A_95, %add3A_100, %select_n3A_92 : vector<16xi1>, vector<16xi32>
    %get3A_102 = arith.constant 176 : index
    %get3A_103 = tpu.vector_load %arg12[%get3A_102] {strides = array<i32>} : memref<320xf32, #tpu.memory_space<vmem>>, vector<16xf32>,
    %gt3A_104 = arith.cmpf ogt, %get3A_103, %select_n3A_96 : vector<16xf32>
    %select_n3A_105 = arith.select %gt3A_104, %get3A_103, %select_n3A_96 : vector<16xi1>, vector<16xf32>
    %add3A_106 = arith.constant 176 : i32
    %add3A_107 = arith.addi %mul3A_0, %add3A_106 : i32
    %add3A_108 = vector.broadcast %add3A_107 : i32 to vector<16xi32>
    %add3A_109 = arith.addi %iota3A, %add3A_108 : vector<16xi32>
    %select_n3A_110 = arith.select %gt3A_104, %add3A_109, %select_n3A_101 : vector<16xi1>, vector<16xi32>
    %get3A_111 = arith.constant 192 : index
    %get3A_112 = tpu.vector_load %arg12[%get3A_111] {strides = array<i32>} : memref<320xf32, #tpu.memory_space<vmem>>, vector<16xf32>,
    %gt3A_113 = arith.cmpf ogt, %get3A_112, %select_n3A_105 : vector<16xf32>
    %select_n3A_114 = arith.select %gt3A_113, %get3A_112, %select_n3A_105 : vector<16xi1>, vector<16xf32>
    %add3A_115 = arith.constant 192 : i32
    %add3A_116 = arith.addi %mul3A_0, %add3A_115 : i32
    %add3A_117 = vector.broadcast %add3A_116 : i32 to vector<16xi32>
    %add3A_118 = arith.addi %iota3A, %add3A_117 : vector<16xi32>
    %select_n3A_119 = arith.select %gt3A_113, %add3A_118, %select_n3A_110 : vector<16xi1>, vector<16xi32>
    %get3A_120 = arith.constant 208 : index
    %get3A_121 = tpu.vector_load %arg12[%get3A_120] {strides = array<i32>} : memref<320xf32, #tpu.memory_space<vmem>>, vector<16xf32>,
    %gt3A_122 = arith.cmpf ogt, %get3A_121, %select_n3A_114 : vector<16xf32>
    %select_n3A_123 = arith.select %gt3A_122, %get3A_121, %select_n3A_114 : vector<16xi1>, vector<16xf32>
    %add3A_124 = arith.constant 208 : i32
    %add3A_125 = arith.addi %mul3A_0, %add3A_124 : i32
    %add3A_126 = vector.broadcast %add3A_125 : i32 to vector<16xi32>
    %add3A_127 = arith.addi %iota3A, %add3A_126 : vector<16xi32>
    %select_n3A_128 = arith.select %gt3A_122, %add3A_127, %select_n3A_119 : vector<16xi1>, vector<16xi32>
    %get3A_129 = arith.constant 224 : index
    %get3A_130 = tpu.vector_load %arg12[%get3A_129] {strides = array<i32>} : memref<320xf32, #tpu.memory_space<vmem>>, vector<16xf32>,
    %gt3A_131 = arith.cmpf ogt, %get3A_130, %select_n3A_123 : vector<16xf32>
    %select_n3A_132 = arith.select %gt3A_131, %get3A_130, %select_n3A_123 : vector<16xi1>, vector<16xf32>
    %add3A_133 = arith.constant 224 : i32
    %add3A_134 = arith.addi %mul3A_0, %add3A_133 : i32
    %add3A_135 = vector.broadcast %add3A_134 : i32 to vector<16xi32>
    %add3A_136 = arith.addi %iota3A, %add3A_135 : vector<16xi32>
    %select_n3A_137 = arith.select %gt3A_131, %add3A_136, %select_n3A_128 : vector<16xi1>, vector<16xi32>
    %get3A_138 = arith.constant 240 : index
    %get3A_139 = tpu.vector_load %arg12[%get3A_138] {strides = array<i32>} : memref<320xf32, #tpu.memory_space<vmem>>, vector<16xf32>,
    %gt3A_140 = arith.cmpf ogt, %get3A_139, %select_n3A_132 : vector<16xf32>
    %select_n3A_141 = arith.select %gt3A_140, %get3A_139, %select_n3A_132 : vector<16xi1>, vector<16xf32>
    %add3A_142 = arith.constant 240 : i32
    %add3A_143 = arith.addi %mul3A_0, %add3A_142 : i32
    %add3A_144 = vector.broadcast %add3A_143 : i32 to vector<16xi32>
    %add3A_145 = arith.addi %iota3A, %add3A_144 : vector<16xi32>
    %select_n3A_146 = arith.select %gt3A_140, %add3A_145, %select_n3A_137 : vector<16xi1>, vector<16xi32>
    %get3A_147 = arith.constant 256 : index
    %get3A_148 = tpu.vector_load %arg12[%get3A_147] {strides = array<i32>} : memref<320xf32, #tpu.memory_space<vmem>>, vector<16xf32>,
    %gt3A_149 = arith.cmpf ogt, %get3A_148, %select_n3A_141 : vector<16xf32>
    %select_n3A_150 = arith.select %gt3A_149, %get3A_148, %select_n3A_141 : vector<16xi1>, vector<16xf32>
    %add3A_151 = arith.constant 256 : i32
    %add3A_152 = arith.addi %mul3A_0, %add3A_151 : i32
    %add3A_153 = vector.broadcast %add3A_152 : i32 to vector<16xi32>
    %add3A_154 = arith.addi %iota3A, %add3A_153 : vector<16xi32>
    %select_n3A_155 = arith.select %gt3A_149, %add3A_154, %select_n3A_146 : vector<16xi1>, vector<16xi32>
    %get3A_156 = arith.constant 272 : index
    %get3A_157 = tpu.vector_load %arg12[%get3A_156] {strides = array<i32>} : memref<320xf32, #tpu.memory_space<vmem>>, vector<16xf32>,
    %gt3A_158 = arith.cmpf ogt, %get3A_157, %select_n3A_150 : vector<16xf32>
    %select_n3A_159 = arith.select %gt3A_158, %get3A_157, %select_n3A_150 : vector<16xi1>, vector<16xf32>
    %add3A_160 = arith.constant 272 : i32
    %add3A_161 = arith.addi %mul3A_0, %add3A_160 : i32
    %add3A_162 = vector.broadcast %add3A_161 : i32 to vector<16xi32>
    %add3A_163 = arith.addi %iota3A, %add3A_162 : vector<16xi32>
    %select_n3A_164 = arith.select %gt3A_158, %add3A_163, %select_n3A_155 : vector<16xi1>, vector<16xi32>
    %get3A_165 = arith.constant 288 : index
    %get3A_166 = tpu.vector_load %arg12[%get3A_165] {strides = array<i32>} : memref<320xf32, #tpu.memory_space<vmem>>, vector<16xf32>,
    %gt3A_167 = arith.cmpf ogt, %get3A_166, %select_n3A_159 : vector<16xf32>
    %select_n3A_168 = arith.select %gt3A_167, %get3A_166, %select_n3A_159 : vector<16xi1>, vector<16xf32>
    %add3A_169 = arith.constant 288 : i32
    %add3A_170 = arith.addi %mul3A_0, %add3A_169 : i32
    %add3A_171 = vector.broadcast %add3A_170 : i32 to vector<16xi32>
    %add3A_172 = arith.addi %iota3A, %add3A_171 : vector<16xi32>
    %select_n3A_173 = arith.select %gt3A_167, %add3A_172, %select_n3A_164 : vector<16xi1>, vector<16xi32>
    %get3A_174 = arith.constant 304 : index
    %get3A_175 = tpu.vector_load %arg12[%get3A_174] {strides = array<i32>} : memref<320xf32, #tpu.memory_space<vmem>>, vector<16xf32>,
    %gt3A_176 = arith.cmpf ogt, %get3A_175, %select_n3A_168 : vector<16xf32>
    %select_n3A_177 = arith.select %gt3A_176, %get3A_175, %select_n3A_168 : vector<16xi1>, vector<16xf32>
    %add3A_178 = arith.constant 304 : i32
    %add3A_179 = arith.addi %mul3A_0, %add3A_178 : i32
    %add3A_180 = vector.broadcast %add3A_179 : i32 to vector<16xi32>
    %add3A_181 = arith.addi %iota3A, %add3A_180 : vector<16xi32>
    %select_n3A_182 = arith.select %gt3A_176, %add3A_181, %select_n3A_173 : vector<16xi1>, vector<16xi32>
    %add3A_183 = arith.constant 1 : i32
    %add3A_184 = vector.broadcast %add3A_183 : i32 to vector<16xi32>
    %add3A_185 = arith.addi %iota3A, %add3A_184 : vector<16xi32>
    %and3A = arith.constant 15 : i32
    %and3A_186 = vector.broadcast %and3A : i32 to vector<16xi32>
    %and3A_187 = arith.andi %add3A_185, %and3A_186 : vector<16xi32>
    %broadcast_in_dim3A_188 = vector.shape_cast %and3A_187 : vector<16xi32> to vector<16x1xi32>
    %gather3A = vector.shape_cast %broadcast_in_dim3A_188 : vector<16x1xi32> to vector<16xi32>
    %gather3A_189 = tpu.dynamic_gather %select_n3A_177[%gather3A] in [0] : vector<16xf32>, vector<16xi32> -> vector<16xf32>
    %add3A_190 = arith.constant 1 : i32
    %add3A_191 = vector.broadcast %add3A_190 : i32 to vector<16xi32>
    %add3A_192 = arith.addi %iota3A, %add3A_191 : vector<16xi32>
    %and3A_193 = arith.constant 15 : i32
    %and3A_194 = vector.broadcast %and3A_193 : i32 to vector<16xi32>
    %and3A_195 = arith.andi %add3A_192, %and3A_194 : vector<16xi32>
    %broadcast_in_dim3A_196 = vector.shape_cast %and3A_195 : vector<16xi32> to vector<16x1xi32>
    %gather3A_197 = vector.shape_cast %broadcast_in_dim3A_196 : vector<16x1xi32> to vector<16xi32>
    %gather3A_198 = tpu.dynamic_gather %select_n3A_182[%gather3A_197] in [0] : vector<16xi32>, vector<16xi32> -> vector<16xi32>
    %gt3A_199 = arith.cmpf ogt, %gather3A_189, %select_n3A_177 : vector<16xf32>
    %eq3A_200 = arith.cmpf oeq, %gather3A_189, %select_n3A_177 : vector<16xf32>
    %lt3A = arith.cmpi slt, %gather3A_198, %select_n3A_182 : vector<16xi32>
    %and3A_201 = arith.andi %eq3A_200, %lt3A : vector<16xi1>
    %or3A = arith.ori %gt3A_199, %and3A_201 : vector<16xi1>
    %select_n3A_202 = arith.select %or3A, %gather3A_189, %select_n3A_177 : vector<16xi1>, vector<16xf32>
    %select_n3A_203 = arith.select %or3A, %gather3A_198, %select_n3A_182 : vector<16xi1>, vector<16xi32>
    %add3A_204 = arith.constant 2 : i32
    %add3A_205 = vector.broadcast %add3A_204 : i32 to vector<16xi32>
    %add3A_206 = arith.addi %iota3A, %add3A_205 : vector<16xi32>
    %and3A_207 = arith.constant 15 : i32
    %and3A_208 = vector.broadcast %and3A_207 : i32 to vector<16xi32>
    %and3A_209 = arith.andi %add3A_206, %and3A_208 : vector<16xi32>
    %broadcast_in_dim3A_210 = vector.shape_cast %and3A_209 : vector<16xi32> to vector<16x1xi32>
    %gather3A_211 = vector.shape_cast %broadcast_in_dim3A_210 : vector<16x1xi32> to vector<16xi32>
    %gather3A_212 = tpu.dynamic_gather %select_n3A_202[%gather3A_211] in [0] : vector<16xf32>, vector<16xi32> -> vector<16xf32>
    %add3A_213 = arith.constant 2 : i32
    %add3A_214 = vector.broadcast %add3A_213 : i32 to vector<16xi32>
    %add3A_215 = arith.addi %iota3A, %add3A_214 : vector<16xi32>
    %and3A_216 = arith.constant 15 : i32
    %and3A_217 = vector.broadcast %and3A_216 : i32 to vector<16xi32>
    %and3A_218 = arith.andi %add3A_215, %and3A_217 : vector<16xi32>
    %broadcast_in_dim3A_219 = vector.shape_cast %and3A_218 : vector<16xi32> to vector<16x1xi32>
    %gather3A_220 = vector.shape_cast %broadcast_in_dim3A_219 : vector<16x1xi32> to vector<16xi32>
    %gather3A_221 = tpu.dynamic_gather %select_n3A_203[%gather3A_220] in [0] : vector<16xi32>, vector<16xi32> -> vector<16xi32>
    %gt3A_222 = arith.cmpf ogt, %gather3A_212, %select_n3A_202 : vector<16xf32>
    %eq3A_223 = arith.cmpf oeq, %gather3A_212, %select_n3A_202 : vector<16xf32>
    %lt3A_224 = arith.cmpi slt, %gather3A_221, %select_n3A_203 : vector<16xi32>
    %and3A_225 = arith.andi %eq3A_223, %lt3A_224 : vector<16xi1>
    %or3A_226 = arith.ori %gt3A_222, %and3A_225 : vector<16xi1>
    %select_n3A_227 = arith.select %or3A_226, %gather3A_212, %select_n3A_202 : vector<16xi1>, vector<16xf32>
    %select_n3A_228 = arith.select %or3A_226, %gather3A_221, %select_n3A_203 : vector<16xi1>, vector<16xi32>
    %add3A_229 = arith.constant 4 : i32
    %add3A_230 = vector.broadcast %add3A_229 : i32 to vector<16xi32>
    %add3A_231 = arith.addi %iota3A, %add3A_230 : vector<16xi32>
    %and3A_232 = arith.constant 15 : i32
    %and3A_233 = vector.broadcast %and3A_232 : i32 to vector<16xi32>
    %and3A_234 = arith.andi %add3A_231, %and3A_233 : vector<16xi32>
    %broadcast_in_dim3A_235 = vector.shape_cast %and3A_234 : vector<16xi32> to vector<16x1xi32>
    %gather3A_236 = vector.shape_cast %broadcast_in_dim3A_235 : vector<16x1xi32> to vector<16xi32>
    %gather3A_237 = tpu.dynamic_gather %select_n3A_227[%gather3A_236] in [0] : vector<16xf32>, vector<16xi32> -> vector<16xf32>
    %add3A_238 = arith.constant 4 : i32
    %add3A_239 = vector.broadcast %add3A_238 : i32 to vector<16xi32>
    %add3A_240 = arith.addi %iota3A, %add3A_239 : vector<16xi32>
    %and3A_241 = arith.constant 15 : i32
    %and3A_242 = vector.broadcast %and3A_241 : i32 to vector<16xi32>
    %and3A_243 = arith.andi %add3A_240, %and3A_242 : vector<16xi32>
    %broadcast_in_dim3A_244 = vector.shape_cast %and3A_243 : vector<16xi32> to vector<16x1xi32>
    %gather3A_245 = vector.shape_cast %broadcast_in_dim3A_244 : vector<16x1xi32> to vector<16xi32>
    %gather3A_246 = tpu.dynamic_gather %select_n3A_228[%gather3A_245] in [0] : vector<16xi32>, vector<16xi32> -> vector<16xi32>
    %gt3A_247 = arith.cmpf ogt, %gather3A_237, %select_n3A_227 : vector<16xf32>
    %eq3A_248 = arith.cmpf oeq, %gather3A_237, %select_n3A_227 : vector<16xf32>
    %lt3A_249 = arith.cmpi slt, %gather3A_246, %select_n3A_228 : vector<16xi32>
    %and3A_250 = arith.andi %eq3A_248, %lt3A_249 : vector<16xi1>
    %or3A_251 = arith.ori %gt3A_247, %and3A_250 : vector<16xi1>
    %select_n3A_252 = arith.select %or3A_251, %gather3A_237, %select_n3A_227 : vector<16xi1>, vector<16xf32>
    %select_n3A_253 = arith.select %or3A_251, %gather3A_246, %select_n3A_228 : vector<16xi1>, vector<16xi32>
    %add3A_254 = arith.constant 8 : i32
    %add3A_255 = vector.broadcast %add3A_254 : i32 to vector<16xi32>
    %add3A_256 = arith.addi %iota3A, %add3A_255 : vector<16xi32>
    %and3A_257 = arith.constant 15 : i32
    %and3A_258 = vector.broadcast %and3A_257 : i32 to vector<16xi32>
    %and3A_259 = arith.andi %add3A_256, %and3A_258 : vector<16xi32>
    %broadcast_in_dim3A_260 = vector.shape_cast %and3A_259 : vector<16xi32> to vector<16x1xi32>
    %gather3A_261 = vector.shape_cast %broadcast_in_dim3A_260 : vector<16x1xi32> to vector<16xi32>
    %gather3A_262 = tpu.dynamic_gather %select_n3A_252[%gather3A_261] in [0] : vector<16xf32>, vector<16xi32> -> vector<16xf32>
    %add3A_263 = arith.constant 8 : i32
    %add3A_264 = vector.broadcast %add3A_263 : i32 to vector<16xi32>
    %add3A_265 = arith.addi %iota3A, %add3A_264 : vector<16xi32>
    %and3A_266 = arith.constant 15 : i32
    %and3A_267 = vector.broadcast %and3A_266 : i32 to vector<16xi32>
    %and3A_268 = arith.andi %add3A_265, %and3A_267 : vector<16xi32>
    %broadcast_in_dim3A_269 = vector.shape_cast %and3A_268 : vector<16xi32> to vector<16x1xi32>
    %gather3A_270 = vector.shape_cast %broadcast_in_dim3A_269 : vector<16x1xi32> to vector<16xi32>
    %gather3A_271 = tpu.dynamic_gather %select_n3A_253[%gather3A_270] in [0] : vector<16xi32>, vector<16xi32> -> vector<16xi32>
    %gt3A_272 = arith.cmpf ogt, %gather3A_262, %select_n3A_252 : vector<16xf32>
    %eq3A_273 = arith.cmpf oeq, %gather3A_262, %select_n3A_252 : vector<16xf32>
    %lt3A_274 = arith.cmpi slt, %gather3A_271, %select_n3A_253 : vector<16xi32>
    %and3A_275 = arith.andi %eq3A_273, %lt3A_274 : vector<16xi1>
    %or3A_276 = arith.ori %gt3A_272, %and3A_275 : vector<16xi1>
    %select_n3A_277 = arith.select %or3A_276, %gather3A_262, %select_n3A_252 : vector<16xi1>, vector<16xf32>
    %select_n3A_278 = arith.select %or3A_276, %gather3A_271, %select_n3A_253 : vector<16xi1>, vector<16xi32>
    %scan3A = arith.constant 0 : i32
    %scan3A_279 = arith.constant 100 : i32
    %scan3A_280 = arith.addi %scan3A, %scan3A_279 : i32
    %scan3A_281 = arith.constant 1 : i32
    %scan3A_282:2 = scf.for %scan3A_287 = %scan3A to %scan3A_280 step %scan3A_281 iter_args(%scan3A_288 = %select_n3A_277, %scan3A_289 = %select_n3A_278) -> (vector<16xf32>, vector<16xi32>)  : i32 {
      %and3A_290 = arith.constant 1 : i32
      %and3A_291 = arith.andi %scan3A_287, %and3A_290 : i32
      %swap3A = arith.constant 0 : index
      %swap3A_292 = tpu.vector_load %arg24[%swap3A] {strides = array<i32>} : memref<32xf32, #tpu.memory_space<vmem>>, vector<16xf32>,
      tpu.vector_store %arg24[%swap3A], %scan3A_288 {strides = array<i32>} : memref<32xf32, #tpu.memory_space<vmem>>, vector<16xf32>,
      %bitcast3A = vector.bitcast %scan3A_289 : vector<16xi32> to vector<16xf32>
      %swap3A_293 = arith.constant 16 : index
      %swap3A_294 = tpu.vector_load %arg24[%swap3A_293] {strides = array<i32>} : memref<32xf32, #tpu.memory_space<vmem>>, vector<16xf32>,
      tpu.vector_store %arg24[%swap3A_293], %bitcast3A {strides = array<i32>} : memref<32xf32, #tpu.memory_space<vmem>>, vector<16xf32>,
      "tpu.region"() ({
        %run_scoped3A = tpu.sem_alloc : memref<!tpu.dma_semaphore, #tpu.memory_space<semaphore_mem>>
        %dma_start3A = arith.constant 0 : i32
        %dma_start3A_1696 = tpu.memref_slice %arg26[%and3A_291, %arg1, %dma_start3A] : memref<2x16x128xf32, #tpu.memory_space<vmem_shared>> -> memref<1x1x32xf32, #tpu.memory_space<vmem_shared>>
        %dma_start3A_1697 = tpu.memref_squeeze %dma_start3A_1696 : memref<1x1x32xf32, #tpu.memory_space<vmem_shared>> -> memref<32xf32, #tpu.memory_space<vmem_shared>>
        %dma_start3A_1698 = arith.constant 0 : i32
        %dma_start3A_1699 = tpu.memref_slice %arg26[%and3A_291, %arg1, %dma_start3A_1698] : memref<2x16x128xf32, #tpu.memory_space<vmem_shared>> -> memref<1x1x32xf32, #tpu.memory_space<vmem_shared>>
        %dma_start3A_1700 = tpu.memref_squeeze %dma_start3A_1699 : memref<1x1x32xf32, #tpu.memory_space<vmem_shared>> -> memref<32xf32, #tpu.memory_space<vmem_shared>>
        tpu.enqueue_dma source(%arg24 : memref<32xf32, #tpu.memory_space<vmem>>) target(%dma_start3A_1700 : memref<32xf32, #tpu.memory_space<vmem_shared>>) target_semaphore(%run_scoped3A : memref<!tpu.dma_semaphore, #tpu.memory_space<semaphore_mem>>)
        %dma_wait3A = arith.constant 0 : i32
        %dma_wait3A_1701 = tpu.memref_slice %arg26[%and3A_291, %arg1, %dma_wait3A] : memref<2x16x128xf32, #tpu.memory_space<vmem_shared>> -> memref<1x1x32xf32, #tpu.memory_space<vmem_shared>>
        %dma_wait3A_1702 = tpu.memref_squeeze %dma_wait3A_1701 : memref<1x1x32xf32, #tpu.memory_space<vmem_shared>> -> memref<32xf32, #tpu.memory_space<vmem_shared>>
        %dma_wait3A_1703 = arith.constant 0 : i32
        %dma_wait3A_1704 = tpu.memref_slice %arg26[%and3A_291, %arg1, %dma_wait3A_1703] : memref<2x16x128xf32, #tpu.memory_space<vmem_shared>> -> memref<1x1x32xf32, #tpu.memory_space<vmem_shared>>
        %dma_wait3A_1705 = tpu.memref_squeeze %dma_wait3A_1704 : memref<1x1x32xf32, #tpu.memory_space<vmem_shared>> -> memref<32xf32, #tpu.memory_space<vmem_shared>>
        tpu.wait_dma2 semaphore(%run_scoped3A : memref<!tpu.dma_semaphore, #tpu.memory_space<semaphore_mem>>) src(%arg24 : memref<32xf32, #tpu.memory_space<vmem>>) dst(%dma_wait3A_1705 : memref<32xf32, #tpu.memory_space<vmem_shared>>)
        tpu.yield
      }) : () -> ()
      %barrier3A = arith.constant 0 : index
      tpu.barrier barrier_id(%barrier3A)
      "tpu.region"() ({
        %run_scoped3A = tpu.sem_alloc : memref<!tpu.dma_semaphore, #tpu.memory_space<semaphore_mem>>
        %dma_start3A = arith.constant 0 : i32
        %dma_start3A_1696 = arith.constant 0 : i32
        %dma_start3A_1697 = tpu.memref_slice %arg26[%and3A_291, %dma_start3A, %dma_start3A_1696] : memref<2x16x128xf32, #tpu.memory_space<vmem_shared>> -> memref<1x16x128xf32, #tpu.memory_space<vmem_shared>>
        %dma_start3A_1698 = tpu.memref_squeeze %dma_start3A_1697 : memref<1x16x128xf32, #tpu.memory_space<vmem_shared>> -> memref<16x128xf32, #tpu.memory_space<vmem_shared>>
        %dma_start3A_1699 = arith.constant 0 : i32
        %dma_start3A_1700 = arith.constant 0 : i32
        %dma_start3A_1701 = tpu.memref_slice %arg26[%and3A_291, %dma_start3A_1699, %dma_start3A_1700] : memref<2x16x128xf32, #tpu.memory_space<vmem_shared>> -> memref<1x16x128xf32, #tpu.memory_space<vmem_shared>>
        %dma_start3A_1702 = tpu.memref_squeeze %dma_start3A_1701 : memref<1x16x128xf32, #tpu.memory_space<vmem_shared>> -> memref<16x128xf32, #tpu.memory_space<vmem_shared>>
        tpu.enqueue_dma source(%dma_start3A_1702 : memref<16x128xf32, #tpu.memory_space<vmem_shared>>) target(%arg25 : memref<16x128xf32, #tpu.memory_space<vmem>>) target_semaphore(%run_scoped3A : memref<!tpu.dma_semaphore, #tpu.memory_space<semaphore_mem>>)
        %dma_wait3A = arith.constant 0 : i32
        %dma_wait3A_1703 = arith.constant 0 : i32
        %dma_wait3A_1704 = tpu.memref_slice %arg26[%and3A_291, %dma_wait3A, %dma_wait3A_1703] : memref<2x16x128xf32, #tpu.memory_space<vmem_shared>> -> memref<1x16x128xf32, #tpu.memory_space<vmem_shared>>
        %dma_wait3A_1705 = tpu.memref_squeeze %dma_wait3A_1704 : memref<1x16x128xf32, #tpu.memory_space<vmem_shared>> -> memref<16x128xf32, #tpu.memory_space<vmem_shared>>
        %dma_wait3A_1706 = arith.constant 0 : i32
        %dma_wait3A_1707 = arith.constant 0 : i32
        %dma_wait3A_1708 = tpu.memref_slice %arg26[%and3A_291, %dma_wait3A_1706, %dma_wait3A_1707] : memref<2x16x128xf32, #tpu.memory_space<vmem_shared>> -> memref<1x16x128xf32, #tpu.memory_space<vmem_shared>>
        %dma_wait3A_1709 = tpu.memref_squeeze %dma_wait3A_1708 : memref<1x16x128xf32, #tpu.memory_space<vmem_shared>> -> memref<16x128xf32, #tpu.memory_space<vmem_shared>>
        tpu.wait_dma2 semaphore(%run_scoped3A : memref<!tpu.dma_semaphore, #tpu.memory_space<semaphore_mem>>) src(%dma_wait3A_1709 : memref<16x128xf32, #tpu.memory_space<vmem_shared>>) dst(%arg25 : memref<16x128xf32, #tpu.memory_space<vmem>>)
        tpu.yield
      }) : () -> ()
      %get3A_295 = arith.constant 0 : i32
      %get3A_296 = arith.index_cast %get3A_295 : i32 to index
      %get3A_297 = arith.constant 0 : index
      %get3A_298 = tpu.vector_load %arg25[%get3A_296, %get3A_297] {strides = array<i32>} : memref<16x128xf32, #tpu.memory_space<vmem>>, vector<16xf32>,
      %get3A_299 = arith.constant 0 : i32
      %get3A_300 = arith.index_cast %get3A_299 : i32 to index
      %get3A_301 = arith.constant 16 : index
      %get3A_302 = tpu.vector_load %arg25[%get3A_300, %get3A_301] {strides = array<i32>} : memref<16x128xf32, #tpu.memory_space<vmem>>, vector<16xf32>,
      %bitcast3A_303 = vector.bitcast %get3A_302 : vector<16xf32> to vector<16xi32>
      %get3A_304 = arith.constant 1 : i32
      %get3A_305 = arith.index_cast %get3A_304 : i32 to index
      %get3A_306 = arith.constant 0 : index
      %get3A_307 = tpu.vector_load %arg25[%get3A_305, %get3A_306] {strides = array<i32>} : memref<16x128xf32, #tpu.memory_space<vmem>>, vector<16xf32>,
      %get3A_308 = arith.constant 1 : i32
      %get3A_309 = arith.index_cast %get3A_308 : i32 to index
      %get3A_310 = arith.constant 16 : index
      %get3A_311 = tpu.vector_load %arg25[%get3A_309, %get3A_310] {strides = array<i32>} : memref<16x128xf32, #tpu.memory_space<vmem>>, vector<16xf32>,
      %bitcast3A_312 = vector.bitcast %get3A_311 : vector<16xf32> to vector<16xi32>
      %gt3A_313 = arith.cmpf ogt, %get3A_307, %get3A_298 : vector<16xf32>
      %eq3A_314 = arith.cmpf oeq, %get3A_307, %get3A_298 : vector<16xf32>
      %lt3A_315 = arith.cmpi slt, %bitcast3A_312, %bitcast3A_303 : vector<16xi32>
      %and3A_316 = arith.andi %eq3A_314, %lt3A_315 : vector<16xi1>
      %or3A_317 = arith.ori %gt3A_313, %and3A_316 : vector<16xi1>
      %select_n3A_318 = arith.select %or3A_317, %get3A_307, %get3A_298 : vector<16xi1>, vector<16xf32>
      %select_n3A_319 = arith.select %or3A_317, %bitcast3A_312, %bitcast3A_303 : vector<16xi1>, vector<16xi32>
      %get3A_320 = arith.constant 2 : i32
      %get3A_321 = arith.index_cast %get3A_320 : i32 to index
      %get3A_322 = arith.constant 0 : index
      %get3A_323 = tpu.vector_load %arg25[%get3A_321, %get3A_322] {strides = array<i32>} : memref<16x128xf32, #tpu.memory_space<vmem>>, vector<16xf32>,
      %get3A_324 = arith.constant 2 : i32
      %get3A_325 = arith.index_cast %get3A_324 : i32 to index
      %get3A_326 = arith.constant 16 : index
      %get3A_327 = tpu.vector_load %arg25[%get3A_325, %get3A_326] {strides = array<i32>} : memref<16x128xf32, #tpu.memory_space<vmem>>, vector<16xf32>,
      %bitcast3A_328 = vector.bitcast %get3A_327 : vector<16xf32> to vector<16xi32>
      %gt3A_329 = arith.cmpf ogt, %get3A_323, %select_n3A_318 : vector<16xf32>
      %eq3A_330 = arith.cmpf oeq, %get3A_323, %select_n3A_318 : vector<16xf32>
      %lt3A_331 = arith.cmpi slt, %bitcast3A_328, %select_n3A_319 : vector<16xi32>
      %and3A_332 = arith.andi %eq3A_330, %lt3A_331 : vector<16xi1>
      %or3A_333 = arith.ori %gt3A_329, %and3A_332 : vector<16xi1>
      %select_n3A_334 = arith.select %or3A_333, %get3A_323, %select_n3A_318 : vector<16xi1>, vector<16xf32>
      %select_n3A_335 = arith.select %or3A_333, %bitcast3A_328, %select_n3A_319 : vector<16xi1>, vector<16xi32>
      %get3A_336 = arith.constant 3 : i32
      %get3A_337 = arith.index_cast %get3A_336 : i32 to index
      %get3A_338 = arith.constant 0 : index
      %get3A_339 = tpu.vector_load %arg25[%get3A_337, %get3A_338] {strides = array<i32>} : memref<16x128xf32, #tpu.memory_space<vmem>>, vector<16xf32>,
      %get3A_340 = arith.constant 3 : i32
      %get3A_341 = arith.index_cast %get3A_340 : i32 to index
      %get3A_342 = arith.constant 16 : index
      %get3A_343 = tpu.vector_load %arg25[%get3A_341, %get3A_342] {strides = array<i32>} : memref<16x128xf32, #tpu.memory_space<vmem>>, vector<16xf32>,
      %bitcast3A_344 = vector.bitcast %get3A_343 : vector<16xf32> to vector<16xi32>
      %gt3A_345 = arith.cmpf ogt, %get3A_339, %select_n3A_334 : vector<16xf32>
      %eq3A_346 = arith.cmpf oeq, %get3A_339, %select_n3A_334 : vector<16xf32>
      %lt3A_347 = arith.cmpi slt, %bitcast3A_344, %select_n3A_335 : vector<16xi32>
      %and3A_348 = arith.andi %eq3A_346, %lt3A_347 : vector<16xi1>
      %or3A_349 = arith.ori %gt3A_345, %and3A_348 : vector<16xi1>
      %select_n3A_350 = arith.select %or3A_349, %get3A_339, %select_n3A_334 : vector<16xi1>, vector<16xf32>
      %select_n3A_351 = arith.select %or3A_349, %bitcast3A_344, %select_n3A_335 : vector<16xi1>, vector<16xi32>
      %get3A_352 = arith.constant 4 : i32
      %get3A_353 = arith.index_cast %get3A_352 : i32 to index
      %get3A_354 = arith.constant 0 : index
      %get3A_355 = tpu.vector_load %arg25[%get3A_353, %get3A_354] {strides = array<i32>} : memref<16x128xf32, #tpu.memory_space<vmem>>, vector<16xf32>,
      %get3A_356 = arith.constant 4 : i32
      %get3A_357 = arith.index_cast %get3A_356 : i32 to index
      %get3A_358 = arith.constant 16 : index
      %get3A_359 = tpu.vector_load %arg25[%get3A_357, %get3A_358] {strides = array<i32>} : memref<16x128xf32, #tpu.memory_space<vmem>>, vector<16xf32>,
      %bitcast3A_360 = vector.bitcast %get3A_359 : vector<16xf32> to vector<16xi32>
      %gt3A_361 = arith.cmpf ogt, %get3A_355, %select_n3A_350 : vector<16xf32>
      %eq3A_362 = arith.cmpf oeq, %get3A_355, %select_n3A_350 : vector<16xf32>
      %lt3A_363 = arith.cmpi slt, %bitcast3A_360, %select_n3A_351 : vector<16xi32>
      %and3A_364 = arith.andi %eq3A_362, %lt3A_363 : vector<16xi1>
      %or3A_365 = arith.ori %gt3A_361, %and3A_364 : vector<16xi1>
      %select_n3A_366 = arith.select %or3A_365, %get3A_355, %select_n3A_350 : vector<16xi1>, vector<16xf32>
      %select_n3A_367 = arith.select %or3A_365, %bitcast3A_360, %select_n3A_351 : vector<16xi1>, vector<16xi32>
      %get3A_368 = arith.constant 5 : i32
      %get3A_369 = arith.index_cast %get3A_368 : i32 to index
      %get3A_370 = arith.constant 0 : index
      %get3A_371 = tpu.vector_load %arg25[%get3A_369, %get3A_370] {strides = array<i32>} : memref<16x128xf32, #tpu.memory_space<vmem>>, vector<16xf32>,
      %get3A_372 = arith.constant 5 : i32
      %get3A_373 = arith.index_cast %get3A_372 : i32 to index
      %get3A_374 = arith.constant 16 : index
      %get3A_375 = tpu.vector_load %arg25[%get3A_373, %get3A_374] {strides = array<i32>} : memref<16x128xf32, #tpu.memory_space<vmem>>, vector<16xf32>,
      %bitcast3A_376 = vector.bitcast %get3A_375 : vector<16xf32> to vector<16xi32>
      %gt3A_377 = arith.cmpf ogt, %get3A_371, %select_n3A_366 : vector<16xf32>
      %eq3A_378 = arith.cmpf oeq, %get3A_371, %select_n3A_366 : vector<16xf32>
      %lt3A_379 = arith.cmpi slt, %bitcast3A_376, %select_n3A_367 : vector<16xi32>
      %and3A_380 = arith.andi %eq3A_378, %lt3A_379 : vector<16xi1>
      %or3A_381 = arith.ori %gt3A_377, %and3A_380 : vector<16xi1>
      %select_n3A_382 = arith.select %or3A_381, %get3A_371, %select_n3A_366 : vector<16xi1>, vector<16xf32>
      %select_n3A_383 = arith.select %or3A_381, %bitcast3A_376, %select_n3A_367 : vector<16xi1>, vector<16xi32>
      %get3A_384 = arith.constant 6 : i32
      %get3A_385 = arith.index_cast %get3A_384 : i32 to index
      %get3A_386 = arith.constant 0 : index
      %get3A_387 = tpu.vector_load %arg25[%get3A_385, %get3A_386] {strides = array<i32>} : memref<16x128xf32, #tpu.memory_space<vmem>>, vector<16xf32>,
      %get3A_388 = arith.constant 6 : i32
      %get3A_389 = arith.index_cast %get3A_388 : i32 to index
      %get3A_390 = arith.constant 16 : index
      %get3A_391 = tpu.vector_load %arg25[%get3A_389, %get3A_390] {strides = array<i32>} : memref<16x128xf32, #tpu.memory_space<vmem>>, vector<16xf32>,
      %bitcast3A_392 = vector.bitcast %get3A_391 : vector<16xf32> to vector<16xi32>
      %gt3A_393 = arith.cmpf ogt, %get3A_387, %select_n3A_382 : vector<16xf32>
      %eq3A_394 = arith.cmpf oeq, %get3A_387, %select_n3A_382 : vector<16xf32>
      %lt3A_395 = arith.cmpi slt, %bitcast3A_392, %select_n3A_383 : vector<16xi32>
      %and3A_396 = arith.andi %eq3A_394, %lt3A_395 : vector<16xi1>
      %or3A_397 = arith.ori %gt3A_393, %and3A_396 : vector<16xi1>
      %select_n3A_398 = arith.select %or3A_397, %get3A_387, %select_n3A_382 : vector<16xi1>, vector<16xf32>
      %select_n3A_399 = arith.select %or3A_397, %bitcast3A_392, %select_n3A_383 : vector<16xi1>, vector<16xi32>
      %get3A_400 = arith.constant 7 : i32
      %get3A_401 = arith.index_cast %get3A_400 : i32 to index
      %get3A_402 = arith.constant 0 : index
      %get3A_403 = tpu.vector_load %arg25[%get3A_401, %get3A_402] {strides = array<i32>} : memref<16x128xf32, #tpu.memory_space<vmem>>, vector<16xf32>,
      %get3A_404 = arith.constant 7 : i32
      %get3A_405 = arith.index_cast %get3A_404 : i32 to index
      %get3A_406 = arith.constant 16 : index
      %get3A_407 = tpu.vector_load %arg25[%get3A_405, %get3A_406] {strides = array<i32>} : memref<16x128xf32, #tpu.memory_space<vmem>>, vector<16xf32>,
      %bitcast3A_408 = vector.bitcast %get3A_407 : vector<16xf32> to vector<16xi32>
      %gt3A_409 = arith.cmpf ogt, %get3A_403, %select_n3A_398 : vector<16xf32>
      %eq3A_410 = arith.cmpf oeq, %get3A_403, %select_n3A_398 : vector<16xf32>
      %lt3A_411 = arith.cmpi slt, %bitcast3A_408, %select_n3A_399 : vector<16xi32>
      %and3A_412 = arith.andi %eq3A_410, %lt3A_411 : vector<16xi1>
      %or3A_413 = arith.ori %gt3A_409, %and3A_412 : vector<16xi1>
      %select_n3A_414 = arith.select %or3A_413, %get3A_403, %select_n3A_398 : vector<16xi1>, vector<16xf32>
      %select_n3A_415 = arith.select %or3A_413, %bitcast3A_408, %select_n3A_399 : vector<16xi1>, vector<16xi32>
      %get3A_416 = arith.constant 8 : i32
      %get3A_417 = arith.index_cast %get3A_416 : i32 to index
      %get3A_418 = arith.constant 0 : index
      %get3A_419 = tpu.vector_load %arg25[%get3A_417, %get3A_418] {strides = array<i32>} : memref<16x128xf32, #tpu.memory_space<vmem>>, vector<16xf32>,
      %get3A_420 = arith.constant 8 : i32
      %get3A_421 = arith.index_cast %get3A_420 : i32 to index
      %get3A_422 = arith.constant 16 : index
      %get3A_423 = tpu.vector_load %arg25[%get3A_421, %get3A_422] {strides = array<i32>} : memref<16x128xf32, #tpu.memory_space<vmem>>, vector<16xf32>,
      %bitcast3A_424 = vector.bitcast %get3A_423 : vector<16xf32> to vector<16xi32>
      %gt3A_425 = arith.cmpf ogt, %get3A_419, %select_n3A_414 : vector<16xf32>
      %eq3A_426 = arith.cmpf oeq, %get3A_419, %select_n3A_414 : vector<16xf32>
      %lt3A_427 = arith.cmpi slt, %bitcast3A_424, %select_n3A_415 : vector<16xi32>
      %and3A_428 = arith.andi %eq3A_426, %lt3A_427 : vector<16xi1>
      %or3A_429 = arith.ori %gt3A_425, %and3A_428 : vector<16xi1>
      %select_n3A_430 = arith.select %or3A_429, %get3A_419, %select_n3A_414 : vector<16xi1>, vector<16xf32>
      %select_n3A_431 = arith.select %or3A_429, %bitcast3A_424, %select_n3A_415 : vector<16xi1>, vector<16xi32>
      %get3A_432 = arith.constant 9 : i32
      %get3A_433 = arith.index_cast %get3A_432 : i32 to index
      %get3A_434 = arith.constant 0 : index
      %get3A_435 = tpu.vector_load %arg25[%get3A_433, %get3A_434] {strides = array<i32>} : memref<16x128xf32, #tpu.memory_space<vmem>>, vector<16xf32>,
      %get3A_436 = arith.constant 9 : i32
      %get3A_437 = arith.index_cast %get3A_436 : i32 to index
      %get3A_438 = arith.constant 16 : index
      %get3A_439 = tpu.vector_load %arg25[%get3A_437, %get3A_438] {strides = array<i32>} : memref<16x128xf32, #tpu.memory_space<vmem>>, vector<16xf32>,
      %bitcast3A_440 = vector.bitcast %get3A_439 : vector<16xf32> to vector<16xi32>
      %gt3A_441 = arith.cmpf ogt, %get3A_435, %select_n3A_430 : vector<16xf32>
      %eq3A_442 = arith.cmpf oeq, %get3A_435, %select_n3A_430 : vector<16xf32>
      %lt3A_443 = arith.cmpi slt, %bitcast3A_440, %select_n3A_431 : vector<16xi32>
      %and3A_444 = arith.andi %eq3A_442, %lt3A_443 : vector<16xi1>
      %or3A_445 = arith.ori %gt3A_441, %and3A_444 : vector<16xi1>
      %select_n3A_446 = arith.select %or3A_445, %get3A_435, %select_n3A_430 : vector<16xi1>, vector<16xf32>
      %select_n3A_447 = arith.select %or3A_445, %bitcast3A_440, %select_n3A_431 : vector<16xi1>, vector<16xi32>
      %get3A_448 = arith.constant 10 : i32
      %get3A_449 = arith.index_cast %get3A_448 : i32 to index
      %get3A_450 = arith.constant 0 : index
      %get3A_451 = tpu.vector_load %arg25[%get3A_449, %get3A_450] {strides = array<i32>} : memref<16x128xf32, #tpu.memory_space<vmem>>, vector<16xf32>,
      %get3A_452 = arith.constant 10 : i32
      %get3A_453 = arith.index_cast %get3A_452 : i32 to index
      %get3A_454 = arith.constant 16 : index
      %get3A_455 = tpu.vector_load %arg25[%get3A_453, %get3A_454] {strides = array<i32>} : memref<16x128xf32, #tpu.memory_space<vmem>>, vector<16xf32>,
      %bitcast3A_456 = vector.bitcast %get3A_455 : vector<16xf32> to vector<16xi32>
      %gt3A_457 = arith.cmpf ogt, %get3A_451, %select_n3A_446 : vector<16xf32>
      %eq3A_458 = arith.cmpf oeq, %get3A_451, %select_n3A_446 : vector<16xf32>
      %lt3A_459 = arith.cmpi slt, %bitcast3A_456, %select_n3A_447 : vector<16xi32>
      %and3A_460 = arith.andi %eq3A_458, %lt3A_459 : vector<16xi1>
      %or3A_461 = arith.ori %gt3A_457, %and3A_460 : vector<16xi1>
      %select_n3A_462 = arith.select %or3A_461, %get3A_451, %select_n3A_446 : vector<16xi1>, vector<16xf32>
      %select_n3A_463 = arith.select %or3A_461, %bitcast3A_456, %select_n3A_447 : vector<16xi1>, vector<16xi32>
      %get3A_464 = arith.constant 11 : i32
      %get3A_465 = arith.index_cast %get3A_464 : i32 to index
      %get3A_466 = arith.constant 0 : index
      %get3A_467 = tpu.vector_load %arg25[%get3A_465, %get3A_466] {strides = array<i32>} : memref<16x128xf32, #tpu.memory_space<vmem>>, vector<16xf32>,
      %get3A_468 = arith.constant 11 : i32
      %get3A_469 = arith.index_cast %get3A_468 : i32 to index
      %get3A_470 = arith.constant 16 : index
      %get3A_471 = tpu.vector_load %arg25[%get3A_469, %get3A_470] {strides = array<i32>} : memref<16x128xf32, #tpu.memory_space<vmem>>, vector<16xf32>,
      %bitcast3A_472 = vector.bitcast %get3A_471 : vector<16xf32> to vector<16xi32>
      %gt3A_473 = arith.cmpf ogt, %get3A_467, %select_n3A_462 : vector<16xf32>
      %eq3A_474 = arith.cmpf oeq, %get3A_467, %select_n3A_462 : vector<16xf32>
      %lt3A_475 = arith.cmpi slt, %bitcast3A_472, %select_n3A_463 : vector<16xi32>
      %and3A_476 = arith.andi %eq3A_474, %lt3A_475 : vector<16xi1>
      %or3A_477 = arith.ori %gt3A_473, %and3A_476 : vector<16xi1>
      %select_n3A_478 = arith.select %or3A_477, %get3A_467, %select_n3A_462 : vector<16xi1>, vector<16xf32>
      %select_n3A_479 = arith.select %or3A_477, %bitcast3A_472, %select_n3A_463 : vector<16xi1>, vector<16xi32>
      %get3A_480 = arith.constant 12 : i32
      %get3A_481 = arith.index_cast %get3A_480 : i32 to index
      %get3A_482 = arith.constant 0 : index
      %get3A_483 = tpu.vector_load %arg25[%get3A_481, %get3A_482] {strides = array<i32>} : memref<16x128xf32, #tpu.memory_space<vmem>>, vector<16xf32>,
      %get3A_484 = arith.constant 12 : i32
      %get3A_485 = arith.index_cast %get3A_484 : i32 to index
      %get3A_486 = arith.constant 16 : index
      %get3A_487 = tpu.vector_load %arg25[%get3A_485, %get3A_486] {strides = array<i32>} : memref<16x128xf32, #tpu.memory_space<vmem>>, vector<16xf32>,
      %bitcast3A_488 = vector.bitcast %get3A_487 : vector<16xf32> to vector<16xi32>
      %gt3A_489 = arith.cmpf ogt, %get3A_483, %select_n3A_478 : vector<16xf32>
      %eq3A_490 = arith.cmpf oeq, %get3A_483, %select_n3A_478 : vector<16xf32>
      %lt3A_491 = arith.cmpi slt, %bitcast3A_488, %select_n3A_479 : vector<16xi32>
      %and3A_492 = arith.andi %eq3A_490, %lt3A_491 : vector<16xi1>
      %or3A_493 = arith.ori %gt3A_489, %and3A_492 : vector<16xi1>
      %select_n3A_494 = arith.select %or3A_493, %get3A_483, %select_n3A_478 : vector<16xi1>, vector<16xf32>
      %select_n3A_495 = arith.select %or3A_493, %bitcast3A_488, %select_n3A_479 : vector<16xi1>, vector<16xi32>
      %get3A_496 = arith.constant 13 : i32
      %get3A_497 = arith.index_cast %get3A_496 : i32 to index
      %get3A_498 = arith.constant 0 : index
      %get3A_499 = tpu.vector_load %arg25[%get3A_497, %get3A_498] {strides = array<i32>} : memref<16x128xf32, #tpu.memory_space<vmem>>, vector<16xf32>,
      %get3A_500 = arith.constant 13 : i32
      %get3A_501 = arith.index_cast %get3A_500 : i32 to index
      %get3A_502 = arith.constant 16 : index
      %get3A_503 = tpu.vector_load %arg25[%get3A_501, %get3A_502] {strides = array<i32>} : memref<16x128xf32, #tpu.memory_space<vmem>>, vector<16xf32>,
      %bitcast3A_504 = vector.bitcast %get3A_503 : vector<16xf32> to vector<16xi32>
      %gt3A_505 = arith.cmpf ogt, %get3A_499, %select_n3A_494 : vector<16xf32>
      %eq3A_506 = arith.cmpf oeq, %get3A_499, %select_n3A_494 : vector<16xf32>
      %lt3A_507 = arith.cmpi slt, %bitcast3A_504, %select_n3A_495 : vector<16xi32>
      %and3A_508 = arith.andi %eq3A_506, %lt3A_507 : vector<16xi1>
      %or3A_509 = arith.ori %gt3A_505, %and3A_508 : vector<16xi1>
      %select_n3A_510 = arith.select %or3A_509, %get3A_499, %select_n3A_494 : vector<16xi1>, vector<16xf32>
      %select_n3A_511 = arith.select %or3A_509, %bitcast3A_504, %select_n3A_495 : vector<16xi1>, vector<16xi32>
      %get3A_512 = arith.constant 14 : i32
      %get3A_513 = arith.index_cast %get3A_512 : i32 to index
      %get3A_514 = arith.constant 0 : index
      %get3A_515 = tpu.vector_load %arg25[%get3A_513, %get3A_514] {strides = array<i32>} : memref<16x128xf32, #tpu.memory_space<vmem>>, vector<16xf32>,
      %get3A_516 = arith.constant 14 : i32
      %get3A_517 = arith.index_cast %get3A_516 : i32 to index
      %get3A_518 = arith.constant 16 : index
      %get3A_519 = tpu.vector_load %arg25[%get3A_517, %get3A_518] {strides = array<i32>} : memref<16x128xf32, #tpu.memory_space<vmem>>, vector<16xf32>,
      %bitcast3A_520 = vector.bitcast %get3A_519 : vector<16xf32> to vector<16xi32>
      %gt3A_521 = arith.cmpf ogt, %get3A_515, %select_n3A_510 : vector<16xf32>
      %eq3A_522 = arith.cmpf oeq, %get3A_515, %select_n3A_510 : vector<16xf32>
      %lt3A_523 = arith.cmpi slt, %bitcast3A_520, %select_n3A_511 : vector<16xi32>
      %and3A_524 = arith.andi %eq3A_522, %lt3A_523 : vector<16xi1>
      %or3A_525 = arith.ori %gt3A_521, %and3A_524 : vector<16xi1>
      %select_n3A_526 = arith.select %or3A_525, %get3A_515, %select_n3A_510 : vector<16xi1>, vector<16xf32>
      %select_n3A_527 = arith.select %or3A_525, %bitcast3A_520, %select_n3A_511 : vector<16xi1>, vector<16xi32>
      %get3A_528 = arith.constant 15 : i32
      %get3A_529 = arith.index_cast %get3A_528 : i32 to index
      %get3A_530 = arith.constant 0 : index
      %get3A_531 = tpu.vector_load %arg25[%get3A_529, %get3A_530] {strides = array<i32>} : memref<16x128xf32, #tpu.memory_space<vmem>>, vector<16xf32>,
      %get3A_532 = arith.constant 15 : i32
      %get3A_533 = arith.index_cast %get3A_532 : i32 to index
      %get3A_534 = arith.constant 16 : index
      %get3A_535 = tpu.vector_load %arg25[%get3A_533, %get3A_534] {strides = array<i32>} : memref<16x128xf32, #tpu.memory_space<vmem>>, vector<16xf32>,
      %bitcast3A_536 = vector.bitcast %get3A_535 : vector<16xf32> to vector<16xi32>
      %gt3A_537 = arith.cmpf ogt, %get3A_531, %select_n3A_526 : vector<16xf32>
      %eq3A_538 = arith.cmpf oeq, %get3A_531, %select_n3A_526 : vector<16xf32>
      %lt3A_539 = arith.cmpi slt, %bitcast3A_536, %select_n3A_527 : vector<16xi32>
      %and3A_540 = arith.andi %eq3A_538, %lt3A_539 : vector<16xi1>
      %or3A_541 = arith.ori %gt3A_537, %and3A_540 : vector<16xi1>
      %select_n3A_542 = arith.select %or3A_541, %get3A_531, %select_n3A_526 : vector<16xi1>, vector<16xf32>
      %select_n3A_543 = arith.select %or3A_541, %bitcast3A_536, %select_n3A_527 : vector<16xi1>, vector<16xi32>
      %gather3A_544 = tpu.vector_load_idx %arg18[%select_n3A_543] : memref<5120xf32, #tpu.memory_space<vmem>>[vector<16xi32>], vector<16xf32>,
      %gather3A_545 = tpu.vector_load_idx %arg19[%select_n3A_543] : memref<5120xf32, #tpu.memory_space<vmem>>[vector<16xi32>], vector<16xf32>,
      %gather3A_546 = tpu.vector_load_idx %arg20[%select_n3A_543] : memref<5120xf32, #tpu.memory_space<vmem>>[vector<16xi32>], vector<16xf32>,
      %gather3A_547 = tpu.vector_load_idx %arg21[%select_n3A_543] : memref<5120xf32, #tpu.memory_space<vmem>>[vector<16xi32>], vector<16xf32>,
      %add3A_548 = arith.addf %gather3A_544, %gather3A_546 : vector<16xf32>
      %sub3A = arith.constant 1.000000e+00 : f32
      %sub3A_549 = vector.broadcast %sub3A : f32 to vector<16xf32>
      %sub3A_550 = arith.subf %add3A_548, %sub3A_549 : vector<16xf32>
      %add3A_551 = arith.addf %gather3A_545, %gather3A_547 : vector<16xf32>
      %sub3A_552 = arith.constant 1.000000e+00 : f32
      %sub3A_553 = vector.broadcast %sub3A_552 : f32 to vector<16xf32>
      %sub3A_554 = arith.subf %add3A_551, %sub3A_553 : vector<16xf32>
      %sub3A_555 = arith.subf %sub3A_550, %gather3A_544 : vector<16xf32>
      %add3A_556 = arith.constant 1.000000e+00 : f32
      %add3A_557 = vector.broadcast %add3A_556 : f32 to vector<16xf32>
      %add3A_558 = arith.addf %sub3A_555, %add3A_557 : vector<16xf32>
      %sub3A_559 = arith.subf %sub3A_554, %gather3A_545 : vector<16xf32>
      %add3A_560 = arith.constant 1.000000e+00 : f32
      %add3A_561 = vector.broadcast %add3A_560 : f32 to vector<16xf32>
      %add3A_562 = arith.addf %sub3A_559, %add3A_561 : vector<16xf32>
      %mul3A_563 = arith.mulf %add3A_558, %add3A_562 : vector<16xf32>
      %gt3A_564 = arith.constant 0.000000e+00 : f32
      %gt3A_565 = vector.broadcast %gt3A_564 : f32 to vector<16xf32>
      %gt3A_566 = arith.cmpf ogt, %select_n3A_542, %gt3A_565 : vector<16xf32>
      %broadcast_in_dim3A_567 = vector.broadcast %scan3A_287 : i32 to vector<16xi32>
      %broadcast_in_dim3A_568 = arith.constant 0.000000e+00 : f32
      %broadcast_in_dim3A_569 = vector.broadcast %broadcast_in_dim3A_568 : f32 to vector<16xf32>
      %select_n3A_570 = arith.select %gt3A_566, %select_n3A_542, %broadcast_in_dim3A_569 : vector<16xi1>, vector<16xf32>
      tpu.vector_store_idx %arg22[%broadcast_in_dim3A_567], %select_n3A_570 masked %eq3A_9 : memref<128xf32, #tpu.memory_space<vmem>>[vector<16xi32>], vector<16xf32>, vector<16xi1>
      %and3A_571 = arith.constant 3 : i32
      %and3A_572 = vector.broadcast %and3A_571 : i32 to vector<16xi32>
      %and3A_573 = arith.andi %iota3A, %and3A_572 : vector<16xi32>
      %eq3A_574 = arith.constant 0 : i32
      %eq3A_575 = vector.broadcast %eq3A_574 : i32 to vector<16xi32>
      %eq3A_576 = arith.cmpi eq, %and3A_573, %eq3A_575 : vector<16xi32>
      %eq3A_577 = arith.constant 1 : i32
      %eq3A_578 = vector.broadcast %eq3A_577 : i32 to vector<16xi32>
      %eq3A_579 = arith.cmpi eq, %and3A_573, %eq3A_578 : vector<16xi32>
      %eq3A_580 = arith.constant 2 : i32
      %eq3A_581 = vector.broadcast %eq3A_580 : i32 to vector<16xi32>
      %eq3A_582 = arith.cmpi eq, %and3A_573, %eq3A_581 : vector<16xi32>
      %select_n3A_583 = arith.select %eq3A_582, %sub3A_550, %sub3A_554 : vector<16xi1>, vector<16xf32>
      %select_n3A_584 = arith.select %eq3A_579, %gather3A_545, %select_n3A_583 : vector<16xi1>, vector<16xf32>
      %select_n3A_585 = arith.select %eq3A_576, %gather3A_544, %select_n3A_584 : vector<16xi1>, vector<16xf32>
      %ge3A = arith.constant 2 : i32
      %ge3A_586 = vector.broadcast %ge3A : i32 to vector<16xi32>
      %ge3A_587 = arith.cmpi sge, %and3A_573, %ge3A_586 : vector<16xi32>
      %select_n3A_588 = arith.select %ge3A_587, %broadcast_in_dim3A_10, %broadcast_in_dim3A_569 : vector<16xi1>, vector<16xf32>
      %mul3A_589 = arith.constant 4 : i32
      %mul3A_590 = vector.broadcast %mul3A_589 : i32 to vector<16xi32>
      %mul3A_591 = arith.muli %broadcast_in_dim3A_567, %mul3A_590 : vector<16xi32>
      %add3A_592 = arith.addi %mul3A_591, %iota3A : vector<16xi32>
      %select_n3A_593 = arith.select %gt3A_566, %select_n3A_585, %select_n3A_588 : vector<16xi1>, vector<16xf32>
      %lt3A_594 = arith.constant 4 : i32
      %lt3A_595 = vector.broadcast %lt3A_594 : i32 to vector<16xi32>
      %lt3A_596 = arith.cmpi slt, %iota3A, %lt3A_595 : vector<16xi32>
      tpu.vector_store_idx %arg23[%add3A_592], %select_n3A_593 masked %lt3A_596 : memref<512xf32, #tpu.memory_space<vmem>>[vector<16xi32>], vector<16xf32>, vector<16xi1>
      %add3A_597 = vector.broadcast %mul3A_0 : i32 to vector<16xi32>
      %add3A_598 = arith.addi %iota3A, %add3A_597 : vector<16xi32>
      %get3A_599 = arith.constant 0 : index
      %get3A_600 = tpu.vector_load %arg13[%get3A_599] {strides = array<i32>} : memref<320xf32, #tpu.memory_space<vmem>>, vector<16xf32>,
      %get3A_601 = arith.constant 0 : index
      %get3A_602 = tpu.vector_load %arg14[%get3A_601] {strides = array<i32>} : memref<320xf32, #tpu.memory_space<vmem>>, vector<16xf32>,
      %get3A_603 = arith.constant 0 : index
      %get3A_604 = tpu.vector_load %arg15[%get3A_603] {strides = array<i32>} : memref<320xf32, #tpu.memory_space<vmem>>, vector<16xf32>,
      %get3A_605 = arith.constant 0 : index
      %get3A_606 = tpu.vector_load %arg16[%get3A_605] {strides = array<i32>} : memref<320xf32, #tpu.memory_space<vmem>>, vector<16xf32>,
      %min3A = arith.minimumf %sub3A_550, %get3A_604 : vector<16xf32>
      %max3A = arith.maximumf %gather3A_544, %get3A_600 : vector<16xf32>
      %sub3A_607 = arith.subf %min3A, %max3A : vector<16xf32>
      %add3A_608 = arith.constant 1.000000e+00 : f32
      %add3A_609 = vector.broadcast %add3A_608 : f32 to vector<16xf32>
      %add3A_610 = arith.addf %sub3A_607, %add3A_609 : vector<16xf32>
      %max3A_611 = arith.constant 0.000000e+00 : f32
      %max3A_612 = vector.broadcast %max3A_611 : f32 to vector<16xf32>
      %max3A_613 = arith.maximumf %add3A_610, %max3A_612 : vector<16xf32>
      %min3A_614 = arith.minimumf %sub3A_554, %get3A_606 : vector<16xf32>
      %max3A_615 = arith.maximumf %gather3A_545, %get3A_602 : vector<16xf32>
      %sub3A_616 = arith.subf %min3A_614, %max3A_615 : vector<16xf32>
      %add3A_617 = arith.constant 1.000000e+00 : f32
      %add3A_618 = vector.broadcast %add3A_617 : f32 to vector<16xf32>
      %add3A_619 = arith.addf %sub3A_616, %add3A_618 : vector<16xf32>
      %max3A_620 = arith.constant 0.000000e+00 : f32
      %max3A_621 = vector.broadcast %max3A_620 : f32 to vector<16xf32>
      %max3A_622 = arith.maximumf %add3A_619, %max3A_621 : vector<16xf32>
      %mul3A_623 = arith.mulf %max3A_613, %max3A_622 : vector<16xf32>
      %get3A_624 = arith.constant 0 : index
      %get3A_625 = tpu.vector_load %arg17[%get3A_624] {strides = array<i32>} : memref<320xf32, #tpu.memory_space<vmem>>, vector<16xf32>,
      %add3A_626 = arith.addf %mul3A_563, %get3A_625 : vector<16xf32>
      %sub3A_627 = arith.subf %add3A_626, %mul3A_623 : vector<16xf32>
      %add3A_628 = arith.constant 9.99999971E-10 : f32
      %add3A_629 = vector.broadcast %add3A_628 : f32 to vector<16xf32>
      %add3A_630 = arith.addf %sub3A_627, %add3A_629 : vector<16xf32>
      %div3A = arith.divf %mul3A_623, %add3A_630 : vector<16xf32>
      %ge3A_631 = arith.constant 5.000000e-01 : f32
      %ge3A_632 = vector.broadcast %ge3A_631 : f32 to vector<16xf32>
      %ge3A_633 = arith.cmpf oge, %div3A, %ge3A_632 : vector<16xf32>
      %get3A_634 = arith.constant 0 : index
      %get3A_635 = tpu.vector_load %arg12[%get3A_634] {strides = array<i32>} : memref<320xf32, #tpu.memory_space<vmem>>, vector<16xf32>,
      %select_n3A_636 = arith.select %ge3A_633, %broadcast_in_dim3A_10, %get3A_635 : vector<16xi1>, vector<16xf32>
      %swap3A_637 = arith.constant 0 : index
      %swap3A_638 = tpu.vector_load %arg12[%swap3A_637] {strides = array<i32>} : memref<320xf32, #tpu.memory_space<vmem>>, vector<16xf32>,
      tpu.vector_store %arg12[%swap3A_637], %select_n3A_636 {strides = array<i32>} : memref<320xf32, #tpu.memory_space<vmem>>, vector<16xf32>,
      %gt3A_639 = arith.cmpf ogt, %select_n3A_636, %broadcast_in_dim3A_10 : vector<16xf32>
      %select_n3A_640 = arith.select %gt3A_639, %select_n3A_636, %broadcast_in_dim3A_10 : vector<16xi1>, vector<16xf32>
      %add3A_641 = arith.constant 0 : i32
      %add3A_642 = arith.addi %mul3A_0, %add3A_641 : i32
      %add3A_643 = vector.broadcast %add3A_642 : i32 to vector<16xi32>
      %add3A_644 = arith.addi %iota3A, %add3A_643 : vector<16xi32>
      %select_n3A_645 = arith.select %gt3A_639, %add3A_644, %add3A_598 : vector<16xi1>, vector<16xi32>
      %get3A_646 = arith.constant 16 : index
      %get3A_647 = tpu.vector_load %arg13[%get3A_646] {strides = array<i32>} : memref<320xf32, #tpu.memory_space<vmem>>, vector<16xf32>,
      %get3A_648 = arith.constant 16 : index
      %get3A_649 = tpu.vector_load %arg14[%get3A_648] {strides = array<i32>} : memref<320xf32, #tpu.memory_space<vmem>>, vector<16xf32>,
      %get3A_650 = arith.constant 16 : index
      %get3A_651 = tpu.vector_load %arg15[%get3A_650] {strides = array<i32>} : memref<320xf32, #tpu.memory_space<vmem>>, vector<16xf32>,
      %get3A_652 = arith.constant 16 : index
      %get3A_653 = tpu.vector_load %arg16[%get3A_652] {strides = array<i32>} : memref<320xf32, #tpu.memory_space<vmem>>, vector<16xf32>,
      %min3A_654 = arith.minimumf %sub3A_550, %get3A_651 : vector<16xf32>
      %max3A_655 = arith.maximumf %gather3A_544, %get3A_647 : vector<16xf32>
      %sub3A_656 = arith.subf %min3A_654, %max3A_655 : vector<16xf32>
      %add3A_657 = arith.constant 1.000000e+00 : f32
      %add3A_658 = vector.broadcast %add3A_657 : f32 to vector<16xf32>
      %add3A_659 = arith.addf %sub3A_656, %add3A_658 : vector<16xf32>
      %max3A_660 = arith.constant 0.000000e+00 : f32
      %max3A_661 = vector.broadcast %max3A_660 : f32 to vector<16xf32>
      %max3A_662 = arith.maximumf %add3A_659, %max3A_661 : vector<16xf32>
      %min3A_663 = arith.minimumf %sub3A_554, %get3A_653 : vector<16xf32>
      %max3A_664 = arith.maximumf %gather3A_545, %get3A_649 : vector<16xf32>
      %sub3A_665 = arith.subf %min3A_663, %max3A_664 : vector<16xf32>
      %add3A_666 = arith.constant 1.000000e+00 : f32
      %add3A_667 = vector.broadcast %add3A_666 : f32 to vector<16xf32>
      %add3A_668 = arith.addf %sub3A_665, %add3A_667 : vector<16xf32>
      %max3A_669 = arith.constant 0.000000e+00 : f32
      %max3A_670 = vector.broadcast %max3A_669 : f32 to vector<16xf32>
      %max3A_671 = arith.maximumf %add3A_668, %max3A_670 : vector<16xf32>
      %mul3A_672 = arith.mulf %max3A_662, %max3A_671 : vector<16xf32>
      %get3A_673 = arith.constant 16 : index
      %get3A_674 = tpu.vector_load %arg17[%get3A_673] {strides = array<i32>} : memref<320xf32, #tpu.memory_space<vmem>>, vector<16xf32>,
      %add3A_675 = arith.addf %mul3A_563, %get3A_674 : vector<16xf32>
      %sub3A_676 = arith.subf %add3A_675, %mul3A_672 : vector<16xf32>
      %add3A_677 = arith.constant 9.99999971E-10 : f32
      %add3A_678 = vector.broadcast %add3A_677 : f32 to vector<16xf32>
      %add3A_679 = arith.addf %sub3A_676, %add3A_678 : vector<16xf32>
      %div3A_680 = arith.divf %mul3A_672, %add3A_679 : vector<16xf32>
      %ge3A_681 = arith.constant 5.000000e-01 : f32
      %ge3A_682 = vector.broadcast %ge3A_681 : f32 to vector<16xf32>
      %ge3A_683 = arith.cmpf oge, %div3A_680, %ge3A_682 : vector<16xf32>
      %get3A_684 = arith.constant 16 : index
      %get3A_685 = tpu.vector_load %arg12[%get3A_684] {strides = array<i32>} : memref<320xf32, #tpu.memory_space<vmem>>, vector<16xf32>,
      %select_n3A_686 = arith.select %ge3A_683, %broadcast_in_dim3A_10, %get3A_685 : vector<16xi1>, vector<16xf32>
      %swap3A_687 = arith.constant 16 : index
      %swap3A_688 = tpu.vector_load %arg12[%swap3A_687] {strides = array<i32>} : memref<320xf32, #tpu.memory_space<vmem>>, vector<16xf32>,
      tpu.vector_store %arg12[%swap3A_687], %select_n3A_686 {strides = array<i32>} : memref<320xf32, #tpu.memory_space<vmem>>, vector<16xf32>,
      %gt3A_689 = arith.cmpf ogt, %select_n3A_686, %select_n3A_640 : vector<16xf32>
      %select_n3A_690 = arith.select %gt3A_689, %select_n3A_686, %select_n3A_640 : vector<16xi1>, vector<16xf32>
      %add3A_691 = arith.constant 16 : i32
      %add3A_692 = arith.addi %mul3A_0, %add3A_691 : i32
      %add3A_693 = vector.broadcast %add3A_692 : i32 to vector<16xi32>
      %add3A_694 = arith.addi %iota3A, %add3A_693 : vector<16xi32>
      %select_n3A_695 = arith.select %gt3A_689, %add3A_694, %select_n3A_645 : vector<16xi1>, vector<16xi32>
      %get3A_696 = arith.constant 32 : index
      %get3A_697 = tpu.vector_load %arg13[%get3A_696] {strides = array<i32>} : memref<320xf32, #tpu.memory_space<vmem>>, vector<16xf32>,
      %get3A_698 = arith.constant 32 : index
      %get3A_699 = tpu.vector_load %arg14[%get3A_698] {strides = array<i32>} : memref<320xf32, #tpu.memory_space<vmem>>, vector<16xf32>,
      %get3A_700 = arith.constant 32 : index
      %get3A_701 = tpu.vector_load %arg15[%get3A_700] {strides = array<i32>} : memref<320xf32, #tpu.memory_space<vmem>>, vector<16xf32>,
      %get3A_702 = arith.constant 32 : index
      %get3A_703 = tpu.vector_load %arg16[%get3A_702] {strides = array<i32>} : memref<320xf32, #tpu.memory_space<vmem>>, vector<16xf32>,
      %min3A_704 = arith.minimumf %sub3A_550, %get3A_701 : vector<16xf32>
      %max3A_705 = arith.maximumf %gather3A_544, %get3A_697 : vector<16xf32>
      %sub3A_706 = arith.subf %min3A_704, %max3A_705 : vector<16xf32>
      %add3A_707 = arith.constant 1.000000e+00 : f32
      %add3A_708 = vector.broadcast %add3A_707 : f32 to vector<16xf32>
      %add3A_709 = arith.addf %sub3A_706, %add3A_708 : vector<16xf32>
      %max3A_710 = arith.constant 0.000000e+00 : f32
      %max3A_711 = vector.broadcast %max3A_710 : f32 to vector<16xf32>
      %max3A_712 = arith.maximumf %add3A_709, %max3A_711 : vector<16xf32>
      %min3A_713 = arith.minimumf %sub3A_554, %get3A_703 : vector<16xf32>
      %max3A_714 = arith.maximumf %gather3A_545, %get3A_699 : vector<16xf32>
      %sub3A_715 = arith.subf %min3A_713, %max3A_714 : vector<16xf32>
      %add3A_716 = arith.constant 1.000000e+00 : f32
      %add3A_717 = vector.broadcast %add3A_716 : f32 to vector<16xf32>
      %add3A_718 = arith.addf %sub3A_715, %add3A_717 : vector<16xf32>
      %max3A_719 = arith.constant 0.000000e+00 : f32
      %max3A_720 = vector.broadcast %max3A_719 : f32 to vector<16xf32>
      %max3A_721 = arith.maximumf %add3A_718, %max3A_720 : vector<16xf32>
      %mul3A_722 = arith.mulf %max3A_712, %max3A_721 : vector<16xf32>
      %get3A_723 = arith.constant 32 : index
      %get3A_724 = tpu.vector_load %arg17[%get3A_723] {strides = array<i32>} : memref<320xf32, #tpu.memory_space<vmem>>, vector<16xf32>,
      %add3A_725 = arith.addf %mul3A_563, %get3A_724 : vector<16xf32>
      %sub3A_726 = arith.subf %add3A_725, %mul3A_722 : vector<16xf32>
      %add3A_727 = arith.constant 9.99999971E-10 : f32
      %add3A_728 = vector.broadcast %add3A_727 : f32 to vector<16xf32>
      %add3A_729 = arith.addf %sub3A_726, %add3A_728 : vector<16xf32>
      %div3A_730 = arith.divf %mul3A_722, %add3A_729 : vector<16xf32>
      %ge3A_731 = arith.constant 5.000000e-01 : f32
      %ge3A_732 = vector.broadcast %ge3A_731 : f32 to vector<16xf32>
      %ge3A_733 = arith.cmpf oge, %div3A_730, %ge3A_732 : vector<16xf32>
      %get3A_734 = arith.constant 32 : index
      %get3A_735 = tpu.vector_load %arg12[%get3A_734] {strides = array<i32>} : memref<320xf32, #tpu.memory_space<vmem>>, vector<16xf32>,
      %select_n3A_736 = arith.select %ge3A_733, %broadcast_in_dim3A_10, %get3A_735 : vector<16xi1>, vector<16xf32>
      %swap3A_737 = arith.constant 32 : index
      %swap3A_738 = tpu.vector_load %arg12[%swap3A_737] {strides = array<i32>} : memref<320xf32, #tpu.memory_space<vmem>>, vector<16xf32>,
      tpu.vector_store %arg12[%swap3A_737], %select_n3A_736 {strides = array<i32>} : memref<320xf32, #tpu.memory_space<vmem>>, vector<16xf32>,
      %gt3A_739 = arith.cmpf ogt, %select_n3A_736, %select_n3A_690 : vector<16xf32>
      %select_n3A_740 = arith.select %gt3A_739, %select_n3A_736, %select_n3A_690 : vector<16xi1>, vector<16xf32>
      %add3A_741 = arith.constant 32 : i32
      %add3A_742 = arith.addi %mul3A_0, %add3A_741 : i32
      %add3A_743 = vector.broadcast %add3A_742 : i32 to vector<16xi32>
      %add3A_744 = arith.addi %iota3A, %add3A_743 : vector<16xi32>
      %select_n3A_745 = arith.select %gt3A_739, %add3A_744, %select_n3A_695 : vector<16xi1>, vector<16xi32>
      %get3A_746 = arith.constant 48 : index
      %get3A_747 = tpu.vector_load %arg13[%get3A_746] {strides = array<i32>} : memref<320xf32, #tpu.memory_space<vmem>>, vector<16xf32>,
      %get3A_748 = arith.constant 48 : index
      %get3A_749 = tpu.vector_load %arg14[%get3A_748] {strides = array<i32>} : memref<320xf32, #tpu.memory_space<vmem>>, vector<16xf32>,
      %get3A_750 = arith.constant 48 : index
      %get3A_751 = tpu.vector_load %arg15[%get3A_750] {strides = array<i32>} : memref<320xf32, #tpu.memory_space<vmem>>, vector<16xf32>,
      %get3A_752 = arith.constant 48 : index
      %get3A_753 = tpu.vector_load %arg16[%get3A_752] {strides = array<i32>} : memref<320xf32, #tpu.memory_space<vmem>>, vector<16xf32>,
      %min3A_754 = arith.minimumf %sub3A_550, %get3A_751 : vector<16xf32>
      %max3A_755 = arith.maximumf %gather3A_544, %get3A_747 : vector<16xf32>
      %sub3A_756 = arith.subf %min3A_754, %max3A_755 : vector<16xf32>
      %add3A_757 = arith.constant 1.000000e+00 : f32
      %add3A_758 = vector.broadcast %add3A_757 : f32 to vector<16xf32>
      %add3A_759 = arith.addf %sub3A_756, %add3A_758 : vector<16xf32>
      %max3A_760 = arith.constant 0.000000e+00 : f32
      %max3A_761 = vector.broadcast %max3A_760 : f32 to vector<16xf32>
      %max3A_762 = arith.maximumf %add3A_759, %max3A_761 : vector<16xf32>
      %min3A_763 = arith.minimumf %sub3A_554, %get3A_753 : vector<16xf32>
      %max3A_764 = arith.maximumf %gather3A_545, %get3A_749 : vector<16xf32>
      %sub3A_765 = arith.subf %min3A_763, %max3A_764 : vector<16xf32>
      %add3A_766 = arith.constant 1.000000e+00 : f32
      %add3A_767 = vector.broadcast %add3A_766 : f32 to vector<16xf32>
      %add3A_768 = arith.addf %sub3A_765, %add3A_767 : vector<16xf32>
      %max3A_769 = arith.constant 0.000000e+00 : f32
      %max3A_770 = vector.broadcast %max3A_769 : f32 to vector<16xf32>
      %max3A_771 = arith.maximumf %add3A_768, %max3A_770 : vector<16xf32>
      %mul3A_772 = arith.mulf %max3A_762, %max3A_771 : vector<16xf32>
      %get3A_773 = arith.constant 48 : index
      %get3A_774 = tpu.vector_load %arg17[%get3A_773] {strides = array<i32>} : memref<320xf32, #tpu.memory_space<vmem>>, vector<16xf32>,
      %add3A_775 = arith.addf %mul3A_563, %get3A_774 : vector<16xf32>
      %sub3A_776 = arith.subf %add3A_775, %mul3A_772 : vector<16xf32>
      %add3A_777 = arith.constant 9.99999971E-10 : f32
      %add3A_778 = vector.broadcast %add3A_777 : f32 to vector<16xf32>
      %add3A_779 = arith.addf %sub3A_776, %add3A_778 : vector<16xf32>
      %div3A_780 = arith.divf %mul3A_772, %add3A_779 : vector<16xf32>
      %ge3A_781 = arith.constant 5.000000e-01 : f32
      %ge3A_782 = vector.broadcast %ge3A_781 : f32 to vector<16xf32>
      %ge3A_783 = arith.cmpf oge, %div3A_780, %ge3A_782 : vector<16xf32>
      %get3A_784 = arith.constant 48 : index
      %get3A_785 = tpu.vector_load %arg12[%get3A_784] {strides = array<i32>} : memref<320xf32, #tpu.memory_space<vmem>>, vector<16xf32>,
      %select_n3A_786 = arith.select %ge3A_783, %broadcast_in_dim3A_10, %get3A_785 : vector<16xi1>, vector<16xf32>
      %swap3A_787 = arith.constant 48 : index
      %swap3A_788 = tpu.vector_load %arg12[%swap3A_787] {strides = array<i32>} : memref<320xf32, #tpu.memory_space<vmem>>, vector<16xf32>,
      tpu.vector_store %arg12[%swap3A_787], %select_n3A_786 {strides = array<i32>} : memref<320xf32, #tpu.memory_space<vmem>>, vector<16xf32>,
      %gt3A_789 = arith.cmpf ogt, %select_n3A_786, %select_n3A_740 : vector<16xf32>
      %select_n3A_790 = arith.select %gt3A_789, %select_n3A_786, %select_n3A_740 : vector<16xi1>, vector<16xf32>
      %add3A_791 = arith.constant 48 : i32
      %add3A_792 = arith.addi %mul3A_0, %add3A_791 : i32
      %add3A_793 = vector.broadcast %add3A_792 : i32 to vector<16xi32>
      %add3A_794 = arith.addi %iota3A, %add3A_793 : vector<16xi32>
      %select_n3A_795 = arith.select %gt3A_789, %add3A_794, %select_n3A_745 : vector<16xi1>, vector<16xi32>
      %get3A_796 = arith.constant 64 : index
      %get3A_797 = tpu.vector_load %arg13[%get3A_796] {strides = array<i32>} : memref<320xf32, #tpu.memory_space<vmem>>, vector<16xf32>,
      %get3A_798 = arith.constant 64 : index
      %get3A_799 = tpu.vector_load %arg14[%get3A_798] {strides = array<i32>} : memref<320xf32, #tpu.memory_space<vmem>>, vector<16xf32>,
      %get3A_800 = arith.constant 64 : index
      %get3A_801 = tpu.vector_load %arg15[%get3A_800] {strides = array<i32>} : memref<320xf32, #tpu.memory_space<vmem>>, vector<16xf32>,
      %get3A_802 = arith.constant 64 : index
      %get3A_803 = tpu.vector_load %arg16[%get3A_802] {strides = array<i32>} : memref<320xf32, #tpu.memory_space<vmem>>, vector<16xf32>,
      %min3A_804 = arith.minimumf %sub3A_550, %get3A_801 : vector<16xf32>
      %max3A_805 = arith.maximumf %gather3A_544, %get3A_797 : vector<16xf32>
      %sub3A_806 = arith.subf %min3A_804, %max3A_805 : vector<16xf32>
      %add3A_807 = arith.constant 1.000000e+00 : f32
      %add3A_808 = vector.broadcast %add3A_807 : f32 to vector<16xf32>
      %add3A_809 = arith.addf %sub3A_806, %add3A_808 : vector<16xf32>
      %max3A_810 = arith.constant 0.000000e+00 : f32
      %max3A_811 = vector.broadcast %max3A_810 : f32 to vector<16xf32>
      %max3A_812 = arith.maximumf %add3A_809, %max3A_811 : vector<16xf32>
      %min3A_813 = arith.minimumf %sub3A_554, %get3A_803 : vector<16xf32>
      %max3A_814 = arith.maximumf %gather3A_545, %get3A_799 : vector<16xf32>
      %sub3A_815 = arith.subf %min3A_813, %max3A_814 : vector<16xf32>
      %add3A_816 = arith.constant 1.000000e+00 : f32
      %add3A_817 = vector.broadcast %add3A_816 : f32 to vector<16xf32>
      %add3A_818 = arith.addf %sub3A_815, %add3A_817 : vector<16xf32>
      %max3A_819 = arith.constant 0.000000e+00 : f32
      %max3A_820 = vector.broadcast %max3A_819 : f32 to vector<16xf32>
      %max3A_821 = arith.maximumf %add3A_818, %max3A_820 : vector<16xf32>
      %mul3A_822 = arith.mulf %max3A_812, %max3A_821 : vector<16xf32>
      %get3A_823 = arith.constant 64 : index
      %get3A_824 = tpu.vector_load %arg17[%get3A_823] {strides = array<i32>} : memref<320xf32, #tpu.memory_space<vmem>>, vector<16xf32>,
      %add3A_825 = arith.addf %mul3A_563, %get3A_824 : vector<16xf32>
      %sub3A_826 = arith.subf %add3A_825, %mul3A_822 : vector<16xf32>
      %add3A_827 = arith.constant 9.99999971E-10 : f32
      %add3A_828 = vector.broadcast %add3A_827 : f32 to vector<16xf32>
      %add3A_829 = arith.addf %sub3A_826, %add3A_828 : vector<16xf32>
      %div3A_830 = arith.divf %mul3A_822, %add3A_829 : vector<16xf32>
      %ge3A_831 = arith.constant 5.000000e-01 : f32
      %ge3A_832 = vector.broadcast %ge3A_831 : f32 to vector<16xf32>
      %ge3A_833 = arith.cmpf oge, %div3A_830, %ge3A_832 : vector<16xf32>
      %get3A_834 = arith.constant 64 : index
      %get3A_835 = tpu.vector_load %arg12[%get3A_834] {strides = array<i32>} : memref<320xf32, #tpu.memory_space<vmem>>, vector<16xf32>,
      %select_n3A_836 = arith.select %ge3A_833, %broadcast_in_dim3A_10, %get3A_835 : vector<16xi1>, vector<16xf32>
      %swap3A_837 = arith.constant 64 : index
      %swap3A_838 = tpu.vector_load %arg12[%swap3A_837] {strides = array<i32>} : memref<320xf32, #tpu.memory_space<vmem>>, vector<16xf32>,
      tpu.vector_store %arg12[%swap3A_837], %select_n3A_836 {strides = array<i32>} : memref<320xf32, #tpu.memory_space<vmem>>, vector<16xf32>,
      %gt3A_839 = arith.cmpf ogt, %select_n3A_836, %select_n3A_790 : vector<16xf32>
      %select_n3A_840 = arith.select %gt3A_839, %select_n3A_836, %select_n3A_790 : vector<16xi1>, vector<16xf32>
      %add3A_841 = arith.constant 64 : i32
      %add3A_842 = arith.addi %mul3A_0, %add3A_841 : i32
      %add3A_843 = vector.broadcast %add3A_842 : i32 to vector<16xi32>
      %add3A_844 = arith.addi %iota3A, %add3A_843 : vector<16xi32>
      %select_n3A_845 = arith.select %gt3A_839, %add3A_844, %select_n3A_795 : vector<16xi1>, vector<16xi32>
      %get3A_846 = arith.constant 80 : index
      %get3A_847 = tpu.vector_load %arg13[%get3A_846] {strides = array<i32>} : memref<320xf32, #tpu.memory_space<vmem>>, vector<16xf32>,
      %get3A_848 = arith.constant 80 : index
      %get3A_849 = tpu.vector_load %arg14[%get3A_848] {strides = array<i32>} : memref<320xf32, #tpu.memory_space<vmem>>, vector<16xf32>,
      %get3A_850 = arith.constant 80 : index
      %get3A_851 = tpu.vector_load %arg15[%get3A_850] {strides = array<i32>} : memref<320xf32, #tpu.memory_space<vmem>>, vector<16xf32>,
      %get3A_852 = arith.constant 80 : index
      %get3A_853 = tpu.vector_load %arg16[%get3A_852] {strides = array<i32>} : memref<320xf32, #tpu.memory_space<vmem>>, vector<16xf32>,
      %min3A_854 = arith.minimumf %sub3A_550, %get3A_851 : vector<16xf32>
      %max3A_855 = arith.maximumf %gather3A_544, %get3A_847 : vector<16xf32>
      %sub3A_856 = arith.subf %min3A_854, %max3A_855 : vector<16xf32>
      %add3A_857 = arith.constant 1.000000e+00 : f32
      %add3A_858 = vector.broadcast %add3A_857 : f32 to vector<16xf32>
      %add3A_859 = arith.addf %sub3A_856, %add3A_858 : vector<16xf32>
      %max3A_860 = arith.constant 0.000000e+00 : f32
      %max3A_861 = vector.broadcast %max3A_860 : f32 to vector<16xf32>
      %max3A_862 = arith.maximumf %add3A_859, %max3A_861 : vector<16xf32>
      %min3A_863 = arith.minimumf %sub3A_554, %get3A_853 : vector<16xf32>
      %max3A_864 = arith.maximumf %gather3A_545, %get3A_849 : vector<16xf32>
      %sub3A_865 = arith.subf %min3A_863, %max3A_864 : vector<16xf32>
      %add3A_866 = arith.constant 1.000000e+00 : f32
      %add3A_867 = vector.broadcast %add3A_866 : f32 to vector<16xf32>
      %add3A_868 = arith.addf %sub3A_865, %add3A_867 : vector<16xf32>
      %max3A_869 = arith.constant 0.000000e+00 : f32
      %max3A_870 = vector.broadcast %max3A_869 : f32 to vector<16xf32>
      %max3A_871 = arith.maximumf %add3A_868, %max3A_870 : vector<16xf32>
      %mul3A_872 = arith.mulf %max3A_862, %max3A_871 : vector<16xf32>
      %get3A_873 = arith.constant 80 : index
      %get3A_874 = tpu.vector_load %arg17[%get3A_873] {strides = array<i32>} : memref<320xf32, #tpu.memory_space<vmem>>, vector<16xf32>,
      %add3A_875 = arith.addf %mul3A_563, %get3A_874 : vector<16xf32>
      %sub3A_876 = arith.subf %add3A_875, %mul3A_872 : vector<16xf32>
      %add3A_877 = arith.constant 9.99999971E-10 : f32
      %add3A_878 = vector.broadcast %add3A_877 : f32 to vector<16xf32>
      %add3A_879 = arith.addf %sub3A_876, %add3A_878 : vector<16xf32>
      %div3A_880 = arith.divf %mul3A_872, %add3A_879 : vector<16xf32>
      %ge3A_881 = arith.constant 5.000000e-01 : f32
      %ge3A_882 = vector.broadcast %ge3A_881 : f32 to vector<16xf32>
      %ge3A_883 = arith.cmpf oge, %div3A_880, %ge3A_882 : vector<16xf32>
      %get3A_884 = arith.constant 80 : index
      %get3A_885 = tpu.vector_load %arg12[%get3A_884] {strides = array<i32>} : memref<320xf32, #tpu.memory_space<vmem>>, vector<16xf32>,
      %select_n3A_886 = arith.select %ge3A_883, %broadcast_in_dim3A_10, %get3A_885 : vector<16xi1>, vector<16xf32>
      %swap3A_887 = arith.constant 80 : index
      %swap3A_888 = tpu.vector_load %arg12[%swap3A_887] {strides = array<i32>} : memref<320xf32, #tpu.memory_space<vmem>>, vector<16xf32>,
      tpu.vector_store %arg12[%swap3A_887], %select_n3A_886 {strides = array<i32>} : memref<320xf32, #tpu.memory_space<vmem>>, vector<16xf32>,
      %gt3A_889 = arith.cmpf ogt, %select_n3A_886, %select_n3A_840 : vector<16xf32>
      %select_n3A_890 = arith.select %gt3A_889, %select_n3A_886, %select_n3A_840 : vector<16xi1>, vector<16xf32>
      %add3A_891 = arith.constant 80 : i32
      %add3A_892 = arith.addi %mul3A_0, %add3A_891 : i32
      %add3A_893 = vector.broadcast %add3A_892 : i32 to vector<16xi32>
      %add3A_894 = arith.addi %iota3A, %add3A_893 : vector<16xi32>
      %select_n3A_895 = arith.select %gt3A_889, %add3A_894, %select_n3A_845 : vector<16xi1>, vector<16xi32>
      %get3A_896 = arith.constant 96 : index
      %get3A_897 = tpu.vector_load %arg13[%get3A_896] {strides = array<i32>} : memref<320xf32, #tpu.memory_space<vmem>>, vector<16xf32>,
      %get3A_898 = arith.constant 96 : index
      %get3A_899 = tpu.vector_load %arg14[%get3A_898] {strides = array<i32>} : memref<320xf32, #tpu.memory_space<vmem>>, vector<16xf32>,
      %get3A_900 = arith.constant 96 : index
      %get3A_901 = tpu.vector_load %arg15[%get3A_900] {strides = array<i32>} : memref<320xf32, #tpu.memory_space<vmem>>, vector<16xf32>,
      %get3A_902 = arith.constant 96 : index
      %get3A_903 = tpu.vector_load %arg16[%get3A_902] {strides = array<i32>} : memref<320xf32, #tpu.memory_space<vmem>>, vector<16xf32>,
      %min3A_904 = arith.minimumf %sub3A_550, %get3A_901 : vector<16xf32>
      %max3A_905 = arith.maximumf %gather3A_544, %get3A_897 : vector<16xf32>
      %sub3A_906 = arith.subf %min3A_904, %max3A_905 : vector<16xf32>
      %add3A_907 = arith.constant 1.000000e+00 : f32
      %add3A_908 = vector.broadcast %add3A_907 : f32 to vector<16xf32>
      %add3A_909 = arith.addf %sub3A_906, %add3A_908 : vector<16xf32>
      %max3A_910 = arith.constant 0.000000e+00 : f32
      %max3A_911 = vector.broadcast %max3A_910 : f32 to vector<16xf32>
      %max3A_912 = arith.maximumf %add3A_909, %max3A_911 : vector<16xf32>
      %min3A_913 = arith.minimumf %sub3A_554, %get3A_903 : vector<16xf32>
      %max3A_914 = arith.maximumf %gather3A_545, %get3A_899 : vector<16xf32>
      %sub3A_915 = arith.subf %min3A_913, %max3A_914 : vector<16xf32>
      %add3A_916 = arith.constant 1.000000e+00 : f32
      %add3A_917 = vector.broadcast %add3A_916 : f32 to vector<16xf32>
      %add3A_918 = arith.addf %sub3A_915, %add3A_917 : vector<16xf32>
      %max3A_919 = arith.constant 0.000000e+00 : f32
      %max3A_920 = vector.broadcast %max3A_919 : f32 to vector<16xf32>
      %max3A_921 = arith.maximumf %add3A_918, %max3A_920 : vector<16xf32>
      %mul3A_922 = arith.mulf %max3A_912, %max3A_921 : vector<16xf32>
      %get3A_923 = arith.constant 96 : index
      %get3A_924 = tpu.vector_load %arg17[%get3A_923] {strides = array<i32>} : memref<320xf32, #tpu.memory_space<vmem>>, vector<16xf32>,
      %add3A_925 = arith.addf %mul3A_563, %get3A_924 : vector<16xf32>
      %sub3A_926 = arith.subf %add3A_925, %mul3A_922 : vector<16xf32>
      %add3A_927 = arith.constant 9.99999971E-10 : f32
      %add3A_928 = vector.broadcast %add3A_927 : f32 to vector<16xf32>
      %add3A_929 = arith.addf %sub3A_926, %add3A_928 : vector<16xf32>
      %div3A_930 = arith.divf %mul3A_922, %add3A_929 : vector<16xf32>
      %ge3A_931 = arith.constant 5.000000e-01 : f32
      %ge3A_932 = vector.broadcast %ge3A_931 : f32 to vector<16xf32>
      %ge3A_933 = arith.cmpf oge, %div3A_930, %ge3A_932 : vector<16xf32>
      %get3A_934 = arith.constant 96 : index
      %get3A_935 = tpu.vector_load %arg12[%get3A_934] {strides = array<i32>} : memref<320xf32, #tpu.memory_space<vmem>>, vector<16xf32>,
      %select_n3A_936 = arith.select %ge3A_933, %broadcast_in_dim3A_10, %get3A_935 : vector<16xi1>, vector<16xf32>
      %swap3A_937 = arith.constant 96 : index
      %swap3A_938 = tpu.vector_load %arg12[%swap3A_937] {strides = array<i32>} : memref<320xf32, #tpu.memory_space<vmem>>, vector<16xf32>,
      tpu.vector_store %arg12[%swap3A_937], %select_n3A_936 {strides = array<i32>} : memref<320xf32, #tpu.memory_space<vmem>>, vector<16xf32>,
      %gt3A_939 = arith.cmpf ogt, %select_n3A_936, %select_n3A_890 : vector<16xf32>
      %select_n3A_940 = arith.select %gt3A_939, %select_n3A_936, %select_n3A_890 : vector<16xi1>, vector<16xf32>
      %add3A_941 = arith.constant 96 : i32
      %add3A_942 = arith.addi %mul3A_0, %add3A_941 : i32
      %add3A_943 = vector.broadcast %add3A_942 : i32 to vector<16xi32>
      %add3A_944 = arith.addi %iota3A, %add3A_943 : vector<16xi32>
      %select_n3A_945 = arith.select %gt3A_939, %add3A_944, %select_n3A_895 : vector<16xi1>, vector<16xi32>
      %get3A_946 = arith.constant 112 : index
      %get3A_947 = tpu.vector_load %arg13[%get3A_946] {strides = array<i32>} : memref<320xf32, #tpu.memory_space<vmem>>, vector<16xf32>,
      %get3A_948 = arith.constant 112 : index
      %get3A_949 = tpu.vector_load %arg14[%get3A_948] {strides = array<i32>} : memref<320xf32, #tpu.memory_space<vmem>>, vector<16xf32>,
      %get3A_950 = arith.constant 112 : index
      %get3A_951 = tpu.vector_load %arg15[%get3A_950] {strides = array<i32>} : memref<320xf32, #tpu.memory_space<vmem>>, vector<16xf32>,
      %get3A_952 = arith.constant 112 : index
      %get3A_953 = tpu.vector_load %arg16[%get3A_952] {strides = array<i32>} : memref<320xf32, #tpu.memory_space<vmem>>, vector<16xf32>,
      %min3A_954 = arith.minimumf %sub3A_550, %get3A_951 : vector<16xf32>
      %max3A_955 = arith.maximumf %gather3A_544, %get3A_947 : vector<16xf32>
      %sub3A_956 = arith.subf %min3A_954, %max3A_955 : vector<16xf32>
      %add3A_957 = arith.constant 1.000000e+00 : f32
      %add3A_958 = vector.broadcast %add3A_957 : f32 to vector<16xf32>
      %add3A_959 = arith.addf %sub3A_956, %add3A_958 : vector<16xf32>
      %max3A_960 = arith.constant 0.000000e+00 : f32
      %max3A_961 = vector.broadcast %max3A_960 : f32 to vector<16xf32>
      %max3A_962 = arith.maximumf %add3A_959, %max3A_961 : vector<16xf32>
      %min3A_963 = arith.minimumf %sub3A_554, %get3A_953 : vector<16xf32>
      %max3A_964 = arith.maximumf %gather3A_545, %get3A_949 : vector<16xf32>
      %sub3A_965 = arith.subf %min3A_963, %max3A_964 : vector<16xf32>
      %add3A_966 = arith.constant 1.000000e+00 : f32
      %add3A_967 = vector.broadcast %add3A_966 : f32 to vector<16xf32>
      %add3A_968 = arith.addf %sub3A_965, %add3A_967 : vector<16xf32>
      %max3A_969 = arith.constant 0.000000e+00 : f32
      %max3A_970 = vector.broadcast %max3A_969 : f32 to vector<16xf32>
      %max3A_971 = arith.maximumf %add3A_968, %max3A_970 : vector<16xf32>
      %mul3A_972 = arith.mulf %max3A_962, %max3A_971 : vector<16xf32>
      %get3A_973 = arith.constant 112 : index
      %get3A_974 = tpu.vector_load %arg17[%get3A_973] {strides = array<i32>} : memref<320xf32, #tpu.memory_space<vmem>>, vector<16xf32>,
      %add3A_975 = arith.addf %mul3A_563, %get3A_974 : vector<16xf32>
      %sub3A_976 = arith.subf %add3A_975, %mul3A_972 : vector<16xf32>
      %add3A_977 = arith.constant 9.99999971E-10 : f32
      %add3A_978 = vector.broadcast %add3A_977 : f32 to vector<16xf32>
      %add3A_979 = arith.addf %sub3A_976, %add3A_978 : vector<16xf32>
      %div3A_980 = arith.divf %mul3A_972, %add3A_979 : vector<16xf32>
      %ge3A_981 = arith.constant 5.000000e-01 : f32
      %ge3A_982 = vector.broadcast %ge3A_981 : f32 to vector<16xf32>
      %ge3A_983 = arith.cmpf oge, %div3A_980, %ge3A_982 : vector<16xf32>
      %get3A_984 = arith.constant 112 : index
      %get3A_985 = tpu.vector_load %arg12[%get3A_984] {strides = array<i32>} : memref<320xf32, #tpu.memory_space<vmem>>, vector<16xf32>,
      %select_n3A_986 = arith.select %ge3A_983, %broadcast_in_dim3A_10, %get3A_985 : vector<16xi1>, vector<16xf32>
      %swap3A_987 = arith.constant 112 : index
      %swap3A_988 = tpu.vector_load %arg12[%swap3A_987] {strides = array<i32>} : memref<320xf32, #tpu.memory_space<vmem>>, vector<16xf32>,
      tpu.vector_store %arg12[%swap3A_987], %select_n3A_986 {strides = array<i32>} : memref<320xf32, #tpu.memory_space<vmem>>, vector<16xf32>,
      %gt3A_989 = arith.cmpf ogt, %select_n3A_986, %select_n3A_940 : vector<16xf32>
      %select_n3A_990 = arith.select %gt3A_989, %select_n3A_986, %select_n3A_940 : vector<16xi1>, vector<16xf32>
      %add3A_991 = arith.constant 112 : i32
      %add3A_992 = arith.addi %mul3A_0, %add3A_991 : i32
      %add3A_993 = vector.broadcast %add3A_992 : i32 to vector<16xi32>
      %add3A_994 = arith.addi %iota3A, %add3A_993 : vector<16xi32>
      %select_n3A_995 = arith.select %gt3A_989, %add3A_994, %select_n3A_945 : vector<16xi1>, vector<16xi32>
      %get3A_996 = arith.constant 128 : index
      %get3A_997 = tpu.vector_load %arg13[%get3A_996] {strides = array<i32>} : memref<320xf32, #tpu.memory_space<vmem>>, vector<16xf32>,
      %get3A_998 = arith.constant 128 : index
      %get3A_999 = tpu.vector_load %arg14[%get3A_998] {strides = array<i32>} : memref<320xf32, #tpu.memory_space<vmem>>, vector<16xf32>,
      %get3A_1000 = arith.constant 128 : index
      %get3A_1001 = tpu.vector_load %arg15[%get3A_1000] {strides = array<i32>} : memref<320xf32, #tpu.memory_space<vmem>>, vector<16xf32>,
      %get3A_1002 = arith.constant 128 : index
      %get3A_1003 = tpu.vector_load %arg16[%get3A_1002] {strides = array<i32>} : memref<320xf32, #tpu.memory_space<vmem>>, vector<16xf32>,
      %min3A_1004 = arith.minimumf %sub3A_550, %get3A_1001 : vector<16xf32>
      %max3A_1005 = arith.maximumf %gather3A_544, %get3A_997 : vector<16xf32>
      %sub3A_1006 = arith.subf %min3A_1004, %max3A_1005 : vector<16xf32>
      %add3A_1007 = arith.constant 1.000000e+00 : f32
      %add3A_1008 = vector.broadcast %add3A_1007 : f32 to vector<16xf32>
      %add3A_1009 = arith.addf %sub3A_1006, %add3A_1008 : vector<16xf32>
      %max3A_1010 = arith.constant 0.000000e+00 : f32
      %max3A_1011 = vector.broadcast %max3A_1010 : f32 to vector<16xf32>
      %max3A_1012 = arith.maximumf %add3A_1009, %max3A_1011 : vector<16xf32>
      %min3A_1013 = arith.minimumf %sub3A_554, %get3A_1003 : vector<16xf32>
      %max3A_1014 = arith.maximumf %gather3A_545, %get3A_999 : vector<16xf32>
      %sub3A_1015 = arith.subf %min3A_1013, %max3A_1014 : vector<16xf32>
      %add3A_1016 = arith.constant 1.000000e+00 : f32
      %add3A_1017 = vector.broadcast %add3A_1016 : f32 to vector<16xf32>
      %add3A_1018 = arith.addf %sub3A_1015, %add3A_1017 : vector<16xf32>
      %max3A_1019 = arith.constant 0.000000e+00 : f32
      %max3A_1020 = vector.broadcast %max3A_1019 : f32 to vector<16xf32>
      %max3A_1021 = arith.maximumf %add3A_1018, %max3A_1020 : vector<16xf32>
      %mul3A_1022 = arith.mulf %max3A_1012, %max3A_1021 : vector<16xf32>
      %get3A_1023 = arith.constant 128 : index
      %get3A_1024 = tpu.vector_load %arg17[%get3A_1023] {strides = array<i32>} : memref<320xf32, #tpu.memory_space<vmem>>, vector<16xf32>,
      %add3A_1025 = arith.addf %mul3A_563, %get3A_1024 : vector<16xf32>
      %sub3A_1026 = arith.subf %add3A_1025, %mul3A_1022 : vector<16xf32>
      %add3A_1027 = arith.constant 9.99999971E-10 : f32
      %add3A_1028 = vector.broadcast %add3A_1027 : f32 to vector<16xf32>
      %add3A_1029 = arith.addf %sub3A_1026, %add3A_1028 : vector<16xf32>
      %div3A_1030 = arith.divf %mul3A_1022, %add3A_1029 : vector<16xf32>
      %ge3A_1031 = arith.constant 5.000000e-01 : f32
      %ge3A_1032 = vector.broadcast %ge3A_1031 : f32 to vector<16xf32>
      %ge3A_1033 = arith.cmpf oge, %div3A_1030, %ge3A_1032 : vector<16xf32>
      %get3A_1034 = arith.constant 128 : index
      %get3A_1035 = tpu.vector_load %arg12[%get3A_1034] {strides = array<i32>} : memref<320xf32, #tpu.memory_space<vmem>>, vector<16xf32>,
      %select_n3A_1036 = arith.select %ge3A_1033, %broadcast_in_dim3A_10, %get3A_1035 : vector<16xi1>, vector<16xf32>
      %swap3A_1037 = arith.constant 128 : index
      %swap3A_1038 = tpu.vector_load %arg12[%swap3A_1037] {strides = array<i32>} : memref<320xf32, #tpu.memory_space<vmem>>, vector<16xf32>,
      tpu.vector_store %arg12[%swap3A_1037], %select_n3A_1036 {strides = array<i32>} : memref<320xf32, #tpu.memory_space<vmem>>, vector<16xf32>,
      %gt3A_1039 = arith.cmpf ogt, %select_n3A_1036, %select_n3A_990 : vector<16xf32>
      %select_n3A_1040 = arith.select %gt3A_1039, %select_n3A_1036, %select_n3A_990 : vector<16xi1>, vector<16xf32>
      %add3A_1041 = arith.constant 128 : i32
      %add3A_1042 = arith.addi %mul3A_0, %add3A_1041 : i32
      %add3A_1043 = vector.broadcast %add3A_1042 : i32 to vector<16xi32>
      %add3A_1044 = arith.addi %iota3A, %add3A_1043 : vector<16xi32>
      %select_n3A_1045 = arith.select %gt3A_1039, %add3A_1044, %select_n3A_995 : vector<16xi1>, vector<16xi32>
      %get3A_1046 = arith.constant 144 : index
      %get3A_1047 = tpu.vector_load %arg13[%get3A_1046] {strides = array<i32>} : memref<320xf32, #tpu.memory_space<vmem>>, vector<16xf32>,
      %get3A_1048 = arith.constant 144 : index
      %get3A_1049 = tpu.vector_load %arg14[%get3A_1048] {strides = array<i32>} : memref<320xf32, #tpu.memory_space<vmem>>, vector<16xf32>,
      %get3A_1050 = arith.constant 144 : index
      %get3A_1051 = tpu.vector_load %arg15[%get3A_1050] {strides = array<i32>} : memref<320xf32, #tpu.memory_space<vmem>>, vector<16xf32>,
      %get3A_1052 = arith.constant 144 : index
      %get3A_1053 = tpu.vector_load %arg16[%get3A_1052] {strides = array<i32>} : memref<320xf32, #tpu.memory_space<vmem>>, vector<16xf32>,
      %min3A_1054 = arith.minimumf %sub3A_550, %get3A_1051 : vector<16xf32>
      %max3A_1055 = arith.maximumf %gather3A_544, %get3A_1047 : vector<16xf32>
      %sub3A_1056 = arith.subf %min3A_1054, %max3A_1055 : vector<16xf32>
      %add3A_1057 = arith.constant 1.000000e+00 : f32
      %add3A_1058 = vector.broadcast %add3A_1057 : f32 to vector<16xf32>
      %add3A_1059 = arith.addf %sub3A_1056, %add3A_1058 : vector<16xf32>
      %max3A_1060 = arith.constant 0.000000e+00 : f32
      %max3A_1061 = vector.broadcast %max3A_1060 : f32 to vector<16xf32>
      %max3A_1062 = arith.maximumf %add3A_1059, %max3A_1061 : vector<16xf32>
      %min3A_1063 = arith.minimumf %sub3A_554, %get3A_1053 : vector<16xf32>
      %max3A_1064 = arith.maximumf %gather3A_545, %get3A_1049 : vector<16xf32>
      %sub3A_1065 = arith.subf %min3A_1063, %max3A_1064 : vector<16xf32>
      %add3A_1066 = arith.constant 1.000000e+00 : f32
      %add3A_1067 = vector.broadcast %add3A_1066 : f32 to vector<16xf32>
      %add3A_1068 = arith.addf %sub3A_1065, %add3A_1067 : vector<16xf32>
      %max3A_1069 = arith.constant 0.000000e+00 : f32
      %max3A_1070 = vector.broadcast %max3A_1069 : f32 to vector<16xf32>
      %max3A_1071 = arith.maximumf %add3A_1068, %max3A_1070 : vector<16xf32>
      %mul3A_1072 = arith.mulf %max3A_1062, %max3A_1071 : vector<16xf32>
      %get3A_1073 = arith.constant 144 : index
      %get3A_1074 = tpu.vector_load %arg17[%get3A_1073] {strides = array<i32>} : memref<320xf32, #tpu.memory_space<vmem>>, vector<16xf32>,
      %add3A_1075 = arith.addf %mul3A_563, %get3A_1074 : vector<16xf32>
      %sub3A_1076 = arith.subf %add3A_1075, %mul3A_1072 : vector<16xf32>
      %add3A_1077 = arith.constant 9.99999971E-10 : f32
      %add3A_1078 = vector.broadcast %add3A_1077 : f32 to vector<16xf32>
      %add3A_1079 = arith.addf %sub3A_1076, %add3A_1078 : vector<16xf32>
      %div3A_1080 = arith.divf %mul3A_1072, %add3A_1079 : vector<16xf32>
      %ge3A_1081 = arith.constant 5.000000e-01 : f32
      %ge3A_1082 = vector.broadcast %ge3A_1081 : f32 to vector<16xf32>
      %ge3A_1083 = arith.cmpf oge, %div3A_1080, %ge3A_1082 : vector<16xf32>
      %get3A_1084 = arith.constant 144 : index
      %get3A_1085 = tpu.vector_load %arg12[%get3A_1084] {strides = array<i32>} : memref<320xf32, #tpu.memory_space<vmem>>, vector<16xf32>,
      %select_n3A_1086 = arith.select %ge3A_1083, %broadcast_in_dim3A_10, %get3A_1085 : vector<16xi1>, vector<16xf32>
      %swap3A_1087 = arith.constant 144 : index
      %swap3A_1088 = tpu.vector_load %arg12[%swap3A_1087] {strides = array<i32>} : memref<320xf32, #tpu.memory_space<vmem>>, vector<16xf32>,
      tpu.vector_store %arg12[%swap3A_1087], %select_n3A_1086 {strides = array<i32>} : memref<320xf32, #tpu.memory_space<vmem>>, vector<16xf32>,
      %gt3A_1089 = arith.cmpf ogt, %select_n3A_1086, %select_n3A_1040 : vector<16xf32>
      %select_n3A_1090 = arith.select %gt3A_1089, %select_n3A_1086, %select_n3A_1040 : vector<16xi1>, vector<16xf32>
      %add3A_1091 = arith.constant 144 : i32
      %add3A_1092 = arith.addi %mul3A_0, %add3A_1091 : i32
      %add3A_1093 = vector.broadcast %add3A_1092 : i32 to vector<16xi32>
      %add3A_1094 = arith.addi %iota3A, %add3A_1093 : vector<16xi32>
      %select_n3A_1095 = arith.select %gt3A_1089, %add3A_1094, %select_n3A_1045 : vector<16xi1>, vector<16xi32>
      %get3A_1096 = arith.constant 160 : index
      %get3A_1097 = tpu.vector_load %arg13[%get3A_1096] {strides = array<i32>} : memref<320xf32, #tpu.memory_space<vmem>>, vector<16xf32>,
      %get3A_1098 = arith.constant 160 : index
      %get3A_1099 = tpu.vector_load %arg14[%get3A_1098] {strides = array<i32>} : memref<320xf32, #tpu.memory_space<vmem>>, vector<16xf32>,
      %get3A_1100 = arith.constant 160 : index
      %get3A_1101 = tpu.vector_load %arg15[%get3A_1100] {strides = array<i32>} : memref<320xf32, #tpu.memory_space<vmem>>, vector<16xf32>,
      %get3A_1102 = arith.constant 160 : index
      %get3A_1103 = tpu.vector_load %arg16[%get3A_1102] {strides = array<i32>} : memref<320xf32, #tpu.memory_space<vmem>>, vector<16xf32>,
      %min3A_1104 = arith.minimumf %sub3A_550, %get3A_1101 : vector<16xf32>
      %max3A_1105 = arith.maximumf %gather3A_544, %get3A_1097 : vector<16xf32>
      %sub3A_1106 = arith.subf %min3A_1104, %max3A_1105 : vector<16xf32>
      %add3A_1107 = arith.constant 1.000000e+00 : f32
      %add3A_1108 = vector.broadcast %add3A_1107 : f32 to vector<16xf32>
      %add3A_1109 = arith.addf %sub3A_1106, %add3A_1108 : vector<16xf32>
      %max3A_1110 = arith.constant 0.000000e+00 : f32
      %max3A_1111 = vector.broadcast %max3A_1110 : f32 to vector<16xf32>
      %max3A_1112 = arith.maximumf %add3A_1109, %max3A_1111 : vector<16xf32>
      %min3A_1113 = arith.minimumf %sub3A_554, %get3A_1103 : vector<16xf32>
      %max3A_1114 = arith.maximumf %gather3A_545, %get3A_1099 : vector<16xf32>
      %sub3A_1115 = arith.subf %min3A_1113, %max3A_1114 : vector<16xf32>
      %add3A_1116 = arith.constant 1.000000e+00 : f32
      %add3A_1117 = vector.broadcast %add3A_1116 : f32 to vector<16xf32>
      %add3A_1118 = arith.addf %sub3A_1115, %add3A_1117 : vector<16xf32>
      %max3A_1119 = arith.constant 0.000000e+00 : f32
      %max3A_1120 = vector.broadcast %max3A_1119 : f32 to vector<16xf32>
      %max3A_1121 = arith.maximumf %add3A_1118, %max3A_1120 : vector<16xf32>
      %mul3A_1122 = arith.mulf %max3A_1112, %max3A_1121 : vector<16xf32>
      %get3A_1123 = arith.constant 160 : index
      %get3A_1124 = tpu.vector_load %arg17[%get3A_1123] {strides = array<i32>} : memref<320xf32, #tpu.memory_space<vmem>>, vector<16xf32>,
      %add3A_1125 = arith.addf %mul3A_563, %get3A_1124 : vector<16xf32>
      %sub3A_1126 = arith.subf %add3A_1125, %mul3A_1122 : vector<16xf32>
      %add3A_1127 = arith.constant 9.99999971E-10 : f32
      %add3A_1128 = vector.broadcast %add3A_1127 : f32 to vector<16xf32>
      %add3A_1129 = arith.addf %sub3A_1126, %add3A_1128 : vector<16xf32>
      %div3A_1130 = arith.divf %mul3A_1122, %add3A_1129 : vector<16xf32>
      %ge3A_1131 = arith.constant 5.000000e-01 : f32
      %ge3A_1132 = vector.broadcast %ge3A_1131 : f32 to vector<16xf32>
      %ge3A_1133 = arith.cmpf oge, %div3A_1130, %ge3A_1132 : vector<16xf32>
      %get3A_1134 = arith.constant 160 : index
      %get3A_1135 = tpu.vector_load %arg12[%get3A_1134] {strides = array<i32>} : memref<320xf32, #tpu.memory_space<vmem>>, vector<16xf32>,
      %select_n3A_1136 = arith.select %ge3A_1133, %broadcast_in_dim3A_10, %get3A_1135 : vector<16xi1>, vector<16xf32>
      %swap3A_1137 = arith.constant 160 : index
      %swap3A_1138 = tpu.vector_load %arg12[%swap3A_1137] {strides = array<i32>} : memref<320xf32, #tpu.memory_space<vmem>>, vector<16xf32>,
      tpu.vector_store %arg12[%swap3A_1137], %select_n3A_1136 {strides = array<i32>} : memref<320xf32, #tpu.memory_space<vmem>>, vector<16xf32>,
      %gt3A_1139 = arith.cmpf ogt, %select_n3A_1136, %select_n3A_1090 : vector<16xf32>
      %select_n3A_1140 = arith.select %gt3A_1139, %select_n3A_1136, %select_n3A_1090 : vector<16xi1>, vector<16xf32>
      %add3A_1141 = arith.constant 160 : i32
      %add3A_1142 = arith.addi %mul3A_0, %add3A_1141 : i32
      %add3A_1143 = vector.broadcast %add3A_1142 : i32 to vector<16xi32>
      %add3A_1144 = arith.addi %iota3A, %add3A_1143 : vector<16xi32>
      %select_n3A_1145 = arith.select %gt3A_1139, %add3A_1144, %select_n3A_1095 : vector<16xi1>, vector<16xi32>
      %get3A_1146 = arith.constant 176 : index
      %get3A_1147 = tpu.vector_load %arg13[%get3A_1146] {strides = array<i32>} : memref<320xf32, #tpu.memory_space<vmem>>, vector<16xf32>,
      %get3A_1148 = arith.constant 176 : index
      %get3A_1149 = tpu.vector_load %arg14[%get3A_1148] {strides = array<i32>} : memref<320xf32, #tpu.memory_space<vmem>>, vector<16xf32>,
      %get3A_1150 = arith.constant 176 : index
      %get3A_1151 = tpu.vector_load %arg15[%get3A_1150] {strides = array<i32>} : memref<320xf32, #tpu.memory_space<vmem>>, vector<16xf32>,
      %get3A_1152 = arith.constant 176 : index
      %get3A_1153 = tpu.vector_load %arg16[%get3A_1152] {strides = array<i32>} : memref<320xf32, #tpu.memory_space<vmem>>, vector<16xf32>,
      %min3A_1154 = arith.minimumf %sub3A_550, %get3A_1151 : vector<16xf32>
      %max3A_1155 = arith.maximumf %gather3A_544, %get3A_1147 : vector<16xf32>
      %sub3A_1156 = arith.subf %min3A_1154, %max3A_1155 : vector<16xf32>
      %add3A_1157 = arith.constant 1.000000e+00 : f32
      %add3A_1158 = vector.broadcast %add3A_1157 : f32 to vector<16xf32>
      %add3A_1159 = arith.addf %sub3A_1156, %add3A_1158 : vector<16xf32>
      %max3A_1160 = arith.constant 0.000000e+00 : f32
      %max3A_1161 = vector.broadcast %max3A_1160 : f32 to vector<16xf32>
      %max3A_1162 = arith.maximumf %add3A_1159, %max3A_1161 : vector<16xf32>
      %min3A_1163 = arith.minimumf %sub3A_554, %get3A_1153 : vector<16xf32>
      %max3A_1164 = arith.maximumf %gather3A_545, %get3A_1149 : vector<16xf32>
      %sub3A_1165 = arith.subf %min3A_1163, %max3A_1164 : vector<16xf32>
      %add3A_1166 = arith.constant 1.000000e+00 : f32
      %add3A_1167 = vector.broadcast %add3A_1166 : f32 to vector<16xf32>
      %add3A_1168 = arith.addf %sub3A_1165, %add3A_1167 : vector<16xf32>
      %max3A_1169 = arith.constant 0.000000e+00 : f32
      %max3A_1170 = vector.broadcast %max3A_1169 : f32 to vector<16xf32>
      %max3A_1171 = arith.maximumf %add3A_1168, %max3A_1170 : vector<16xf32>
      %mul3A_1172 = arith.mulf %max3A_1162, %max3A_1171 : vector<16xf32>
      %get3A_1173 = arith.constant 176 : index
      %get3A_1174 = tpu.vector_load %arg17[%get3A_1173] {strides = array<i32>} : memref<320xf32, #tpu.memory_space<vmem>>, vector<16xf32>,
      %add3A_1175 = arith.addf %mul3A_563, %get3A_1174 : vector<16xf32>
      %sub3A_1176 = arith.subf %add3A_1175, %mul3A_1172 : vector<16xf32>
      %add3A_1177 = arith.constant 9.99999971E-10 : f32
      %add3A_1178 = vector.broadcast %add3A_1177 : f32 to vector<16xf32>
      %add3A_1179 = arith.addf %sub3A_1176, %add3A_1178 : vector<16xf32>
      %div3A_1180 = arith.divf %mul3A_1172, %add3A_1179 : vector<16xf32>
      %ge3A_1181 = arith.constant 5.000000e-01 : f32
      %ge3A_1182 = vector.broadcast %ge3A_1181 : f32 to vector<16xf32>
      %ge3A_1183 = arith.cmpf oge, %div3A_1180, %ge3A_1182 : vector<16xf32>
      %get3A_1184 = arith.constant 176 : index
      %get3A_1185 = tpu.vector_load %arg12[%get3A_1184] {strides = array<i32>} : memref<320xf32, #tpu.memory_space<vmem>>, vector<16xf32>,
      %select_n3A_1186 = arith.select %ge3A_1183, %broadcast_in_dim3A_10, %get3A_1185 : vector<16xi1>, vector<16xf32>
      %swap3A_1187 = arith.constant 176 : index
      %swap3A_1188 = tpu.vector_load %arg12[%swap3A_1187] {strides = array<i32>} : memref<320xf32, #tpu.memory_space<vmem>>, vector<16xf32>,
      tpu.vector_store %arg12[%swap3A_1187], %select_n3A_1186 {strides = array<i32>} : memref<320xf32, #tpu.memory_space<vmem>>, vector<16xf32>,
      %gt3A_1189 = arith.cmpf ogt, %select_n3A_1186, %select_n3A_1140 : vector<16xf32>
      %select_n3A_1190 = arith.select %gt3A_1189, %select_n3A_1186, %select_n3A_1140 : vector<16xi1>, vector<16xf32>
      %add3A_1191 = arith.constant 176 : i32
      %add3A_1192 = arith.addi %mul3A_0, %add3A_1191 : i32
      %add3A_1193 = vector.broadcast %add3A_1192 : i32 to vector<16xi32>
      %add3A_1194 = arith.addi %iota3A, %add3A_1193 : vector<16xi32>
      %select_n3A_1195 = arith.select %gt3A_1189, %add3A_1194, %select_n3A_1145 : vector<16xi1>, vector<16xi32>
      %get3A_1196 = arith.constant 192 : index
      %get3A_1197 = tpu.vector_load %arg13[%get3A_1196] {strides = array<i32>} : memref<320xf32, #tpu.memory_space<vmem>>, vector<16xf32>,
      %get3A_1198 = arith.constant 192 : index
      %get3A_1199 = tpu.vector_load %arg14[%get3A_1198] {strides = array<i32>} : memref<320xf32, #tpu.memory_space<vmem>>, vector<16xf32>,
      %get3A_1200 = arith.constant 192 : index
      %get3A_1201 = tpu.vector_load %arg15[%get3A_1200] {strides = array<i32>} : memref<320xf32, #tpu.memory_space<vmem>>, vector<16xf32>,
      %get3A_1202 = arith.constant 192 : index
      %get3A_1203 = tpu.vector_load %arg16[%get3A_1202] {strides = array<i32>} : memref<320xf32, #tpu.memory_space<vmem>>, vector<16xf32>,
      %min3A_1204 = arith.minimumf %sub3A_550, %get3A_1201 : vector<16xf32>
      %max3A_1205 = arith.maximumf %gather3A_544, %get3A_1197 : vector<16xf32>
      %sub3A_1206 = arith.subf %min3A_1204, %max3A_1205 : vector<16xf32>
      %add3A_1207 = arith.constant 1.000000e+00 : f32
      %add3A_1208 = vector.broadcast %add3A_1207 : f32 to vector<16xf32>
      %add3A_1209 = arith.addf %sub3A_1206, %add3A_1208 : vector<16xf32>
      %max3A_1210 = arith.constant 0.000000e+00 : f32
      %max3A_1211 = vector.broadcast %max3A_1210 : f32 to vector<16xf32>
      %max3A_1212 = arith.maximumf %add3A_1209, %max3A_1211 : vector<16xf32>
      %min3A_1213 = arith.minimumf %sub3A_554, %get3A_1203 : vector<16xf32>
      %max3A_1214 = arith.maximumf %gather3A_545, %get3A_1199 : vector<16xf32>
      %sub3A_1215 = arith.subf %min3A_1213, %max3A_1214 : vector<16xf32>
      %add3A_1216 = arith.constant 1.000000e+00 : f32
      %add3A_1217 = vector.broadcast %add3A_1216 : f32 to vector<16xf32>
      %add3A_1218 = arith.addf %sub3A_1215, %add3A_1217 : vector<16xf32>
      %max3A_1219 = arith.constant 0.000000e+00 : f32
      %max3A_1220 = vector.broadcast %max3A_1219 : f32 to vector<16xf32>
      %max3A_1221 = arith.maximumf %add3A_1218, %max3A_1220 : vector<16xf32>
      %mul3A_1222 = arith.mulf %max3A_1212, %max3A_1221 : vector<16xf32>
      %get3A_1223 = arith.constant 192 : index
      %get3A_1224 = tpu.vector_load %arg17[%get3A_1223] {strides = array<i32>} : memref<320xf32, #tpu.memory_space<vmem>>, vector<16xf32>,
      %add3A_1225 = arith.addf %mul3A_563, %get3A_1224 : vector<16xf32>
      %sub3A_1226 = arith.subf %add3A_1225, %mul3A_1222 : vector<16xf32>
      %add3A_1227 = arith.constant 9.99999971E-10 : f32
      %add3A_1228 = vector.broadcast %add3A_1227 : f32 to vector<16xf32>
      %add3A_1229 = arith.addf %sub3A_1226, %add3A_1228 : vector<16xf32>
      %div3A_1230 = arith.divf %mul3A_1222, %add3A_1229 : vector<16xf32>
      %ge3A_1231 = arith.constant 5.000000e-01 : f32
      %ge3A_1232 = vector.broadcast %ge3A_1231 : f32 to vector<16xf32>
      %ge3A_1233 = arith.cmpf oge, %div3A_1230, %ge3A_1232 : vector<16xf32>
      %get3A_1234 = arith.constant 192 : index
      %get3A_1235 = tpu.vector_load %arg12[%get3A_1234] {strides = array<i32>} : memref<320xf32, #tpu.memory_space<vmem>>, vector<16xf32>,
      %select_n3A_1236 = arith.select %ge3A_1233, %broadcast_in_dim3A_10, %get3A_1235 : vector<16xi1>, vector<16xf32>
      %swap3A_1237 = arith.constant 192 : index
      %swap3A_1238 = tpu.vector_load %arg12[%swap3A_1237] {strides = array<i32>} : memref<320xf32, #tpu.memory_space<vmem>>, vector<16xf32>,
      tpu.vector_store %arg12[%swap3A_1237], %select_n3A_1236 {strides = array<i32>} : memref<320xf32, #tpu.memory_space<vmem>>, vector<16xf32>,
      %gt3A_1239 = arith.cmpf ogt, %select_n3A_1236, %select_n3A_1190 : vector<16xf32>
      %select_n3A_1240 = arith.select %gt3A_1239, %select_n3A_1236, %select_n3A_1190 : vector<16xi1>, vector<16xf32>
      %add3A_1241 = arith.constant 192 : i32
      %add3A_1242 = arith.addi %mul3A_0, %add3A_1241 : i32
      %add3A_1243 = vector.broadcast %add3A_1242 : i32 to vector<16xi32>
      %add3A_1244 = arith.addi %iota3A, %add3A_1243 : vector<16xi32>
      %select_n3A_1245 = arith.select %gt3A_1239, %add3A_1244, %select_n3A_1195 : vector<16xi1>, vector<16xi32>
      %get3A_1246 = arith.constant 208 : index
      %get3A_1247 = tpu.vector_load %arg13[%get3A_1246] {strides = array<i32>} : memref<320xf32, #tpu.memory_space<vmem>>, vector<16xf32>,
      %get3A_1248 = arith.constant 208 : index
      %get3A_1249 = tpu.vector_load %arg14[%get3A_1248] {strides = array<i32>} : memref<320xf32, #tpu.memory_space<vmem>>, vector<16xf32>,
      %get3A_1250 = arith.constant 208 : index
      %get3A_1251 = tpu.vector_load %arg15[%get3A_1250] {strides = array<i32>} : memref<320xf32, #tpu.memory_space<vmem>>, vector<16xf32>,
      %get3A_1252 = arith.constant 208 : index
      %get3A_1253 = tpu.vector_load %arg16[%get3A_1252] {strides = array<i32>} : memref<320xf32, #tpu.memory_space<vmem>>, vector<16xf32>,
      %min3A_1254 = arith.minimumf %sub3A_550, %get3A_1251 : vector<16xf32>
      %max3A_1255 = arith.maximumf %gather3A_544, %get3A_1247 : vector<16xf32>
      %sub3A_1256 = arith.subf %min3A_1254, %max3A_1255 : vector<16xf32>
      %add3A_1257 = arith.constant 1.000000e+00 : f32
      %add3A_1258 = vector.broadcast %add3A_1257 : f32 to vector<16xf32>
      %add3A_1259 = arith.addf %sub3A_1256, %add3A_1258 : vector<16xf32>
      %max3A_1260 = arith.constant 0.000000e+00 : f32
      %max3A_1261 = vector.broadcast %max3A_1260 : f32 to vector<16xf32>
      %max3A_1262 = arith.maximumf %add3A_1259, %max3A_1261 : vector<16xf32>
      %min3A_1263 = arith.minimumf %sub3A_554, %get3A_1253 : vector<16xf32>
      %max3A_1264 = arith.maximumf %gather3A_545, %get3A_1249 : vector<16xf32>
      %sub3A_1265 = arith.subf %min3A_1263, %max3A_1264 : vector<16xf32>
      %add3A_1266 = arith.constant 1.000000e+00 : f32
      %add3A_1267 = vector.broadcast %add3A_1266 : f32 to vector<16xf32>
      %add3A_1268 = arith.addf %sub3A_1265, %add3A_1267 : vector<16xf32>
      %max3A_1269 = arith.constant 0.000000e+00 : f32
      %max3A_1270 = vector.broadcast %max3A_1269 : f32 to vector<16xf32>
      %max3A_1271 = arith.maximumf %add3A_1268, %max3A_1270 : vector<16xf32>
      %mul3A_1272 = arith.mulf %max3A_1262, %max3A_1271 : vector<16xf32>
      %get3A_1273 = arith.constant 208 : index
      %get3A_1274 = tpu.vector_load %arg17[%get3A_1273] {strides = array<i32>} : memref<320xf32, #tpu.memory_space<vmem>>, vector<16xf32>,
      %add3A_1275 = arith.addf %mul3A_563, %get3A_1274 : vector<16xf32>
      %sub3A_1276 = arith.subf %add3A_1275, %mul3A_1272 : vector<16xf32>
      %add3A_1277 = arith.constant 9.99999971E-10 : f32
      %add3A_1278 = vector.broadcast %add3A_1277 : f32 to vector<16xf32>
      %add3A_1279 = arith.addf %sub3A_1276, %add3A_1278 : vector<16xf32>
      %div3A_1280 = arith.divf %mul3A_1272, %add3A_1279 : vector<16xf32>
      %ge3A_1281 = arith.constant 5.000000e-01 : f32
      %ge3A_1282 = vector.broadcast %ge3A_1281 : f32 to vector<16xf32>
      %ge3A_1283 = arith.cmpf oge, %div3A_1280, %ge3A_1282 : vector<16xf32>
      %get3A_1284 = arith.constant 208 : index
      %get3A_1285 = tpu.vector_load %arg12[%get3A_1284] {strides = array<i32>} : memref<320xf32, #tpu.memory_space<vmem>>, vector<16xf32>,
      %select_n3A_1286 = arith.select %ge3A_1283, %broadcast_in_dim3A_10, %get3A_1285 : vector<16xi1>, vector<16xf32>
      %swap3A_1287 = arith.constant 208 : index
      %swap3A_1288 = tpu.vector_load %arg12[%swap3A_1287] {strides = array<i32>} : memref<320xf32, #tpu.memory_space<vmem>>, vector<16xf32>,
      tpu.vector_store %arg12[%swap3A_1287], %select_n3A_1286 {strides = array<i32>} : memref<320xf32, #tpu.memory_space<vmem>>, vector<16xf32>,
      %gt3A_1289 = arith.cmpf ogt, %select_n3A_1286, %select_n3A_1240 : vector<16xf32>
      %select_n3A_1290 = arith.select %gt3A_1289, %select_n3A_1286, %select_n3A_1240 : vector<16xi1>, vector<16xf32>
      %add3A_1291 = arith.constant 208 : i32
      %add3A_1292 = arith.addi %mul3A_0, %add3A_1291 : i32
      %add3A_1293 = vector.broadcast %add3A_1292 : i32 to vector<16xi32>
      %add3A_1294 = arith.addi %iota3A, %add3A_1293 : vector<16xi32>
      %select_n3A_1295 = arith.select %gt3A_1289, %add3A_1294, %select_n3A_1245 : vector<16xi1>, vector<16xi32>
      %get3A_1296 = arith.constant 224 : index
      %get3A_1297 = tpu.vector_load %arg13[%get3A_1296] {strides = array<i32>} : memref<320xf32, #tpu.memory_space<vmem>>, vector<16xf32>,
      %get3A_1298 = arith.constant 224 : index
      %get3A_1299 = tpu.vector_load %arg14[%get3A_1298] {strides = array<i32>} : memref<320xf32, #tpu.memory_space<vmem>>, vector<16xf32>,
      %get3A_1300 = arith.constant 224 : index
      %get3A_1301 = tpu.vector_load %arg15[%get3A_1300] {strides = array<i32>} : memref<320xf32, #tpu.memory_space<vmem>>, vector<16xf32>,
      %get3A_1302 = arith.constant 224 : index
      %get3A_1303 = tpu.vector_load %arg16[%get3A_1302] {strides = array<i32>} : memref<320xf32, #tpu.memory_space<vmem>>, vector<16xf32>,
      %min3A_1304 = arith.minimumf %sub3A_550, %get3A_1301 : vector<16xf32>
      %max3A_1305 = arith.maximumf %gather3A_544, %get3A_1297 : vector<16xf32>
      %sub3A_1306 = arith.subf %min3A_1304, %max3A_1305 : vector<16xf32>
      %add3A_1307 = arith.constant 1.000000e+00 : f32
      %add3A_1308 = vector.broadcast %add3A_1307 : f32 to vector<16xf32>
      %add3A_1309 = arith.addf %sub3A_1306, %add3A_1308 : vector<16xf32>
      %max3A_1310 = arith.constant 0.000000e+00 : f32
      %max3A_1311 = vector.broadcast %max3A_1310 : f32 to vector<16xf32>
      %max3A_1312 = arith.maximumf %add3A_1309, %max3A_1311 : vector<16xf32>
      %min3A_1313 = arith.minimumf %sub3A_554, %get3A_1303 : vector<16xf32>
      %max3A_1314 = arith.maximumf %gather3A_545, %get3A_1299 : vector<16xf32>
      %sub3A_1315 = arith.subf %min3A_1313, %max3A_1314 : vector<16xf32>
      %add3A_1316 = arith.constant 1.000000e+00 : f32
      %add3A_1317 = vector.broadcast %add3A_1316 : f32 to vector<16xf32>
      %add3A_1318 = arith.addf %sub3A_1315, %add3A_1317 : vector<16xf32>
      %max3A_1319 = arith.constant 0.000000e+00 : f32
      %max3A_1320 = vector.broadcast %max3A_1319 : f32 to vector<16xf32>
      %max3A_1321 = arith.maximumf %add3A_1318, %max3A_1320 : vector<16xf32>
      %mul3A_1322 = arith.mulf %max3A_1312, %max3A_1321 : vector<16xf32>
      %get3A_1323 = arith.constant 224 : index
      %get3A_1324 = tpu.vector_load %arg17[%get3A_1323] {strides = array<i32>} : memref<320xf32, #tpu.memory_space<vmem>>, vector<16xf32>,
      %add3A_1325 = arith.addf %mul3A_563, %get3A_1324 : vector<16xf32>
      %sub3A_1326 = arith.subf %add3A_1325, %mul3A_1322 : vector<16xf32>
      %add3A_1327 = arith.constant 9.99999971E-10 : f32
      %add3A_1328 = vector.broadcast %add3A_1327 : f32 to vector<16xf32>
      %add3A_1329 = arith.addf %sub3A_1326, %add3A_1328 : vector<16xf32>
      %div3A_1330 = arith.divf %mul3A_1322, %add3A_1329 : vector<16xf32>
      %ge3A_1331 = arith.constant 5.000000e-01 : f32
      %ge3A_1332 = vector.broadcast %ge3A_1331 : f32 to vector<16xf32>
      %ge3A_1333 = arith.cmpf oge, %div3A_1330, %ge3A_1332 : vector<16xf32>
      %get3A_1334 = arith.constant 224 : index
      %get3A_1335 = tpu.vector_load %arg12[%get3A_1334] {strides = array<i32>} : memref<320xf32, #tpu.memory_space<vmem>>, vector<16xf32>,
      %select_n3A_1336 = arith.select %ge3A_1333, %broadcast_in_dim3A_10, %get3A_1335 : vector<16xi1>, vector<16xf32>
      %swap3A_1337 = arith.constant 224 : index
      %swap3A_1338 = tpu.vector_load %arg12[%swap3A_1337] {strides = array<i32>} : memref<320xf32, #tpu.memory_space<vmem>>, vector<16xf32>,
      tpu.vector_store %arg12[%swap3A_1337], %select_n3A_1336 {strides = array<i32>} : memref<320xf32, #tpu.memory_space<vmem>>, vector<16xf32>,
      %gt3A_1339 = arith.cmpf ogt, %select_n3A_1336, %select_n3A_1290 : vector<16xf32>
      %select_n3A_1340 = arith.select %gt3A_1339, %select_n3A_1336, %select_n3A_1290 : vector<16xi1>, vector<16xf32>
      %add3A_1341 = arith.constant 224 : i32
      %add3A_1342 = arith.addi %mul3A_0, %add3A_1341 : i32
      %add3A_1343 = vector.broadcast %add3A_1342 : i32 to vector<16xi32>
      %add3A_1344 = arith.addi %iota3A, %add3A_1343 : vector<16xi32>
      %select_n3A_1345 = arith.select %gt3A_1339, %add3A_1344, %select_n3A_1295 : vector<16xi1>, vector<16xi32>
      %get3A_1346 = arith.constant 240 : index
      %get3A_1347 = tpu.vector_load %arg13[%get3A_1346] {strides = array<i32>} : memref<320xf32, #tpu.memory_space<vmem>>, vector<16xf32>,
      %get3A_1348 = arith.constant 240 : index
      %get3A_1349 = tpu.vector_load %arg14[%get3A_1348] {strides = array<i32>} : memref<320xf32, #tpu.memory_space<vmem>>, vector<16xf32>,
      %get3A_1350 = arith.constant 240 : index
      %get3A_1351 = tpu.vector_load %arg15[%get3A_1350] {strides = array<i32>} : memref<320xf32, #tpu.memory_space<vmem>>, vector<16xf32>,
      %get3A_1352 = arith.constant 240 : index
      %get3A_1353 = tpu.vector_load %arg16[%get3A_1352] {strides = array<i32>} : memref<320xf32, #tpu.memory_space<vmem>>, vector<16xf32>,
      %min3A_1354 = arith.minimumf %sub3A_550, %get3A_1351 : vector<16xf32>
      %max3A_1355 = arith.maximumf %gather3A_544, %get3A_1347 : vector<16xf32>
      %sub3A_1356 = arith.subf %min3A_1354, %max3A_1355 : vector<16xf32>
      %add3A_1357 = arith.constant 1.000000e+00 : f32
      %add3A_1358 = vector.broadcast %add3A_1357 : f32 to vector<16xf32>
      %add3A_1359 = arith.addf %sub3A_1356, %add3A_1358 : vector<16xf32>
      %max3A_1360 = arith.constant 0.000000e+00 : f32
      %max3A_1361 = vector.broadcast %max3A_1360 : f32 to vector<16xf32>
      %max3A_1362 = arith.maximumf %add3A_1359, %max3A_1361 : vector<16xf32>
      %min3A_1363 = arith.minimumf %sub3A_554, %get3A_1353 : vector<16xf32>
      %max3A_1364 = arith.maximumf %gather3A_545, %get3A_1349 : vector<16xf32>
      %sub3A_1365 = arith.subf %min3A_1363, %max3A_1364 : vector<16xf32>
      %add3A_1366 = arith.constant 1.000000e+00 : f32
      %add3A_1367 = vector.broadcast %add3A_1366 : f32 to vector<16xf32>
      %add3A_1368 = arith.addf %sub3A_1365, %add3A_1367 : vector<16xf32>
      %max3A_1369 = arith.constant 0.000000e+00 : f32
      %max3A_1370 = vector.broadcast %max3A_1369 : f32 to vector<16xf32>
      %max3A_1371 = arith.maximumf %add3A_1368, %max3A_1370 : vector<16xf32>
      %mul3A_1372 = arith.mulf %max3A_1362, %max3A_1371 : vector<16xf32>
      %get3A_1373 = arith.constant 240 : index
      %get3A_1374 = tpu.vector_load %arg17[%get3A_1373] {strides = array<i32>} : memref<320xf32, #tpu.memory_space<vmem>>, vector<16xf32>,
      %add3A_1375 = arith.addf %mul3A_563, %get3A_1374 : vector<16xf32>
      %sub3A_1376 = arith.subf %add3A_1375, %mul3A_1372 : vector<16xf32>
      %add3A_1377 = arith.constant 9.99999971E-10 : f32
      %add3A_1378 = vector.broadcast %add3A_1377 : f32 to vector<16xf32>
      %add3A_1379 = arith.addf %sub3A_1376, %add3A_1378 : vector<16xf32>
      %div3A_1380 = arith.divf %mul3A_1372, %add3A_1379 : vector<16xf32>
      %ge3A_1381 = arith.constant 5.000000e-01 : f32
      %ge3A_1382 = vector.broadcast %ge3A_1381 : f32 to vector<16xf32>
      %ge3A_1383 = arith.cmpf oge, %div3A_1380, %ge3A_1382 : vector<16xf32>
      %get3A_1384 = arith.constant 240 : index
      %get3A_1385 = tpu.vector_load %arg12[%get3A_1384] {strides = array<i32>} : memref<320xf32, #tpu.memory_space<vmem>>, vector<16xf32>,
      %select_n3A_1386 = arith.select %ge3A_1383, %broadcast_in_dim3A_10, %get3A_1385 : vector<16xi1>, vector<16xf32>
      %swap3A_1387 = arith.constant 240 : index
      %swap3A_1388 = tpu.vector_load %arg12[%swap3A_1387] {strides = array<i32>} : memref<320xf32, #tpu.memory_space<vmem>>, vector<16xf32>,
      tpu.vector_store %arg12[%swap3A_1387], %select_n3A_1386 {strides = array<i32>} : memref<320xf32, #tpu.memory_space<vmem>>, vector<16xf32>,
      %gt3A_1389 = arith.cmpf ogt, %select_n3A_1386, %select_n3A_1340 : vector<16xf32>
      %select_n3A_1390 = arith.select %gt3A_1389, %select_n3A_1386, %select_n3A_1340 : vector<16xi1>, vector<16xf32>
      %add3A_1391 = arith.constant 240 : i32
      %add3A_1392 = arith.addi %mul3A_0, %add3A_1391 : i32
      %add3A_1393 = vector.broadcast %add3A_1392 : i32 to vector<16xi32>
      %add3A_1394 = arith.addi %iota3A, %add3A_1393 : vector<16xi32>
      %select_n3A_1395 = arith.select %gt3A_1389, %add3A_1394, %select_n3A_1345 : vector<16xi1>, vector<16xi32>
      %get3A_1396 = arith.constant 256 : index
      %get3A_1397 = tpu.vector_load %arg13[%get3A_1396] {strides = array<i32>} : memref<320xf32, #tpu.memory_space<vmem>>, vector<16xf32>,
      %get3A_1398 = arith.constant 256 : index
      %get3A_1399 = tpu.vector_load %arg14[%get3A_1398] {strides = array<i32>} : memref<320xf32, #tpu.memory_space<vmem>>, vector<16xf32>,
      %get3A_1400 = arith.constant 256 : index
      %get3A_1401 = tpu.vector_load %arg15[%get3A_1400] {strides = array<i32>} : memref<320xf32, #tpu.memory_space<vmem>>, vector<16xf32>,
      %get3A_1402 = arith.constant 256 : index
      %get3A_1403 = tpu.vector_load %arg16[%get3A_1402] {strides = array<i32>} : memref<320xf32, #tpu.memory_space<vmem>>, vector<16xf32>,
      %min3A_1404 = arith.minimumf %sub3A_550, %get3A_1401 : vector<16xf32>
      %max3A_1405 = arith.maximumf %gather3A_544, %get3A_1397 : vector<16xf32>
      %sub3A_1406 = arith.subf %min3A_1404, %max3A_1405 : vector<16xf32>
      %add3A_1407 = arith.constant 1.000000e+00 : f32
      %add3A_1408 = vector.broadcast %add3A_1407 : f32 to vector<16xf32>
      %add3A_1409 = arith.addf %sub3A_1406, %add3A_1408 : vector<16xf32>
      %max3A_1410 = arith.constant 0.000000e+00 : f32
      %max3A_1411 = vector.broadcast %max3A_1410 : f32 to vector<16xf32>
      %max3A_1412 = arith.maximumf %add3A_1409, %max3A_1411 : vector<16xf32>
      %min3A_1413 = arith.minimumf %sub3A_554, %get3A_1403 : vector<16xf32>
      %max3A_1414 = arith.maximumf %gather3A_545, %get3A_1399 : vector<16xf32>
      %sub3A_1415 = arith.subf %min3A_1413, %max3A_1414 : vector<16xf32>
      %add3A_1416 = arith.constant 1.000000e+00 : f32
      %add3A_1417 = vector.broadcast %add3A_1416 : f32 to vector<16xf32>
      %add3A_1418 = arith.addf %sub3A_1415, %add3A_1417 : vector<16xf32>
      %max3A_1419 = arith.constant 0.000000e+00 : f32
      %max3A_1420 = vector.broadcast %max3A_1419 : f32 to vector<16xf32>
      %max3A_1421 = arith.maximumf %add3A_1418, %max3A_1420 : vector<16xf32>
      %mul3A_1422 = arith.mulf %max3A_1412, %max3A_1421 : vector<16xf32>
      %get3A_1423 = arith.constant 256 : index
      %get3A_1424 = tpu.vector_load %arg17[%get3A_1423] {strides = array<i32>} : memref<320xf32, #tpu.memory_space<vmem>>, vector<16xf32>,
      %add3A_1425 = arith.addf %mul3A_563, %get3A_1424 : vector<16xf32>
      %sub3A_1426 = arith.subf %add3A_1425, %mul3A_1422 : vector<16xf32>
      %add3A_1427 = arith.constant 9.99999971E-10 : f32
      %add3A_1428 = vector.broadcast %add3A_1427 : f32 to vector<16xf32>
      %add3A_1429 = arith.addf %sub3A_1426, %add3A_1428 : vector<16xf32>
      %div3A_1430 = arith.divf %mul3A_1422, %add3A_1429 : vector<16xf32>
      %ge3A_1431 = arith.constant 5.000000e-01 : f32
      %ge3A_1432 = vector.broadcast %ge3A_1431 : f32 to vector<16xf32>
      %ge3A_1433 = arith.cmpf oge, %div3A_1430, %ge3A_1432 : vector<16xf32>
      %get3A_1434 = arith.constant 256 : index
      %get3A_1435 = tpu.vector_load %arg12[%get3A_1434] {strides = array<i32>} : memref<320xf32, #tpu.memory_space<vmem>>, vector<16xf32>,
      %select_n3A_1436 = arith.select %ge3A_1433, %broadcast_in_dim3A_10, %get3A_1435 : vector<16xi1>, vector<16xf32>
      %swap3A_1437 = arith.constant 256 : index
      %swap3A_1438 = tpu.vector_load %arg12[%swap3A_1437] {strides = array<i32>} : memref<320xf32, #tpu.memory_space<vmem>>, vector<16xf32>,
      tpu.vector_store %arg12[%swap3A_1437], %select_n3A_1436 {strides = array<i32>} : memref<320xf32, #tpu.memory_space<vmem>>, vector<16xf32>,
      %gt3A_1439 = arith.cmpf ogt, %select_n3A_1436, %select_n3A_1390 : vector<16xf32>
      %select_n3A_1440 = arith.select %gt3A_1439, %select_n3A_1436, %select_n3A_1390 : vector<16xi1>, vector<16xf32>
      %add3A_1441 = arith.constant 256 : i32
      %add3A_1442 = arith.addi %mul3A_0, %add3A_1441 : i32
      %add3A_1443 = vector.broadcast %add3A_1442 : i32 to vector<16xi32>
      %add3A_1444 = arith.addi %iota3A, %add3A_1443 : vector<16xi32>
      %select_n3A_1445 = arith.select %gt3A_1439, %add3A_1444, %select_n3A_1395 : vector<16xi1>, vector<16xi32>
      %get3A_1446 = arith.constant 272 : index
      %get3A_1447 = tpu.vector_load %arg13[%get3A_1446] {strides = array<i32>} : memref<320xf32, #tpu.memory_space<vmem>>, vector<16xf32>,
      %get3A_1448 = arith.constant 272 : index
      %get3A_1449 = tpu.vector_load %arg14[%get3A_1448] {strides = array<i32>} : memref<320xf32, #tpu.memory_space<vmem>>, vector<16xf32>,
      %get3A_1450 = arith.constant 272 : index
      %get3A_1451 = tpu.vector_load %arg15[%get3A_1450] {strides = array<i32>} : memref<320xf32, #tpu.memory_space<vmem>>, vector<16xf32>,
      %get3A_1452 = arith.constant 272 : index
      %get3A_1453 = tpu.vector_load %arg16[%get3A_1452] {strides = array<i32>} : memref<320xf32, #tpu.memory_space<vmem>>, vector<16xf32>,
      %min3A_1454 = arith.minimumf %sub3A_550, %get3A_1451 : vector<16xf32>
      %max3A_1455 = arith.maximumf %gather3A_544, %get3A_1447 : vector<16xf32>
      %sub3A_1456 = arith.subf %min3A_1454, %max3A_1455 : vector<16xf32>
      %add3A_1457 = arith.constant 1.000000e+00 : f32
      %add3A_1458 = vector.broadcast %add3A_1457 : f32 to vector<16xf32>
      %add3A_1459 = arith.addf %sub3A_1456, %add3A_1458 : vector<16xf32>
      %max3A_1460 = arith.constant 0.000000e+00 : f32
      %max3A_1461 = vector.broadcast %max3A_1460 : f32 to vector<16xf32>
      %max3A_1462 = arith.maximumf %add3A_1459, %max3A_1461 : vector<16xf32>
      %min3A_1463 = arith.minimumf %sub3A_554, %get3A_1453 : vector<16xf32>
      %max3A_1464 = arith.maximumf %gather3A_545, %get3A_1449 : vector<16xf32>
      %sub3A_1465 = arith.subf %min3A_1463, %max3A_1464 : vector<16xf32>
      %add3A_1466 = arith.constant 1.000000e+00 : f32
      %add3A_1467 = vector.broadcast %add3A_1466 : f32 to vector<16xf32>
      %add3A_1468 = arith.addf %sub3A_1465, %add3A_1467 : vector<16xf32>
      %max3A_1469 = arith.constant 0.000000e+00 : f32
      %max3A_1470 = vector.broadcast %max3A_1469 : f32 to vector<16xf32>
      %max3A_1471 = arith.maximumf %add3A_1468, %max3A_1470 : vector<16xf32>
      %mul3A_1472 = arith.mulf %max3A_1462, %max3A_1471 : vector<16xf32>
      %get3A_1473 = arith.constant 272 : index
      %get3A_1474 = tpu.vector_load %arg17[%get3A_1473] {strides = array<i32>} : memref<320xf32, #tpu.memory_space<vmem>>, vector<16xf32>,
      %add3A_1475 = arith.addf %mul3A_563, %get3A_1474 : vector<16xf32>
      %sub3A_1476 = arith.subf %add3A_1475, %mul3A_1472 : vector<16xf32>
      %add3A_1477 = arith.constant 9.99999971E-10 : f32
      %add3A_1478 = vector.broadcast %add3A_1477 : f32 to vector<16xf32>
      %add3A_1479 = arith.addf %sub3A_1476, %add3A_1478 : vector<16xf32>
      %div3A_1480 = arith.divf %mul3A_1472, %add3A_1479 : vector<16xf32>
      %ge3A_1481 = arith.constant 5.000000e-01 : f32
      %ge3A_1482 = vector.broadcast %ge3A_1481 : f32 to vector<16xf32>
      %ge3A_1483 = arith.cmpf oge, %div3A_1480, %ge3A_1482 : vector<16xf32>
      %get3A_1484 = arith.constant 272 : index
      %get3A_1485 = tpu.vector_load %arg12[%get3A_1484] {strides = array<i32>} : memref<320xf32, #tpu.memory_space<vmem>>, vector<16xf32>,
      %select_n3A_1486 = arith.select %ge3A_1483, %broadcast_in_dim3A_10, %get3A_1485 : vector<16xi1>, vector<16xf32>
      %swap3A_1487 = arith.constant 272 : index
      %swap3A_1488 = tpu.vector_load %arg12[%swap3A_1487] {strides = array<i32>} : memref<320xf32, #tpu.memory_space<vmem>>, vector<16xf32>,
      tpu.vector_store %arg12[%swap3A_1487], %select_n3A_1486 {strides = array<i32>} : memref<320xf32, #tpu.memory_space<vmem>>, vector<16xf32>,
      %gt3A_1489 = arith.cmpf ogt, %select_n3A_1486, %select_n3A_1440 : vector<16xf32>
      %select_n3A_1490 = arith.select %gt3A_1489, %select_n3A_1486, %select_n3A_1440 : vector<16xi1>, vector<16xf32>
      %add3A_1491 = arith.constant 272 : i32
      %add3A_1492 = arith.addi %mul3A_0, %add3A_1491 : i32
      %add3A_1493 = vector.broadcast %add3A_1492 : i32 to vector<16xi32>
      %add3A_1494 = arith.addi %iota3A, %add3A_1493 : vector<16xi32>
      %select_n3A_1495 = arith.select %gt3A_1489, %add3A_1494, %select_n3A_1445 : vector<16xi1>, vector<16xi32>
      %get3A_1496 = arith.constant 288 : index
      %get3A_1497 = tpu.vector_load %arg13[%get3A_1496] {strides = array<i32>} : memref<320xf32, #tpu.memory_space<vmem>>, vector<16xf32>,
      %get3A_1498 = arith.constant 288 : index
      %get3A_1499 = tpu.vector_load %arg14[%get3A_1498] {strides = array<i32>} : memref<320xf32, #tpu.memory_space<vmem>>, vector<16xf32>,
      %get3A_1500 = arith.constant 288 : index
      %get3A_1501 = tpu.vector_load %arg15[%get3A_1500] {strides = array<i32>} : memref<320xf32, #tpu.memory_space<vmem>>, vector<16xf32>,
      %get3A_1502 = arith.constant 288 : index
      %get3A_1503 = tpu.vector_load %arg16[%get3A_1502] {strides = array<i32>} : memref<320xf32, #tpu.memory_space<vmem>>, vector<16xf32>,
      %min3A_1504 = arith.minimumf %sub3A_550, %get3A_1501 : vector<16xf32>
      %max3A_1505 = arith.maximumf %gather3A_544, %get3A_1497 : vector<16xf32>
      %sub3A_1506 = arith.subf %min3A_1504, %max3A_1505 : vector<16xf32>
      %add3A_1507 = arith.constant 1.000000e+00 : f32
      %add3A_1508 = vector.broadcast %add3A_1507 : f32 to vector<16xf32>
      %add3A_1509 = arith.addf %sub3A_1506, %add3A_1508 : vector<16xf32>
      %max3A_1510 = arith.constant 0.000000e+00 : f32
      %max3A_1511 = vector.broadcast %max3A_1510 : f32 to vector<16xf32>
      %max3A_1512 = arith.maximumf %add3A_1509, %max3A_1511 : vector<16xf32>
      %min3A_1513 = arith.minimumf %sub3A_554, %get3A_1503 : vector<16xf32>
      %max3A_1514 = arith.maximumf %gather3A_545, %get3A_1499 : vector<16xf32>
      %sub3A_1515 = arith.subf %min3A_1513, %max3A_1514 : vector<16xf32>
      %add3A_1516 = arith.constant 1.000000e+00 : f32
      %add3A_1517 = vector.broadcast %add3A_1516 : f32 to vector<16xf32>
      %add3A_1518 = arith.addf %sub3A_1515, %add3A_1517 : vector<16xf32>
      %max3A_1519 = arith.constant 0.000000e+00 : f32
      %max3A_1520 = vector.broadcast %max3A_1519 : f32 to vector<16xf32>
      %max3A_1521 = arith.maximumf %add3A_1518, %max3A_1520 : vector<16xf32>
      %mul3A_1522 = arith.mulf %max3A_1512, %max3A_1521 : vector<16xf32>
      %get3A_1523 = arith.constant 288 : index
      %get3A_1524 = tpu.vector_load %arg17[%get3A_1523] {strides = array<i32>} : memref<320xf32, #tpu.memory_space<vmem>>, vector<16xf32>,
      %add3A_1525 = arith.addf %mul3A_563, %get3A_1524 : vector<16xf32>
      %sub3A_1526 = arith.subf %add3A_1525, %mul3A_1522 : vector<16xf32>
      %add3A_1527 = arith.constant 9.99999971E-10 : f32
      %add3A_1528 = vector.broadcast %add3A_1527 : f32 to vector<16xf32>
      %add3A_1529 = arith.addf %sub3A_1526, %add3A_1528 : vector<16xf32>
      %div3A_1530 = arith.divf %mul3A_1522, %add3A_1529 : vector<16xf32>
      %ge3A_1531 = arith.constant 5.000000e-01 : f32
      %ge3A_1532 = vector.broadcast %ge3A_1531 : f32 to vector<16xf32>
      %ge3A_1533 = arith.cmpf oge, %div3A_1530, %ge3A_1532 : vector<16xf32>
      %get3A_1534 = arith.constant 288 : index
      %get3A_1535 = tpu.vector_load %arg12[%get3A_1534] {strides = array<i32>} : memref<320xf32, #tpu.memory_space<vmem>>, vector<16xf32>,
      %select_n3A_1536 = arith.select %ge3A_1533, %broadcast_in_dim3A_10, %get3A_1535 : vector<16xi1>, vector<16xf32>
      %swap3A_1537 = arith.constant 288 : index
      %swap3A_1538 = tpu.vector_load %arg12[%swap3A_1537] {strides = array<i32>} : memref<320xf32, #tpu.memory_space<vmem>>, vector<16xf32>,
      tpu.vector_store %arg12[%swap3A_1537], %select_n3A_1536 {strides = array<i32>} : memref<320xf32, #tpu.memory_space<vmem>>, vector<16xf32>,
      %gt3A_1539 = arith.cmpf ogt, %select_n3A_1536, %select_n3A_1490 : vector<16xf32>
      %select_n3A_1540 = arith.select %gt3A_1539, %select_n3A_1536, %select_n3A_1490 : vector<16xi1>, vector<16xf32>
      %add3A_1541 = arith.constant 288 : i32
      %add3A_1542 = arith.addi %mul3A_0, %add3A_1541 : i32
      %add3A_1543 = vector.broadcast %add3A_1542 : i32 to vector<16xi32>
      %add3A_1544 = arith.addi %iota3A, %add3A_1543 : vector<16xi32>
      %select_n3A_1545 = arith.select %gt3A_1539, %add3A_1544, %select_n3A_1495 : vector<16xi1>, vector<16xi32>
      %get3A_1546 = arith.constant 304 : index
      %get3A_1547 = tpu.vector_load %arg13[%get3A_1546] {strides = array<i32>} : memref<320xf32, #tpu.memory_space<vmem>>, vector<16xf32>,
      %get3A_1548 = arith.constant 304 : index
      %get3A_1549 = tpu.vector_load %arg14[%get3A_1548] {strides = array<i32>} : memref<320xf32, #tpu.memory_space<vmem>>, vector<16xf32>,
      %get3A_1550 = arith.constant 304 : index
      %get3A_1551 = tpu.vector_load %arg15[%get3A_1550] {strides = array<i32>} : memref<320xf32, #tpu.memory_space<vmem>>, vector<16xf32>,
      %get3A_1552 = arith.constant 304 : index
      %get3A_1553 = tpu.vector_load %arg16[%get3A_1552] {strides = array<i32>} : memref<320xf32, #tpu.memory_space<vmem>>, vector<16xf32>,
      %min3A_1554 = arith.minimumf %sub3A_550, %get3A_1551 : vector<16xf32>
      %max3A_1555 = arith.maximumf %gather3A_544, %get3A_1547 : vector<16xf32>
      %sub3A_1556 = arith.subf %min3A_1554, %max3A_1555 : vector<16xf32>
      %add3A_1557 = arith.constant 1.000000e+00 : f32
      %add3A_1558 = vector.broadcast %add3A_1557 : f32 to vector<16xf32>
      %add3A_1559 = arith.addf %sub3A_1556, %add3A_1558 : vector<16xf32>
      %max3A_1560 = arith.constant 0.000000e+00 : f32
      %max3A_1561 = vector.broadcast %max3A_1560 : f32 to vector<16xf32>
      %max3A_1562 = arith.maximumf %add3A_1559, %max3A_1561 : vector<16xf32>
      %min3A_1563 = arith.minimumf %sub3A_554, %get3A_1553 : vector<16xf32>
      %max3A_1564 = arith.maximumf %gather3A_545, %get3A_1549 : vector<16xf32>
      %sub3A_1565 = arith.subf %min3A_1563, %max3A_1564 : vector<16xf32>
      %add3A_1566 = arith.constant 1.000000e+00 : f32
      %add3A_1567 = vector.broadcast %add3A_1566 : f32 to vector<16xf32>
      %add3A_1568 = arith.addf %sub3A_1565, %add3A_1567 : vector<16xf32>
      %max3A_1569 = arith.constant 0.000000e+00 : f32
      %max3A_1570 = vector.broadcast %max3A_1569 : f32 to vector<16xf32>
      %max3A_1571 = arith.maximumf %add3A_1568, %max3A_1570 : vector<16xf32>
      %mul3A_1572 = arith.mulf %max3A_1562, %max3A_1571 : vector<16xf32>
      %get3A_1573 = arith.constant 304 : index
      %get3A_1574 = tpu.vector_load %arg17[%get3A_1573] {strides = array<i32>} : memref<320xf32, #tpu.memory_space<vmem>>, vector<16xf32>,
      %add3A_1575 = arith.addf %mul3A_563, %get3A_1574 : vector<16xf32>
      %sub3A_1576 = arith.subf %add3A_1575, %mul3A_1572 : vector<16xf32>
      %add3A_1577 = arith.constant 9.99999971E-10 : f32
      %add3A_1578 = vector.broadcast %add3A_1577 : f32 to vector<16xf32>
      %add3A_1579 = arith.addf %sub3A_1576, %add3A_1578 : vector<16xf32>
      %div3A_1580 = arith.divf %mul3A_1572, %add3A_1579 : vector<16xf32>
      %ge3A_1581 = arith.constant 5.000000e-01 : f32
      %ge3A_1582 = vector.broadcast %ge3A_1581 : f32 to vector<16xf32>
      %ge3A_1583 = arith.cmpf oge, %div3A_1580, %ge3A_1582 : vector<16xf32>
      %get3A_1584 = arith.constant 304 : index
      %get3A_1585 = tpu.vector_load %arg12[%get3A_1584] {strides = array<i32>} : memref<320xf32, #tpu.memory_space<vmem>>, vector<16xf32>,
      %select_n3A_1586 = arith.select %ge3A_1583, %broadcast_in_dim3A_10, %get3A_1585 : vector<16xi1>, vector<16xf32>
      %swap3A_1587 = arith.constant 304 : index
      %swap3A_1588 = tpu.vector_load %arg12[%swap3A_1587] {strides = array<i32>} : memref<320xf32, #tpu.memory_space<vmem>>, vector<16xf32>,
      tpu.vector_store %arg12[%swap3A_1587], %select_n3A_1586 {strides = array<i32>} : memref<320xf32, #tpu.memory_space<vmem>>, vector<16xf32>,
      %gt3A_1589 = arith.cmpf ogt, %select_n3A_1586, %select_n3A_1540 : vector<16xf32>
      %select_n3A_1590 = arith.select %gt3A_1589, %select_n3A_1586, %select_n3A_1540 : vector<16xi1>, vector<16xf32>
      %add3A_1591 = arith.constant 304 : i32
      %add3A_1592 = arith.addi %mul3A_0, %add3A_1591 : i32
      %add3A_1593 = vector.broadcast %add3A_1592 : i32 to vector<16xi32>
      %add3A_1594 = arith.addi %iota3A, %add3A_1593 : vector<16xi32>
      %select_n3A_1595 = arith.select %gt3A_1589, %add3A_1594, %select_n3A_1545 : vector<16xi1>, vector<16xi32>
      %add3A_1596 = arith.constant 1 : i32
      %add3A_1597 = vector.broadcast %add3A_1596 : i32 to vector<16xi32>
      %add3A_1598 = arith.addi %iota3A, %add3A_1597 : vector<16xi32>
      %and3A_1599 = arith.constant 15 : i32
      %and3A_1600 = vector.broadcast %and3A_1599 : i32 to vector<16xi32>
      %and3A_1601 = arith.andi %add3A_1598, %and3A_1600 : vector<16xi32>
      %broadcast_in_dim3A_1602 = vector.shape_cast %and3A_1601 : vector<16xi32> to vector<16x1xi32>
      %gather3A_1603 = vector.shape_cast %broadcast_in_dim3A_1602 : vector<16x1xi32> to vector<16xi32>
      %gather3A_1604 = tpu.dynamic_gather %select_n3A_1590[%gather3A_1603] in [0] : vector<16xf32>, vector<16xi32> -> vector<16xf32>
      %add3A_1605 = arith.constant 1 : i32
      %add3A_1606 = vector.broadcast %add3A_1605 : i32 to vector<16xi32>
      %add3A_1607 = arith.addi %iota3A, %add3A_1606 : vector<16xi32>
      %and3A_1608 = arith.constant 15 : i32
      %and3A_1609 = vector.broadcast %and3A_1608 : i32 to vector<16xi32>
      %and3A_1610 = arith.andi %add3A_1607, %and3A_1609 : vector<16xi32>
      %broadcast_in_dim3A_1611 = vector.shape_cast %and3A_1610 : vector<16xi32> to vector<16x1xi32>
      %gather3A_1612 = vector.shape_cast %broadcast_in_dim3A_1611 : vector<16x1xi32> to vector<16xi32>
      %gather3A_1613 = tpu.dynamic_gather %select_n3A_1595[%gather3A_1612] in [0] : vector<16xi32>, vector<16xi32> -> vector<16xi32>
      %gt3A_1614 = arith.cmpf ogt, %gather3A_1604, %select_n3A_1590 : vector<16xf32>
      %eq3A_1615 = arith.cmpf oeq, %gather3A_1604, %select_n3A_1590 : vector<16xf32>
      %lt3A_1616 = arith.cmpi slt, %gather3A_1613, %select_n3A_1595 : vector<16xi32>
      %and3A_1617 = arith.andi %eq3A_1615, %lt3A_1616 : vector<16xi1>
      %or3A_1618 = arith.ori %gt3A_1614, %and3A_1617 : vector<16xi1>
      %select_n3A_1619 = arith.select %or3A_1618, %gather3A_1604, %select_n3A_1590 : vector<16xi1>, vector<16xf32>
      %select_n3A_1620 = arith.select %or3A_1618, %gather3A_1613, %select_n3A_1595 : vector<16xi1>, vector<16xi32>
      %add3A_1621 = arith.constant 2 : i32
      %add3A_1622 = vector.broadcast %add3A_1621 : i32 to vector<16xi32>
      %add3A_1623 = arith.addi %iota3A, %add3A_1622 : vector<16xi32>
      %and3A_1624 = arith.constant 15 : i32
      %and3A_1625 = vector.broadcast %and3A_1624 : i32 to vector<16xi32>
      %and3A_1626 = arith.andi %add3A_1623, %and3A_1625 : vector<16xi32>
      %broadcast_in_dim3A_1627 = vector.shape_cast %and3A_1626 : vector<16xi32> to vector<16x1xi32>
      %gather3A_1628 = vector.shape_cast %broadcast_in_dim3A_1627 : vector<16x1xi32> to vector<16xi32>
      %gather3A_1629 = tpu.dynamic_gather %select_n3A_1619[%gather3A_1628] in [0] : vector<16xf32>, vector<16xi32> -> vector<16xf32>
      %add3A_1630 = arith.constant 2 : i32
      %add3A_1631 = vector.broadcast %add3A_1630 : i32 to vector<16xi32>
      %add3A_1632 = arith.addi %iota3A, %add3A_1631 : vector<16xi32>
      %and3A_1633 = arith.constant 15 : i32
      %and3A_1634 = vector.broadcast %and3A_1633 : i32 to vector<16xi32>
      %and3A_1635 = arith.andi %add3A_1632, %and3A_1634 : vector<16xi32>
      %broadcast_in_dim3A_1636 = vector.shape_cast %and3A_1635 : vector<16xi32> to vector<16x1xi32>
      %gather3A_1637 = vector.shape_cast %broadcast_in_dim3A_1636 : vector<16x1xi32> to vector<16xi32>
      %gather3A_1638 = tpu.dynamic_gather %select_n3A_1620[%gather3A_1637] in [0] : vector<16xi32>, vector<16xi32> -> vector<16xi32>
      %gt3A_1639 = arith.cmpf ogt, %gather3A_1629, %select_n3A_1619 : vector<16xf32>
      %eq3A_1640 = arith.cmpf oeq, %gather3A_1629, %select_n3A_1619 : vector<16xf32>
      %lt3A_1641 = arith.cmpi slt, %gather3A_1638, %select_n3A_1620 : vector<16xi32>
      %and3A_1642 = arith.andi %eq3A_1640, %lt3A_1641 : vector<16xi1>
      %or3A_1643 = arith.ori %gt3A_1639, %and3A_1642 : vector<16xi1>
      %select_n3A_1644 = arith.select %or3A_1643, %gather3A_1629, %select_n3A_1619 : vector<16xi1>, vector<16xf32>
      %select_n3A_1645 = arith.select %or3A_1643, %gather3A_1638, %select_n3A_1620 : vector<16xi1>, vector<16xi32>
      %add3A_1646 = arith.constant 4 : i32
      %add3A_1647 = vector.broadcast %add3A_1646 : i32 to vector<16xi32>
      %add3A_1648 = arith.addi %iota3A, %add3A_1647 : vector<16xi32>
      %and3A_1649 = arith.constant 15 : i32
      %and3A_1650 = vector.broadcast %and3A_1649 : i32 to vector<16xi32>
      %and3A_1651 = arith.andi %add3A_1648, %and3A_1650 : vector<16xi32>
      %broadcast_in_dim3A_1652 = vector.shape_cast %and3A_1651 : vector<16xi32> to vector<16x1xi32>
      %gather3A_1653 = vector.shape_cast %broadcast_in_dim3A_1652 : vector<16x1xi32> to vector<16xi32>
      %gather3A_1654 = tpu.dynamic_gather %select_n3A_1644[%gather3A_1653] in [0] : vector<16xf32>, vector<16xi32> -> vector<16xf32>
      %add3A_1655 = arith.constant 4 : i32
      %add3A_1656 = vector.broadcast %add3A_1655 : i32 to vector<16xi32>
      %add3A_1657 = arith.addi %iota3A, %add3A_1656 : vector<16xi32>
      %and3A_1658 = arith.constant 15 : i32
      %and3A_1659 = vector.broadcast %and3A_1658 : i32 to vector<16xi32>
      %and3A_1660 = arith.andi %add3A_1657, %and3A_1659 : vector<16xi32>
      %broadcast_in_dim3A_1661 = vector.shape_cast %and3A_1660 : vector<16xi32> to vector<16x1xi32>
      %gather3A_1662 = vector.shape_cast %broadcast_in_dim3A_1661 : vector<16x1xi32> to vector<16xi32>
      %gather3A_1663 = tpu.dynamic_gather %select_n3A_1645[%gather3A_1662] in [0] : vector<16xi32>, vector<16xi32> -> vector<16xi32>
      %gt3A_1664 = arith.cmpf ogt, %gather3A_1654, %select_n3A_1644 : vector<16xf32>
      %eq3A_1665 = arith.cmpf oeq, %gather3A_1654, %select_n3A_1644 : vector<16xf32>
      %lt3A_1666 = arith.cmpi slt, %gather3A_1663, %select_n3A_1645 : vector<16xi32>
      %and3A_1667 = arith.andi %eq3A_1665, %lt3A_1666 : vector<16xi1>
      %or3A_1668 = arith.ori %gt3A_1664, %and3A_1667 : vector<16xi1>
      %select_n3A_1669 = arith.select %or3A_1668, %gather3A_1654, %select_n3A_1644 : vector<16xi1>, vector<16xf32>
      %select_n3A_1670 = arith.select %or3A_1668, %gather3A_1663, %select_n3A_1645 : vector<16xi1>, vector<16xi32>
      %add3A_1671 = arith.constant 8 : i32
      %add3A_1672 = vector.broadcast %add3A_1671 : i32 to vector<16xi32>
      %add3A_1673 = arith.addi %iota3A, %add3A_1672 : vector<16xi32>
      %and3A_1674 = arith.constant 15 : i32
      %and3A_1675 = vector.broadcast %and3A_1674 : i32 to vector<16xi32>
      %and3A_1676 = arith.andi %add3A_1673, %and3A_1675 : vector<16xi32>
      %broadcast_in_dim3A_1677 = vector.shape_cast %and3A_1676 : vector<16xi32> to vector<16x1xi32>
      %gather3A_1678 = vector.shape_cast %broadcast_in_dim3A_1677 : vector<16x1xi32> to vector<16xi32>
      %gather3A_1679 = tpu.dynamic_gather %select_n3A_1669[%gather3A_1678] in [0] : vector<16xf32>, vector<16xi32> -> vector<16xf32>
      %add3A_1680 = arith.constant 8 : i32
      %add3A_1681 = vector.broadcast %add3A_1680 : i32 to vector<16xi32>
      %add3A_1682 = arith.addi %iota3A, %add3A_1681 : vector<16xi32>
      %and3A_1683 = arith.constant 15 : i32
      %and3A_1684 = vector.broadcast %and3A_1683 : i32 to vector<16xi32>
      %and3A_1685 = arith.andi %add3A_1682, %and3A_1684 : vector<16xi32>
      %broadcast_in_dim3A_1686 = vector.shape_cast %and3A_1685 : vector<16xi32> to vector<16x1xi32>
      %gather3A_1687 = vector.shape_cast %broadcast_in_dim3A_1686 : vector<16x1xi32> to vector<16xi32>
      %gather3A_1688 = tpu.dynamic_gather %select_n3A_1670[%gather3A_1687] in [0] : vector<16xi32>, vector<16xi32> -> vector<16xi32>
      %gt3A_1689 = arith.cmpf ogt, %gather3A_1679, %select_n3A_1669 : vector<16xf32>
      %eq3A_1690 = arith.cmpf oeq, %gather3A_1679, %select_n3A_1669 : vector<16xf32>
      %lt3A_1691 = arith.cmpi slt, %gather3A_1688, %select_n3A_1670 : vector<16xi32>
      %and3A_1692 = arith.andi %eq3A_1690, %lt3A_1691 : vector<16xi1>
      %or3A_1693 = arith.ori %gt3A_1689, %and3A_1692 : vector<16xi1>
      %select_n3A_1694 = arith.select %or3A_1693, %gather3A_1679, %select_n3A_1669 : vector<16xi1>, vector<16xf32>
      %select_n3A_1695 = arith.select %or3A_1693, %gather3A_1688, %select_n3A_1670 : vector<16xi1>, vector<16xi32>
      scf.yield %select_n3A_1694, %select_n3A_1695 : vector<16xf32>, vector<16xi32>
    }
    %scan3A_283 = arith.constant 100 : i32
    %eq3A_284 = arith.constant 0 : i32
    %eq3A_285 = arith.cmpi eq, %arg1, %eq3A_284 : i32
    %convert_element_type3A = arith.extui %eq3A_285 : i1 to i32
    %cond3A = arith.constant 0 : i32
    %cond3A_286 = arith.cmpi ne, %convert_element_type3A, %cond3A : i32
    scf.if %cond3A_286 {
      %mul3A_287 = arith.constant 128 : i32
      %mul3A_288 = arith.muli %arg0, %mul3A_287 : i32
      "tpu.region"() ({
        %run_scoped3A = tpu.sem_alloc : memref<!tpu.dma_semaphore, #tpu.memory_space<semaphore_mem>>
        %dma_start3A = tpu.memref_slice %arg10[%mul3A_288] : memref<256xf32, #tpu.memory_space<hbm>> -> memref<128xf32, #tpu.memory_space<hbm>>
        %dma_start3A_293 = tpu.memref_slice %arg10[%mul3A_288] : memref<256xf32, #tpu.memory_space<hbm>> -> memref<128xf32, #tpu.memory_space<hbm>>
        tpu.enqueue_dma source(%arg22 : memref<128xf32, #tpu.memory_space<vmem>>) target(%dma_start3A_293 : memref<128xf32, #tpu.memory_space<hbm>>) target_semaphore(%run_scoped3A : memref<!tpu.dma_semaphore, #tpu.memory_space<semaphore_mem>>)
        %dma_wait3A = tpu.memref_slice %arg10[%mul3A_288] : memref<256xf32, #tpu.memory_space<hbm>> -> memref<128xf32, #tpu.memory_space<hbm>>
        %dma_wait3A_294 = tpu.memref_slice %arg10[%mul3A_288] : memref<256xf32, #tpu.memory_space<hbm>> -> memref<128xf32, #tpu.memory_space<hbm>>
        tpu.wait_dma2 semaphore(%run_scoped3A : memref<!tpu.dma_semaphore, #tpu.memory_space<semaphore_mem>>) src(%arg22 : memref<128xf32, #tpu.memory_space<vmem>>) dst(%dma_wait3A_294 : memref<128xf32, #tpu.memory_space<hbm>>)
        tpu.yield
      }) : () -> ()
      %mul3A_289 = arith.constant 4 : i32
      %mul3A_290 = arith.muli %arg0, %mul3A_289 : i32
      %mul3A_291 = arith.constant 128 : i32
      %mul3A_292 = arith.muli %mul3A_290, %mul3A_291 : i32
      "tpu.region"() ({
        %run_scoped3A = tpu.sem_alloc : memref<!tpu.dma_semaphore, #tpu.memory_space<semaphore_mem>>
        %dma_start3A = tpu.memref_slice %arg11[%mul3A_292] : memref<1024xf32, #tpu.memory_space<hbm>> -> memref<512xf32, #tpu.memory_space<hbm>>
        %dma_start3A_293 = tpu.memref_slice %arg11[%mul3A_292] : memref<1024xf32, #tpu.memory_space<hbm>> -> memref<512xf32, #tpu.memory_space<hbm>>
        tpu.enqueue_dma source(%arg23 : memref<512xf32, #tpu.memory_space<vmem>>) target(%dma_start3A_293 : memref<512xf32, #tpu.memory_space<hbm>>) target_semaphore(%run_scoped3A : memref<!tpu.dma_semaphore, #tpu.memory_space<semaphore_mem>>)
        %dma_wait3A = tpu.memref_slice %arg11[%mul3A_292] : memref<1024xf32, #tpu.memory_space<hbm>> -> memref<512xf32, #tpu.memory_space<hbm>>
        %dma_wait3A_294 = tpu.memref_slice %arg11[%mul3A_292] : memref<1024xf32, #tpu.memory_space<hbm>> -> memref<512xf32, #tpu.memory_space<hbm>>
        tpu.wait_dma2 semaphore(%run_scoped3A : memref<!tpu.dma_semaphore, #tpu.memory_space<semaphore_mem>>) src(%arg23 : memref<512xf32, #tpu.memory_space<vmem>>) dst(%dma_wait3A_294 : memref<512xf32, #tpu.memory_space<hbm>>)
        tpu.yield
      }) : () -> ()
    } else {
    }
    return
  }
}

module attributes {stable_mosaic.version = 14 : i64} {
  func.func @_stage1_body(%arg0: i32, %arg1: i32, %arg2: memref<1x1024x256xf32, #tpu.memory_space<vmem>>, %arg3: memref<1x1x1024xf32, #tpu.memory_space<vmem>>, %arg4: memref<1x1x1024xf32, #tpu.memory_space<vmem>>, %arg5: memref<1x1x1024xf32, #tpu.memory_space<vmem>>, %arg6: memref<1x1x1024xf32, #tpu.memory_space<vmem>>, %arg7: memref<1x1024xi32, #tpu.memory_space<vmem>>, %arg8: memref<256x4096xf32, #tpu.memory_space<vmem>>, %arg9: memref<1x4096xf32, #tpu.memory_space<vmem>>, %arg10: memref<4096x85xf32, #tpu.memory_space<vmem>>, %arg11: memref<1x85xf32, #tpu.memory_space<vmem>>, %arg12: memref<1024xf32, #tpu.memory_space<vmem>>, %arg13: memref<1024xf32, #tpu.memory_space<vmem>>, %arg14: memref<1024xf32, #tpu.memory_space<vmem>>, %arg15: memref<1024xf32, #tpu.memory_space<vmem>>, %arg16: memref<1024xf32, #tpu.memory_space<vmem>>, %arg17: memref<1024xf32, #tpu.memory_space<vmem>>, %arg18: memref<1024xf32, #tpu.memory_space<vmem>>, %arg19: memref<1024xf32, #tpu.memory_space<vmem>>) attributes {dimension_semantics = [#tpu.dimension_semantics<parallel>, #tpu.dimension_semantics<parallel>], iteration_bounds = array<i64: 2, 5>, scalar_prefetch = 0 : i64, scratch_operands = 0 : i64, tpu.core_type = #tpu.core_type<tc>, window_params = [{transform_indices = @transform_0, window_bounds = array<i64: 1, 1024, 256>}, {transform_indices = @transform_1, window_bounds = array<i64: 1, 1, 1024>}, {transform_indices = @transform_2, window_bounds = array<i64: 1, 1, 1024>}, {transform_indices = @transform_3, window_bounds = array<i64: 1, 1, 1024>}, {transform_indices = @transform_4, window_bounds = array<i64: 1, 1, 1024>}, {transform_indices = @transform_5, window_bounds = array<i64: 1, 1024>}, {pipeline_mode = #tpu.pipeline_mode<synchronous>, transform_indices = @transform_6, window_bounds = array<i64: 256, 4096>}, {pipeline_mode = #tpu.pipeline_mode<synchronous>, transform_indices = @transform_7, window_bounds = array<i64: 1, 4096>}, {pipeline_mode = #tpu.pipeline_mode<synchronous>, transform_indices = @transform_8, window_bounds = array<i64: 4096, 85>}, {pipeline_mode = #tpu.pipeline_mode<synchronous>, transform_indices = @transform_9, window_bounds = array<i64: 1, 85>}, {transform_indices = @transform_10, window_bounds = array<i64: 1024>}, {transform_indices = @transform_11, window_bounds = array<i64: 1024>}, {transform_indices = @transform_12, window_bounds = array<i64: 1024>}, {transform_indices = @transform_13, window_bounds = array<i64: 1024>}, {transform_indices = @transform_14, window_bounds = array<i64: 1024>}, {transform_indices = @transform_15, window_bounds = array<i64: 1024>}, {transform_indices = @transform_16, window_bounds = array<i64: 1024>}, {transform_indices = @transform_17, window_bounds = array<i64: 1024>}]} {
    %get3A = arith.constant 0 : index
    %get3A_0 = arith.constant 0 : index
    %get3A_1 = arith.constant 0 : index
    %get3A_2 = vector.load %arg2[%get3A, %get3A_0, %get3A_1] : memref<1x1024x256xf32, #tpu.memory_space<vmem>>, vector<1x1024x256xf32>
    %get3A_3 = vector.shape_cast %get3A_2 : vector<1x1024x256xf32> to vector<1024x256xf32>
    %get3A_4 = arith.constant 0 : index
    %get3A_5 = arith.constant 0 : index
    %get3A_6 = vector.load %arg8[%get3A_4, %get3A_5] : memref<256x4096xf32, #tpu.memory_space<vmem>>, vector<256x4096xf32>
    %dot_general3A = arith.constant dense<0.000000e+00> : vector<1024x4096xf32>
    %dot_general3A_7 = tpu.matmul %get3A_3, %get3A_6, %dot_general3A {dimension_numbers = #tpu.dot_dimension_numbers<[1], [0], [0], [1], [0, 0, 1, 1], [], []>, transpose_lhs_hint = false} : vector<1024x256xf32>, vector<256x4096xf32>, vector<1024x4096xf32> -> vector<1024x4096xf32>
    %get3A_8 = arith.constant 0 : index
    %get3A_9 = arith.constant 0 : index
    %get3A_10 = vector.load %arg9[%get3A_8, %get3A_9] : memref<1x4096xf32, #tpu.memory_space<vmem>>, vector<1x4096xf32>
    %add3A = vector.broadcast %get3A_10 : vector<1x4096xf32> to vector<1024x4096xf32>
    %add3A_11 = arith.addf %dot_general3A_7, %add3A : vector<1024x4096xf32>
    %get3A_12 = arith.constant 0 : index
    %get3A_13 = arith.constant 0 : index
    %get3A_14 = vector.load %arg10[%get3A_12, %get3A_13] : memref<4096x85xf32, #tpu.memory_space<vmem>>, vector<4096x85xf32>
    %dot_general3A_15 = arith.constant dense<0.000000e+00> : vector<1024x85xf32>
    %dot_general3A_16 = tpu.matmul %add3A_11, %get3A_14, %dot_general3A_15 {dimension_numbers = #tpu.dot_dimension_numbers<[1], [0], [0], [1], [0, 0, 1, 1], [], []>, transpose_lhs_hint = false} : vector<1024x4096xf32>, vector<4096x85xf32>, vector<1024x85xf32> -> vector<1024x85xf32>
    %get3A_17 = arith.constant 0 : index
    %get3A_18 = arith.constant 0 : index
    %get3A_19 = vector.load %arg11[%get3A_17, %get3A_18] : memref<1x85xf32, #tpu.memory_space<vmem>>, vector<1x85xf32>
    %add3A_20 = vector.broadcast %get3A_19 : vector<1x85xf32> to vector<1024x85xf32>
    %add3A_21 = arith.addf %dot_general3A_16, %add3A_20 : vector<1024x85xf32>
    %slice3A = vector.extract_strided_slice %add3A_21 {offsets = [0, 0], sizes = [1024, 81], strides = [1, 1]} : vector<1024x85xf32> to vector<1024x81xf32>
    %reduce_max3A = arith.constant dense<0xFF800000> : vector<1024xf32>
    %reduce_max3A_22 = vector.multi_reduction <maximumf>, %slice3A, %reduce_max3A [1] : vector<1024x81xf32> to vector<1024xf32>
    %broadcast_in_dim3A = vector.shape_cast %reduce_max3A_22 : vector<1024xf32> to vector<1024x1xf32>
    %sub3A = vector.broadcast %broadcast_in_dim3A : vector<1024x1xf32> to vector<1024x81xf32>
    %sub3A_23 = arith.subf %slice3A, %sub3A : vector<1024x81xf32>
    %exp3A = math.exp %sub3A_23 : vector<1024x81xf32>
    %reduce_sum3A = arith.constant dense<0.000000e+00> : vector<1024xf32>
    %reduce_sum3A_24 = vector.multi_reduction <add>, %exp3A, %reduce_sum3A [1] : vector<1024x81xf32> to vector<1024xf32>
    %broadcast_in_dim3A_25 = vector.shape_cast %reduce_sum3A_24 : vector<1024xf32> to vector<1024x1xf32>
    %slice3A_26 = vector.extract_strided_slice %slice3A {offsets = [0, 0], sizes = [1024, 1], strides = [1, 1]} : vector<1024x81xf32> to vector<1024x1xf32>
    %slice3A_27 = vector.extract_strided_slice %add3A_21 {offsets = [0, 81], sizes = [1024, 1], strides = [1, 1]} : vector<1024x85xf32> to vector<1024x1xf32>
    %slice3A_28 = vector.extract_strided_slice %add3A_21 {offsets = [0, 82], sizes = [1024, 1], strides = [1, 1]} : vector<1024x85xf32> to vector<1024x1xf32>
    %slice3A_29 = vector.extract_strided_slice %add3A_21 {offsets = [0, 83], sizes = [1024, 1], strides = [1, 1]} : vector<1024x85xf32> to vector<1024x1xf32>
    %slice3A_30 = vector.extract_strided_slice %add3A_21 {offsets = [0, 84], sizes = [1024, 1], strides = [1, 1]} : vector<1024x85xf32> to vector<1024x1xf32>
    %concatenate3A = tpu.concatenate %broadcast_in_dim3A, %broadcast_in_dim3A_25, %slice3A_26, %slice3A_27, %slice3A_28, %slice3A_29, %slice3A_30, %broadcast_in_dim3A in 1 : vector<1024x1xf32>, vector<1024x1xf32>, vector<1024x1xf32>, vector<1024x1xf32>, vector<1024x1xf32>, vector<1024x1xf32>, vector<1024x1xf32>, vector<1024x1xf32> -> vector<1024x8xf32>
    %transpose3A = tpu.transpose %concatenate3A, [1, 0] : vector<1024x8xf32> -> vector<8x1024xf32>
    %slice3A_31 = vector.extract_strided_slice %transpose3A {offsets = [0, 0], sizes = [1, 1024], strides = [1, 1]} : vector<8x1024xf32> to vector<1x1024xf32>
    %squeeze3A = vector.shape_cast %slice3A_31 : vector<1x1024xf32> to vector<1024xf32>
    %slice3A_32 = vector.extract_strided_slice %transpose3A {offsets = [1, 0], sizes = [1, 1024], strides = [1, 1]} : vector<8x1024xf32> to vector<1x1024xf32>
    %squeeze3A_33 = vector.shape_cast %slice3A_32 : vector<1x1024xf32> to vector<1024xf32>
    %slice3A_34 = vector.extract_strided_slice %transpose3A {offsets = [2, 0], sizes = [1, 1024], strides = [1, 1]} : vector<8x1024xf32> to vector<1x1024xf32>
    %squeeze3A_35 = vector.shape_cast %slice3A_34 : vector<1x1024xf32> to vector<1024xf32>
    %slice3A_36 = vector.extract_strided_slice %transpose3A {offsets = [3, 0], sizes = [1, 1024], strides = [1, 1]} : vector<8x1024xf32> to vector<1x1024xf32>
    %squeeze3A_37 = vector.shape_cast %slice3A_36 : vector<1x1024xf32> to vector<1024xf32>
    %slice3A_38 = vector.extract_strided_slice %transpose3A {offsets = [4, 0], sizes = [1, 1024], strides = [1, 1]} : vector<8x1024xf32> to vector<1x1024xf32>
    %squeeze3A_39 = vector.shape_cast %slice3A_38 : vector<1x1024xf32> to vector<1024xf32>
    %slice3A_40 = vector.extract_strided_slice %transpose3A {offsets = [5, 0], sizes = [1, 1024], strides = [1, 1]} : vector<8x1024xf32> to vector<1x1024xf32>
    %squeeze3A_41 = vector.shape_cast %slice3A_40 : vector<1x1024xf32> to vector<1024xf32>
    %slice3A_42 = vector.extract_strided_slice %transpose3A {offsets = [6, 0], sizes = [1, 1024], strides = [1, 1]} : vector<8x1024xf32> to vector<1x1024xf32>
    %squeeze3A_43 = vector.shape_cast %slice3A_42 : vector<1x1024xf32> to vector<1024xf32>
    %div3A = arith.constant 1.000000e+00 : f32
    %div3A_44 = vector.broadcast %div3A : f32 to vector<1024xf32>
    %div3A_45 = arith.divf %div3A_44, %squeeze3A_33 : vector<1024xf32>
    %lt3A = arith.cmpf olt, %squeeze3A_35, %squeeze3A : vector<1024xf32>
    %ge3A = arith.constant 0.00999999977 : f32
    %ge3A_46 = vector.broadcast %ge3A : f32 to vector<1024xf32>
    %ge3A_47 = arith.cmpf oge, %div3A_45, %ge3A_46 : vector<1024xf32>
    %and3A = arith.andi %lt3A, %ge3A_47 : vector<1024xi1>
    %get3A_48 = arith.constant 0 : index
    %get3A_49 = arith.constant 0 : index
    %get3A_50 = vector.load %arg7[%get3A_48, %get3A_49] : memref<1x1024xi32, #tpu.memory_space<vmem>>, vector<1x1024xi32>
    %get3A_51 = vector.shape_cast %get3A_50 : vector<1x1024xi32> to vector<1024xi32>
    %lt3A_52 = arith.constant 5000 : i32
    %lt3A_53 = vector.broadcast %lt3A_52 : i32 to vector<1024xi32>
    %lt3A_54 = arith.cmpi slt, %get3A_51, %lt3A_53 : vector<1024xi32>
    %and3A_55 = arith.andi %and3A, %lt3A_54 : vector<1024xi1>
    %jit3A = arith.constant 0.000000e+00 : f32
    %broadcast_in_dim3A_56 = vector.broadcast %jit3A : f32 to vector<1024xf32>
    %select_n3A = arith.select %and3A_55, %div3A_45, %broadcast_in_dim3A_56 : vector<1024xi1>, vector<1024xf32>
    %get3A_57 = arith.constant 0 : index
    %get3A_58 = arith.constant 0 : index
    %get3A_59 = arith.constant 0 : index
    %get3A_60 = vector.load %arg3[%get3A_57, %get3A_58, %get3A_59] : memref<1x1x1024xf32, #tpu.memory_space<vmem>>, vector<1x1x1024xf32>
    %get3A_61 = vector.shape_cast %get3A_60 : vector<1x1x1024xf32> to vector<1024xf32>
    %get3A_62 = arith.constant 0 : index
    %get3A_63 = arith.constant 0 : index
    %get3A_64 = arith.constant 0 : index
    %get3A_65 = vector.load %arg4[%get3A_62, %get3A_63, %get3A_64] : memref<1x1x1024xf32, #tpu.memory_space<vmem>>, vector<1x1x1024xf32>
    %get3A_66 = vector.shape_cast %get3A_65 : vector<1x1x1024xf32> to vector<1024xf32>
    %get3A_67 = arith.constant 0 : index
    %get3A_68 = arith.constant 0 : index
    %get3A_69 = arith.constant 0 : index
    %get3A_70 = vector.load %arg5[%get3A_67, %get3A_68, %get3A_69] : memref<1x1x1024xf32, #tpu.memory_space<vmem>>, vector<1x1x1024xf32>
    %get3A_71 = vector.shape_cast %get3A_70 : vector<1x1x1024xf32> to vector<1024xf32>
    %get3A_72 = arith.constant 0 : index
    %get3A_73 = arith.constant 0 : index
    %get3A_74 = arith.constant 0 : index
    %get3A_75 = vector.load %arg6[%get3A_72, %get3A_73, %get3A_74] : memref<1x1x1024xf32, #tpu.memory_space<vmem>>, vector<1x1x1024xf32>
    %get3A_76 = vector.shape_cast %get3A_75 : vector<1x1x1024xf32> to vector<1024xf32>
    %mul3A = arith.mulf %get3A_71, %squeeze3A_37 : vector<1024xf32>
    %add3A_77 = arith.addf %get3A_61, %mul3A : vector<1024xf32>
    %mul3A_78 = arith.mulf %get3A_76, %squeeze3A_39 : vector<1024xf32>
    %add3A_79 = arith.addf %get3A_66, %mul3A_78 : vector<1024xf32>
    %exp3A_80 = math.exp %squeeze3A_41 : vector<1024xf32>
    %mul3A_81 = arith.mulf %get3A_71, %exp3A_80 : vector<1024xf32>
    %exp3A_82 = math.exp %squeeze3A_43 : vector<1024xf32>
    %mul3A_83 = arith.mulf %get3A_76, %exp3A_82 : vector<1024xf32>
    %jit3A_84 = arith.constant 0.000000e+00 : f32
    %jit3A_85 = arith.constant 5.110000e+02 : f32
    %max3A = vector.broadcast %jit3A_84 : f32 to vector<1024xf32>
    %max3A_86 = arith.maximumf %max3A, %add3A_77 : vector<1024xf32>
    %min3A = vector.broadcast %jit3A_85 : f32 to vector<1024xf32>
    %min3A_87 = arith.minimumf %min3A, %max3A_86 : vector<1024xf32>
    %jit3A_88 = arith.constant 0.000000e+00 : f32
    %jit3A_89 = arith.constant 5.110000e+02 : f32
    %max3A_90 = vector.broadcast %jit3A_88 : f32 to vector<1024xf32>
    %max3A_91 = arith.maximumf %max3A_90, %add3A_79 : vector<1024xf32>
    %min3A_92 = vector.broadcast %jit3A_89 : f32 to vector<1024xf32>
    %min3A_93 = arith.minimumf %min3A_92, %max3A_91 : vector<1024xf32>
    %jit3A_94 = arith.constant 1.000000e+00 : f32
    %jit3A_95 = arith.constant 5.120000e+02 : f32
    %max3A_96 = vector.broadcast %jit3A_94 : f32 to vector<1024xf32>
    %max3A_97 = arith.maximumf %max3A_96, %mul3A_81 : vector<1024xf32>
    %min3A_98 = vector.broadcast %jit3A_95 : f32 to vector<1024xf32>
    %min3A_99 = arith.minimumf %min3A_98, %max3A_97 : vector<1024xf32>
    %jit3A_100 = arith.constant 1.000000e+00 : f32
    %jit3A_101 = arith.constant 5.120000e+02 : f32
    %max3A_102 = vector.broadcast %jit3A_100 : f32 to vector<1024xf32>
    %max3A_103 = arith.maximumf %max3A_102, %mul3A_83 : vector<1024xf32>
    %min3A_104 = vector.broadcast %jit3A_101 : f32 to vector<1024xf32>
    %min3A_105 = arith.minimumf %min3A_104, %max3A_103 : vector<1024xf32>
    %add3A_106 = arith.addf %min3A_87, %min3A_99 : vector<1024xf32>
    %sub3A_107 = arith.constant 1.000000e+00 : f32
    %sub3A_108 = vector.broadcast %sub3A_107 : f32 to vector<1024xf32>
    %sub3A_109 = arith.subf %add3A_106, %sub3A_108 : vector<1024xf32>
    %add3A_110 = arith.addf %min3A_93, %min3A_105 : vector<1024xf32>
    %sub3A_111 = arith.constant 1.000000e+00 : f32
    %sub3A_112 = vector.broadcast %sub3A_111 : f32 to vector<1024xf32>
    %sub3A_113 = arith.subf %add3A_110, %sub3A_112 : vector<1024xf32>
    %sub3A_114 = arith.subf %sub3A_109, %min3A_87 : vector<1024xf32>
    %add3A_115 = arith.constant 1.000000e+00 : f32
    %add3A_116 = vector.broadcast %add3A_115 : f32 to vector<1024xf32>
    %add3A_117 = arith.addf %sub3A_114, %add3A_116 : vector<1024xf32>
    %sub3A_118 = arith.subf %sub3A_113, %min3A_93 : vector<1024xf32>
    %add3A_119 = arith.constant 1.000000e+00 : f32
    %add3A_120 = vector.broadcast %add3A_119 : f32 to vector<1024xf32>
    %add3A_121 = arith.addf %sub3A_118, %add3A_120 : vector<1024xf32>
    %mul3A_122 = arith.mulf %add3A_117, %add3A_121 : vector<1024xf32>
    %swap3A = arith.constant 0 : index
    %swap3A_123 = vector.load %arg12[%swap3A] : memref<1024xf32, #tpu.memory_space<vmem>>, vector<1024xf32>
    tpu.vector_store %arg12[%swap3A], %select_n3A {strides = array<i32>} : memref<1024xf32, #tpu.memory_space<vmem>>, vector<1024xf32>,
    %swap3A_124 = arith.constant 0 : index
    %swap3A_125 = vector.load %arg13[%swap3A_124] : memref<1024xf32, #tpu.memory_space<vmem>>, vector<1024xf32>
    tpu.vector_store %arg13[%swap3A_124], %min3A_87 {strides = array<i32>} : memref<1024xf32, #tpu.memory_space<vmem>>, vector<1024xf32>,
    %swap3A_126 = arith.constant 0 : index
    %swap3A_127 = vector.load %arg14[%swap3A_126] : memref<1024xf32, #tpu.memory_space<vmem>>, vector<1024xf32>
    tpu.vector_store %arg14[%swap3A_126], %min3A_93 {strides = array<i32>} : memref<1024xf32, #tpu.memory_space<vmem>>, vector<1024xf32>,
    %swap3A_128 = arith.constant 0 : index
    %swap3A_129 = vector.load %arg15[%swap3A_128] : memref<1024xf32, #tpu.memory_space<vmem>>, vector<1024xf32>
    tpu.vector_store %arg15[%swap3A_128], %min3A_99 {strides = array<i32>} : memref<1024xf32, #tpu.memory_space<vmem>>, vector<1024xf32>,
    %swap3A_130 = arith.constant 0 : index
    %swap3A_131 = vector.load %arg16[%swap3A_130] : memref<1024xf32, #tpu.memory_space<vmem>>, vector<1024xf32>
    tpu.vector_store %arg16[%swap3A_130], %min3A_105 {strides = array<i32>} : memref<1024xf32, #tpu.memory_space<vmem>>, vector<1024xf32>,
    %swap3A_132 = arith.constant 0 : index
    %swap3A_133 = vector.load %arg17[%swap3A_132] : memref<1024xf32, #tpu.memory_space<vmem>>, vector<1024xf32>
    tpu.vector_store %arg17[%swap3A_132], %sub3A_109 {strides = array<i32>} : memref<1024xf32, #tpu.memory_space<vmem>>, vector<1024xf32>,
    %swap3A_134 = arith.constant 0 : index
    %swap3A_135 = vector.load %arg18[%swap3A_134] : memref<1024xf32, #tpu.memory_space<vmem>>, vector<1024xf32>
    tpu.vector_store %arg18[%swap3A_134], %sub3A_113 {strides = array<i32>} : memref<1024xf32, #tpu.memory_space<vmem>>, vector<1024xf32>,
    %swap3A_136 = arith.constant 0 : index
    %swap3A_137 = vector.load %arg19[%swap3A_136] : memref<1024xf32, #tpu.memory_space<vmem>>, vector<1024xf32>
    tpu.vector_store %arg19[%swap3A_136], %mul3A_122 {strides = array<i32>} : memref<1024xf32, #tpu.memory_space<vmem>>, vector<1024xf32>,
    return
  }
  func.func @transform_0(%arg0: i32, %arg1: i32) -> (i32, i32, i32) {
    %c0_i32 = arith.constant 0 : i32
    %c0_i32_0 = arith.constant 0 : i32
    return %arg0, %arg1, %c0_i32 : i32, i32, i32
  }
  func.func @transform_1(%arg0: i32, %arg1: i32) -> (i32, i32, i32) {
    %c0_i32 = arith.constant 0 : i32
    %c0_i32_0 = arith.constant 0 : i32
    return %arg0, %c0_i32, %arg1 : i32, i32, i32
  }
  func.func @transform_2(%arg0: i32, %arg1: i32) -> (i32, i32, i32) {
    %c0_i32 = arith.constant 0 : i32
    %c0_i32_0 = arith.constant 0 : i32
    return %arg0, %c0_i32, %arg1 : i32, i32, i32
  }
  func.func @transform_3(%arg0: i32, %arg1: i32) -> (i32, i32, i32) {
    %c0_i32 = arith.constant 0 : i32
    %c0_i32_0 = arith.constant 0 : i32
    return %arg0, %c0_i32, %arg1 : i32, i32, i32
  }
  func.func @transform_4(%arg0: i32, %arg1: i32) -> (i32, i32, i32) {
    %c0_i32 = arith.constant 0 : i32
    %c0_i32_0 = arith.constant 0 : i32
    return %arg0, %c0_i32, %arg1 : i32, i32, i32
  }
  func.func @transform_5(%arg0: i32, %arg1: i32) -> (i32, i32) {
    %c0_i32 = arith.constant 0 : i32
    %c0_i32_0 = arith.constant 0 : i32
    return %c0_i32, %arg1 : i32, i32
  }
  func.func @transform_6(%arg0: i32, %arg1: i32) -> (i32, i32) {
    %c0_i32 = arith.constant 0 : i32
    %c0_i32_0 = arith.constant 0 : i32
    %c0_i32_1 = arith.constant 0 : i32
    return %c0_i32, %c0_i32_0 : i32, i32
  }
  func.func @transform_7(%arg0: i32, %arg1: i32) -> (i32, i32) {
    %c0_i32 = arith.constant 0 : i32
    %c0_i32_0 = arith.constant 0 : i32
    %c0_i32_1 = arith.constant 0 : i32
    return %c0_i32, %c0_i32_0 : i32, i32
  }
  func.func @transform_8(%arg0: i32, %arg1: i32) -> (i32, i32) {
    %c0_i32 = arith.constant 0 : i32
    %c0_i32_0 = arith.constant 0 : i32
    %c0_i32_1 = arith.constant 0 : i32
    return %c0_i32, %c0_i32_0 : i32, i32
  }
  func.func @transform_9(%arg0: i32, %arg1: i32) -> (i32, i32) {
    %c0_i32 = arith.constant 0 : i32
    %c0_i32_0 = arith.constant 0 : i32
    %c0_i32_1 = arith.constant 0 : i32
    return %c0_i32, %c0_i32_0 : i32, i32
  }
  func.func @transform_10(%arg0: i32, %arg1: i32) -> i32 {
    %mul3A = arith.constant 5 : i32
    %mul3A_0 = arith.muli %arg0, %mul3A : i32
    %add3A = arith.addi %mul3A_0, %arg1 : i32
    %c0_i32 = arith.constant 0 : i32
    return %add3A : i32
  }
  func.func @transform_11(%arg0: i32, %arg1: i32) -> i32 {
    %mul3A = arith.constant 5 : i32
    %mul3A_0 = arith.muli %arg0, %mul3A : i32
    %add3A = arith.addi %mul3A_0, %arg1 : i32
    %c0_i32 = arith.constant 0 : i32
    return %add3A : i32
  }
  func.func @transform_12(%arg0: i32, %arg1: i32) -> i32 {
    %mul3A = arith.constant 5 : i32
    %mul3A_0 = arith.muli %arg0, %mul3A : i32
    %add3A = arith.addi %mul3A_0, %arg1 : i32
    %c0_i32 = arith.constant 0 : i32
    return %add3A : i32
  }
  func.func @transform_13(%arg0: i32, %arg1: i32) -> i32 {
    %mul3A = arith.constant 5 : i32
    %mul3A_0 = arith.muli %arg0, %mul3A : i32
    %add3A = arith.addi %mul3A_0, %arg1 : i32
    %c0_i32 = arith.constant 0 : i32
    return %add3A : i32
  }
  func.func @transform_14(%arg0: i32, %arg1: i32) -> i32 {
    %mul3A = arith.constant 5 : i32
    %mul3A_0 = arith.muli %arg0, %mul3A : i32
    %add3A = arith.addi %mul3A_0, %arg1 : i32
    %c0_i32 = arith.constant 0 : i32
    return %add3A : i32
  }
  func.func @transform_15(%arg0: i32, %arg1: i32) -> i32 {
    %mul3A = arith.constant 5 : i32
    %mul3A_0 = arith.muli %arg0, %mul3A : i32
    %add3A = arith.addi %mul3A_0, %arg1 : i32
    %c0_i32 = arith.constant 0 : i32
    return %add3A : i32
  }
  func.func @transform_16(%arg0: i32, %arg1: i32) -> i32 {
    %mul3A = arith.constant 5 : i32
    %mul3A_0 = arith.muli %arg0, %mul3A : i32
    %add3A = arith.addi %mul3A_0, %arg1 : i32
    %c0_i32 = arith.constant 0 : i32
    return %add3A : i32
  }
  func.func @transform_17(%arg0: i32, %arg1: i32) -> i32 {
    %mul3A = arith.constant 5 : i32
    %mul3A_0 = arith.muli %arg0, %mul3A : i32
    %add3A = arith.addi %mul3A_0, %arg1 : i32
    %c0_i32 = arith.constant 0 : i32
    return %add3A : i32
  }
}

</mosaic_0001>

<sc_bundles>
// kernel: kernel.4.cloned.1.call-start
scs
__scs_entry_jumppad:
0x0: {  	(pc) =	sbr.rel $0x88, $3  }
0x1: {  	(tag) =	ssettag $0x0;
	lr =	simm.s32 $0x1  }
0x2: {  	[smem:$0x3F99] =	sst lr;
	_ =	strace $0xD0000000  }
0x3: {  	_ = 	snop  }
0x4: {  	_ = 	snop  }
0x5: {  	_ = 	snop  }
0x6: {  	_ = 	snop  }
0x7: {  	_ = 	snop  }
__scs_overlays_trampoline_lowered:
0x8: {  	[smem:$0x3FA8] =	sst s0  }
0x9: {  	[smem:$0x3FA9] =	sst s1  }
0xa: {  	[smem:$0x3FAA] =	sst s2  }
0xb: {  	[smem:$0x3FAB] =	sst s3  }
0xc: {  	[smem:$0x3FAC] =	sst s4  }
0xd: {  	[smem:$0x3FAD] =	sst s5  }
0xe: {  	[smem:$0x3FAE] =	sst s6  }
0xf: {  	[smem:$0x3FAF] =	sst s7  }
0x10: {  	[smem:$0x3FB0] =	sst s8  }
0x11: {  	[smem:$0x3FB1] =	sst s9;
	s0 =	simm.s32 @!p0 $0x0  }
0x12: {  	s1 =	sld [smem:$0x3F97];
	s0 =	simm.s32 @p0 $0x1  }
0x13: {  	[smem:$0x3FB2] =	sst s0;
	s0 =	simm.s32 @!p1 $0x0  }
0x14: {  	s2 =	sld [smem:$0x3F96];
	s0 =	simm.s32 @p1 $0x1  }
0x15: {  	[smem:$0x3FB3] =	sst s0;
	s0 =	simm.s32 @!p2 $0x0  }
0x16: {  	s3 =	sld [smem:$0x3FDB];
	s0 =	simm.s32 @p2 $0x1  }
0x17: {  	s4 =	simm.s32 $0x1BF5;
	[smem:$0x3FB5] =	sst s0  }
0x18: {  	s0 =	sld [smem:$0x3F98];
	_ =	swait.ge [sflag:s4], $0x0  }
0x19: {  	s7 =	sld [smem:$0x3F99]  }
0x1a: {  	s8 =	sadd.s32 $0xFFFFE003, lr  }
0x1b: {  	s9 =	sadd.s32 $0xFFFFFEF7, lr;
	s5 =	simm.s32 $0xFFFFFFFF;
	p2 =	slt.u32 s8, $0xFFFFF086  }
0x1c: {  	p1 =	slt.u32 s9, $0xF7A;
	s5 =	simm.s32 @!p2 $0x0  }
0x1d: {  	s5 =	simm.s32 @p1 $0x1;
	p0 =	seq.s32 s7, s2  }
0x1e: {  	s7 =	smul.u32 @!p0 $0xF7A, s2;
	p2 =	seq.s32 @!p0 s5, $0x0  }
0x1f: {  	s9 =	smul.u32 $0xF7A, s1;
	s8 =	simm.s32 @!p0 $0x1BF5;
	p2 =	por !p2, p0  }
0x20: {  	[sflag:s8] =	ssyncset.s32 @!p0 $0xFFFFF086;
	s6 =	sadd.s32 @!p0 s3, s7;
	s7 =	simm.s32 @!p0 $0x108  }
0x21: {  	s3 =	sadd.s32 s3, s9;
	s6 =	sadd.s32 @!p0 $0x88, s6;
	s7 =	simm.s32 @p2 $0x1082  }
0x22: {  	[simem:s7], [sflag:s8] =	dma.local @!p0 [hbm:s6], $0xF7A  }
0x23: {  	s9 =	sor.u32 $0xD0000000, s2;
	s6 =	simm.s32 $0x108;
	_ =	swait.ge @!p0 [sflag:s8], $0x0  }
0x24: {  	s3 =	sadd.s32 $0x88, s3;
	s6 =	simm.s32 @!p1 $0x1082;
	[sflag:s4] =	ssyncset.s32 $0xFFFFF086  }
0x25: {  	[simem:s6], [sflag:s4] =	dma.local [hbm:s3], $0xF7A  }
0x26: {  	[smem:$0x3F99] =	sst s1;
	(tag) =	ssettag s2;
	_ =	strace s9  }
0x27: {  	s1 =	sld [smem:$0x3FA9]  }
0x28: {  	s2 =	sld [smem:$0x3FAA]  }
0x29: {  	s4 =	sld [smem:$0x3FAC]  }
0x2a: {  	p0 =	seq.s32 s5, $0x0;
	s5 =	sld [smem:$0x3FAD]  }
0x2b: {  	s6 =	sld [smem:$0x3FAE]  }
0x2c: {  	s7 =	sld [smem:$0x3FAF]  }
0x2d: {  	s3 =	simm.s32 $0x108;
	s8 =	sld [smem:$0x3FB0]  }
0x2e: {  	s3 =	simm.s32 @!p0 $0x1082;
	s9 =	sld [smem:$0x3FB1]  }
0x2f: {  	lr =	sadd.s32 s0, s3;
	s0 =	sld [smem:$0x3FA8]  }
0x30: {  	s3 =	sld [smem:$0x3FAB]  }
0x31: {  	[smem:$0x3FB4] =	sst s10  }
0x32: {  	s10 =	sld [smem:$0x3FB2];
	_ =	sdelay $0x3  }
0x33: {  	p0 =	seq.s32 s10, $0x1;
	s10 =	sld [smem:$0x3FB4];
	_ =	sdelay $0x3  }
0x34: {  	[smem:$0x3FB4] =	sst s10  }
0x35: {  	s10 =	sld [smem:$0x3FB3];
	_ =	sdelay $0x3  }
0x36: {  	p1 =	seq.s32 s10, $0x1;
	s10 =	sld [smem:$0x3FB4];
	_ =	sdelay $0x3  }
0x37: {  	[smem:$0x3FB4] =	sst s10  }
0x38: {  	s10 =	sld [smem:$0x3FB5]  }
0x39: {  	_ = 	snop;
	(pc) =	sbr.ind lr, $3  }
0x3a: {  	_ = 	snop  }
0x3b: {  	_ = 	snop  }
0x3c: {  	p2 =	seq.s32 s10, $0x1;
	s10 =	sld [smem:$0x3FB4]  }
0x3d: {  	_ =	shalt  }
0x3e: {  	_ =	shalt  }
0x3f: {  	_ =	shalt  }
0x40: {  	_ =	shalt  }
0x41: {  	_ =	shalt  }
0x42: {  	_ =	shalt  }
0x43: {  	_ =	shalt  }
0x44: {  	_ =	shalt  }
0x45: {  	_ =	shalt  }
0x46: {  	_ =	shalt  }
0x47: {  	_ =	shalt  }
0x48: {  	_ =	shalt  }
0x49: {  	_ =	shalt  }
0x4a: {  	_ =	shalt  }
0x4b: {  	_ =	shalt  }
0x4c: {  	_ =	shalt  }
0x4d: {  	_ =	shalt  }
0x4e: {  	_ =	shalt  }
0x4f: {  	_ =	shalt  }
0x50: {  	_ =	shalt  }
0x51: {  	_ =	shalt  }
0x52: {  	_ =	shalt  }
0x53: {  	_ =	shalt  }
0x54: {  	_ =	shalt  }
0x55: {  	_ =	shalt  }
0x56: {  	_ =	shalt  }
0x57: {  	_ =	shalt  }
0x58: {  	_ =	shalt  }
0x59: {  	_ =	shalt  }
0x5a: {  	_ =	shalt  }
0x5b: {  	_ =	shalt  }
0x5c: {  	_ =	shalt  }
0x5d: {  	_ =	shalt  }
0x5e: {  	_ =	shalt  }
0x5f: {  	_ =	shalt  }
0x60: {  	_ =	shalt  }
0x61: {  	_ =	shalt  }
0x62: {  	_ =	shalt  }
0x63: {  	_ =	shalt  }
0x64: {  	_ =	shalt  }
0x65: {  	_ =	shalt  }
0x66: {  	_ =	shalt  }
0x67: {  	_ =	shalt  }
0x68: {  	_ =	shalt  }
0x69: {  	_ =	shalt  }
0x6a: {  	_ =	shalt  }
0x6b: {  	_ =	shalt  }
0x6c: {  	_ =	shalt  }
0x6d: {  	_ =	shalt  }
0x6e: {  	_ =	shalt  }
0x6f: {  	_ =	shalt  }
0x70: {  	_ =	shalt  }
0x71: {  	_ =	shalt  }
0x72: {  	_ =	shalt  }
0x73: {  	_ =	shalt  }
0x74: {  	_ =	shalt  }
0x75: {  	_ =	shalt  }
0x76: {  	_ =	shalt  }
0x77: {  	_ =	shalt  }
0x78: {  	_ =	shalt  }
0x79: {  	_ =	shalt  }
0x7a: {  	_ =	shalt  }
0x7b: {  	_ =	shalt  }
0x7c: {  	_ =	shalt  }
0x7d: {  	_ =	shalt  }
0x7e: {  	_ =	shalt  }
0x7f: {  	_ =	shalt  }
0x80: {  	_ =	shalt  }
0x81: {  	_ =	shalt  }
0x82: {  	_ =	shalt  }
0x83: {  	_ =	shalt  }
0x84: {  	_ =	shalt  }
0x85: {  	_ =	shalt  }
0x86: {  	_ =	shalt  }
0x87: {  	_ =	shalt  }
.Lfunc_end0:
.L_simem_size_0:
called_computation_lowered:
.L_overlay_start_0:
0x88: {  	s2 =	sld [smem:$0x3FD9]  }
0x89: {  	s3 =	sld [smem:$0x3FFE];
	_ =	sdelay $0x1  }
0x8a: {  	s1 =	srdreg.scid  }
0x8b: {  	s0 =	sand.u32 $0x1, s1  }
0x8c: {  	s14 =	sshll.u32 s0, $0xA;
	s2 =	sadd.s32 s3, s2  }
0x8d: {  	s2 =	sadd.s32 s2, s14  }
0x8e: {  	[smem:$0x3FC0] =	sst s2  }
0x8f: {  	_ = 	snop  }
0x90: {  	s2 =	sld [smem:$0x3FD0];
	_ =	sdelay $0x2  }
0x91: {  	s15 =	simm.s32 $0xA;
	s4 =	simm.s32 $0x10  }
0x92: {  	[smem:s4], [sflag:s15] =	dma.local [hbm:s2], $0x1  }
0x93: {  	_ =	swait.eq [sflag:s15], $0x1  }
0x94: {  	[sflag:s15] =	ssyncset.done $0x0  }
0x95: {  	s16 =	sld [smem:$0x10];
	[sflag:s15] =	ssyncadd.s32 $0xFFFFFFFF  }
0x96: {  	s17 =	sld [smem:$0x11];
	(tm) =	ssettm $0x1  }
0x97: {  	s18 =	sld [smem:$0x3FFB];
	_ =	sdelay $0x3  }
0x98: {  	_ =	strace s18  }
0x99: {  	s4 =	sld [smem:$0x3FFC];
	_ =	sdelay $0x3  }
0x9a: {  	_ =	strace s4  }
0x9b: {  	s4 =	sld [smem:$0x3FFD];
	_ =	sdelay $0x3  }
0x9c: {  	_ =	strace s4  }
0x9d: {  	_ =	strace $0x8FFFFFFF  }
0x9e: {  	s19 =	sld [smem:$0x3FDB];
	_ =	sdelay $0x1  }
0x9f: {  	s5 =	simm.s32 $_scs_section_size  }
0xa0: {  	s6 =	simm.s32 $_size__tile_overlayer_lowered;
	s7 =	simm.s32 $_tile_overlayer_lowered  }
0xa1: {  	s22 =	simm.s32 $0x1BFF;
	s21 =	sshll.u32 s7, $0x1;
	s4 =	sadd.s32 s5, s19  }
0xa2: {  	s8 =	simm.s32 $0x0;
	s20 =	sshll.u32 s6, $0x1;
	s6 =	sadd.s32 s21, s4  }
0xa3: {  	[timem:s8], [sflag:s22] =	dma.local [hbm:s6], s20  }
0xa4: {  	_ =	swait.ge [sflag:s22], s20  }
0xa5: {  	s5 =	ssub.s32 $0x0, s20;
	[sflag:s22] =	ssyncset.done $0x0  }
0xa6: {  	[sflag:s22] =	ssyncadd.s32 s5;
	_ =	sdelay $0x1  }
0xa7: {  	s23 =	simm.s32 $0x1B8B  }
0xa8: {  	_ =	swait.ge [sflag:s23], $0x1  }
0xa9: {  	[sflag:s23] =	ssyncset.done $0x0  }
0xaa: {  	s25 =	simm.s32 $0x1B8E;
	s24 =	sld [smem:$0x3FFE];
	[sflag:s23] =	ssyncadd.s32 $0xFFFFFFFF  }
0xab: {  	s26 =	simm.s32 $execute0_lowered;
	[smem:$0x3FD2] =	sst s25  }
0xac: {  	s6 =	sshll.u32 s26, $0x1;
	_ =	strace $0x80000046;
	[dreg:$0x1] =	wrdreg $0xFFFFFFFF  }
0xad: {  	s28 =	simm.s32 $_size_execute0_lowered;
	s4 =	sadd.s32 s4, s6;
	[dreg:$0x0] =	wrdreg $0x0  }
0xae: {  	s6 =	sshll.u32 s28, $0x1;
	[dreg:$0x2] =	wrdreg s4  }
0xaf: {  	[dreg:$0x3] =	wrdreg s6  }
0xb0: {  	[dreg:$0x4] =	wrdreg $0xC0  }
0xb1: {  	_ =	task [dreg:s8], $0x5FFFF  }
0xb2: {  	[dreg:$0x1] =	wrdreg $0xFFFFFFFF  }
0xb3: {  	[dreg:$0x0] =	wrdreg $0x60  }
0xb4: {  	[dreg:$0x2] =	wrdreg s24  }
0xb5: {  	[dreg:$0x3] =	wrdreg s16  }
0xb6: {  	[dreg:$0x4] =	wrdreg s17  }
0xb7: {  	[dreg:$0x5] =	wrdreg $0x64000  }
0xb8: {  	[dreg:$0x6] =	wrdreg $0x9  }
0xb9: {  	_ =	task.clear_ibuf [dreg:s8], $0x7FFFF;
	_ =	strace $0x90000046  }
0xba: {  	s29 =	simm.s32 $0x9;
	_ =	strace $0x80000048  }
0xbb: {  	_ =	swait.ge [sflag:s29], $0x1  }
0xbc: {  	[sflag:s29] =	ssyncadd.s32 $0xFFFFFFFF  }
0xbd: {  	_ =	strace $0x90000048  }
0xbe: {  	_ =	sfence  }
0xbf: {  	s30 =	sld [smem:$0x0];
	_ =	sdelay $0x2  }
0xc0: {  	s31 =	sshll.u32 s1, $0xD;
	s1 =	sshrl.u32 s1, $0x2  }
0xc1: {  	s3 =	sand.u32 $0x4000, s31;
	s1 =	sadd.s32 s1, s30  }
0xc2: {  	s0 =	sor.u32 s3, s0;
	s1 =	sshll.u32 s1, $0x11  }
0xc3: {  	s0 =	sor.u32 s1, s0  }
0xc4: {  	s0 =	sadd.s32 $0x8F2B, s0  }
0xc5: {  	[sflag:s0] =	ssyncadd.remote.s32 $0x1  }
0xc6: {  	_ =	sfence.sel $0xFFFF  }
0xc7: {  	[dreg:$0x0] =	wrdreg $0xFFFFFFFF;
	(pc) =	sbr.abs _section_cstart, $3  }
0xc8: {  	[dreg:$0x1] =	wrdreg $0xFFFFFFFF  }
0xc9: {  	_ =	task.clear_ibuf [dreg:s8], $0x2FFFF;
	_ =	strace $0x9FFFFFFF  }
0xca: {  	(tm) =	ssettm $0x7FFFFFFF  }
0xcb: {  	_ =	shalt  }
tec
execute0_lowered:
.L_overlay_start_1:
0x0: {  	(tag) =	ssettag $0x1  }
0x1: {  	v0 =	vlaneseq.u32;
	v20 =	vimm.s32 $0xFEDCBA9  }
0x2: {  	v21 =	vimm.s32 $0x87654321;
	v22 =	vimm.s32 $0x10FEDCBA;
	v23 =	vimm.s32 $0x98765432  }
0x3: {  	v24 =	vimm.s32 $0x3210FEDC;
	v25 =	vimm.s32 $0xBA987654;
	vm0 =	vcmask $0x1F1C  }
0x4: {  	vm1 =	vcmask $0xF0C;
	vm2 =	vcmask $0xF08;
	vm3 =	vcmask $0x3F3C  }
0x5: {  	s0 =	stileid.u32;
	s23 =	rddreg [dreg:$0x0];
	v20 =	vunpack.c.l.s4.s8 v20;
	v21 =	vunpack.c.l.s4.s8 v21;
	v22 =	vunpack.c.l.s4.s8 v22  }
0x6: {  	s5 =	srdreg.scid;
	s3 =	smul.u32 $0x140, s0;
	v23 =	vunpack.c.l.s4.s8 v23;
	vm0 =	vmor vm1, vm0;
	vm1 =	vcmask $0x2F2C  }
0x7: {  	s28 =	simm.s32 $0x5B80;
	s29 =	simm.s32 $0x5C00;
	s30 =	simm.s32 $0x5900;
	v24 =	vunpack.c.l.s4.s8 v24;
	v25 =	vunpack.c.l.s4.s8 v25;
	vm0 =	vmor vm0, vm1  }
0x8: {  	s31 =	simm.s32 $0x5980;
	p0 =	sne.s32 s0, $0x0;
	vm1 =	vcmask $0x1F18;
	v1 =	vor.u32 s3, v0;
	s1 =	sor.u32 $0x10, s3;
	v26 =	vunpack.c.0.s8.s32 v20  }
0x9: {  	s2 =	sor.u32 $0x20, s3;
	s4 =	sor.u32 $0x30, s3;
	s8 =	sadd.s32 $0x40, s3;
	v21 =	vunpack.c.0.s8.s32 v21;
	v22 =	vunpack.c.0.s8.s32 v22;
	v23 =	vunpack.c.0.s8.s32 v23  }
0xa: {  	s9 =	sadd.s32 $0x50, s3;
	s10 =	sadd.s32 $0x60, s3;
	s11 =	sadd.s32 $0x70, s3;
	v24 =	vunpack.c.0.s8.s32 v24;
	v25 =	vunpack.c.0.s8.s32 v25;
	vm1 =	vmor vm2, vm1  }
0xb: {  	s12 =	sadd.s32 $0x80, s3;
	s13 =	sadd.s32 $0x90, s3;
	s14 =	sadd.s32 $0xA0, s3;
	vm2 =	vcmask $0x2F28;
	vm0 =	vmor vm0, vm3;
	vm3 =	vcmask $0x300  }
0xc: {  	s15 =	sadd.s32 $0xB0, s3;
	s16 =	sadd.s32 $0xC0, s3;
	s17 =	sadd.s32 $0xD0, s3;
	v2 =	vor.u32 s1, v0;
	v3 =	vor.u32 s2, v0;
	v4 =	vor.u32 s4, v0  }
0xd: {  	s18 =	sadd.s32 $0xE0, s3;
	s19 =	sadd.s32 $0xF0, s3;
	v5 =	vor.u32 s8, v0;
	v6 =	vor.u32 s9, v0;
	v10 =	vor.u32 s13, v0;
	s13 =	rddreg [dreg:$0x1]  }
0xe: {  	s20 =	sadd.s32 $0x100, s3;
	s21 =	sadd.s32 $0x110, s3;
	v7 =	vor.u32 s10, v0;
	v8 =	vor.u32 s11, v0;
	v11 =	vor.u32 s14, v0;
	s14 =	rddreg [dreg:$0x2]  }
0xf: {  	s22 =	sadd.s32 $0x120, s3;
	s6 =	sadd.s32 $0x130, s3;
	v9 =	vor.u32 s12, v0;
	v12 =	vor.u32 s15, v0;
	v13 =	vor.u32 s16, v0;
	s1 =	rddreg [dreg:$0x3]  }
0x10: {  	v14 =	vor.u32 s17, v0;
	v15 =	vor.u32 s18, v0;
	v16 =	vor.u32 s19, v0;
	s2 =	simm.s32 $0x0;
	s15 =	sand.u32 $0x1, s5;
	s9 =	sadd.s32 $0x3000, s23  }
0x11: {  	v17 =	vor.u32 s20, v0;
	v18 =	vor.u32 s21, v0;
	v19 =	vor.u32 s22, v0;
	s10 =	sadd.s32 $0x3600, s23;
	s18 =	sshll.u32 s0, $0x9;
	s21 =	simm.s32 $0x780  }
0x12: {  	v20 =	vor.u32 s6, v0;
	vm1 =	vmor vm1, vm2;
	vm2 =	vcmask $0x3F38;
	s22 =	simm.s32 $0x900;
	s0 =	simm.s32 $0x0;
	[smem:$0x7FF] =	sst s2  }
0x13: {  	s5 =	smul.u32 $0x1400, s15;
	v26 =	vcombine.low v21, v26;
	v21 =	vimm.s32 $0x76543210;
	s24 =	ssub.s32 $0x2, s15;
	v23 =	vcombine.low v23, v22;
	s17 =	sshll.u32 s15, $0x4  }
0x14: {  	v24 =	vcombine.low v25, v24;
	v22 =	vimm.s32 $0xFEDCBA98;
	s15 =	sshll.u32 s15, $0x6;
	vm1 =	vmor vm1, vm2;
	_ =	strace $0x80000047;
	s26 =	sshrl.u32 s24, $0x1  }
0x15: {  	vm2 =	vcmask $0x1310;
	v25 =	vimm.f32 $-1.000000000e+00;
	v21 =	vunpack.c.l.s4.s8 v21;
	s13 =	sadd.s32 s13, s17;
	s14 =	sadd.s32 s14, s15;
	s3 =	sadd.s32 s3, s5  }
0x16: {  	v22 =	vunpack.c.l.s4.s8 v22;
	vm2 =	vmor vm3, vm2;
	vm3 =	vcmask $0x2320;
	s11 =	sshrl.u32 s5, $0x3;
	s16 =	ssub.s32 s24, s26;
	s24 =	simm.s32 $0x3100  }
0x17: {  	vm2 =	vmor vm2, vm3;
	vm3 =	vcmask $0x3330;
	s26 =	simm.s32 $0x4500;
	v23 =	vand.u32 $0xF, v23;
	s25 =	sshrl.u32 s3, $0x3;
	s12 =	sadd.s32 s11, s23  }
0x18: {  	v24 =	vand.u32 $0xF, v24;
	s15 =	smax.u32 s16, $0x1;
	s16 =	simm.s32 $0x1;
	vm2 =	vmor vm2, vm3;
	vm3 =	vcmask $0x700;
	s8 =	sadd.s32 s25, s23  }
0x19: {  	v22 =	vunpack.c.0.s8.s32 v22;
	s4 =	sadd.s32 s9, s25;
	s5 =	sadd.s32 s10, s25;
	s9 =	sadd.s32 s9, s11;
	v25 =	vsel vm3, $0x0, v25;
	vm3 =	vcmask $0x1710  }
0x1a: {  	v21 =	vunpack.c.0.s8.s32 v21;
	s10 =	sadd.s32 s10, s11;
	s11 =	sadd.s32 $0x3C00, s12;
	s12 =	sadd.s32 $0x4200, s12;
	v25 =	vsel vm3, $0x0, v25;
	vm3 =	vcmask $0x2720  }
0x1b: {  	s23 =	simm.s32 $0x1D00;
	s25 =	sshrl.u32 s18, $0x2;
	s3 =	sadd.s32 $0x2A00, s8;
	v22 =	vand.u32 $0xF, v22;
	v25 =	vsel vm3, $0x0, v25;
	vm3 =	vcmask $0x3730  }
0x1c: {  	s6 =	sadd.s32 $0x4800, s8;
	s7 =	sadd.s32 $0x4E00, s8;
	s8 =	sadd.s32 $0x5400, s8;
	v21 =	vcombine.low v22, v21;
	v22 =	vand.u32 $0xF, v26;
	v25 =	vsel vm3, $0x0, v25  }
.LBB2_1:
0x1d: {  	[tilespmem:s2], [sflag:$0x1] =	stream.linear.gather [hbm4b:s3+s2], $0x140, $0x38;
	[tilespmem:$0x6500] =	vst v63  }
0x1e: {  	_ =	swait.ge [sflag:s16], $0x140  }
0x1f: {  	[sflag:s16] =	ssyncset.done $0x0  }
0x20: {  	s17 =	simm.s32 $0x180;
	[sflag:s16] =	ssyncadd.s32 $0xFFFFFEC0  }
0x21: {  	[tilespmem:s17], [sflag:$0x1] =	stream.linear.gather [hbm4b:s4+s2], $0x140, $0x38;
	[tilespmem:$0x6500] =	vst v63  }
0x22: {  	_ =	swait.ge [sflag:s16], $0x140  }
0x23: {  	[sflag:s16] =	ssyncset.done $0x0  }
0x24: {  	s18 =	simm.s32 $0x300;
	[sflag:s16] =	ssyncadd.s32 $0xFFFFFEC0  }
0x25: {  	[tilespmem:s18], [sflag:$0x1] =	stream.linear.gather [hbm4b:s5+s2], $0x140, $0x38;
	[tilespmem:$0x6500] =	vst v63  }
0x26: {  	_ =	swait.ge [sflag:s16], $0x140  }
0x27: {  	[sflag:s16] =	ssyncset.done $0x0  }
0x28: {  	s19 =	simm.s32 $0x480;
	[sflag:s16] =	ssyncadd.s32 $0xFFFFFEC0  }
0x29: {  	[tilespmem:s19], [sflag:$0x1] =	stream.linear.gather [hbm4b:s6+s2], $0x140, $0x38;
	[tilespmem:$0x6500] =	vst v63  }
0x2a: {  	_ =	swait.ge [sflag:s16], $0x140  }
0x2b: {  	[sflag:s16] =	ssyncset.done $0x0  }
0x2c: {  	s20 =	simm.s32 $0x600;
	[sflag:s16] =	ssyncadd.s32 $0xFFFFFEC0  }
0x2d: {  	[tilespmem:s20], [sflag:$0x1] =	stream.linear.gather [hbm4b:s7+s2], $0x140, $0x38;
	[tilespmem:$0x6500] =	vst v63  }
0x2e: {  	_ =	swait.ge [sflag:s16], $0x140  }
0x2f: {  	[sflag:s16] =	ssyncset.done $0x0  }
0x30: {  	[sflag:s16] =	ssyncadd.s32 $0xFFFFFEC0  }
0x31: {  	[tilespmem:s21], [sflag:$0x1] =	stream.linear.gather [hbm4b:s8+s2], $0x140, $0x38;
	[tilespmem:$0x6500] =	vst v63  }
0x32: {  	_ =	swait.ge [sflag:s16], $0x140  }
0x33: {  	[sflag:s16] =	ssyncset.done $0x0  }
0x34: {  	[sflag:s16] =	ssyncadd.s32 $0xFFFFFEC0  }
0x35: {  	[tilespmem:s22], [sflag:$0x1] =	stream.linear.gather [hbm4b:s9+s2], $0x1400, $0x38;
	[tilespmem:$0x6500] =	vst v63  }
0x36: {  	_ =	swait.ge [sflag:s16], $0x1400  }
0x37: {  	[sflag:s16] =	ssyncset.done $0x0  }
0x38: {  	[sflag:s16] =	ssyncadd.s32 $0xFFFFEC00  }
0x39: {  	[tilespmem:s23], [sflag:$0x1] =	stream.linear.gather [hbm4b:s10+s2], $0x1400, $0x38;
	[tilespmem:$0x6500] =	vst v63  }
0x3a: {  	_ =	swait.ge [sflag:s16], $0x1400  }
0x3b: {  	[sflag:s16] =	ssyncset.done $0x0  }
0x3c: {  	[sflag:s16] =	ssyncadd.s32 $0xFFFFEC00  }
0x3d: {  	[tilespmem:s24], [sflag:$0x1] =	stream.linear.gather [hbm4b:s11+s2], $0x1400, $0x38;
	[tilespmem:$0x6500] =	vst v63  }
0x3e: {  	_ =	swait.ge [sflag:s16], $0x1400  }
0x3f: {  	[sflag:s16] =	ssyncset.done $0x0  }
0x40: {  	[sflag:s16] =	ssyncadd.s32 $0xFFFFEC00  }
0x41: {  	[tilespmem:s26], [sflag:$0x1] =	stream.linear.gather [hbm4b:s12+s2], $0x1400, $0x38;
	[tilespmem:$0x6500] =	vst v63  }
0x42: {  	_ =	swait.ge [sflag:s16], $0x1400  }
0x43: {  	[sflag:s16] =	ssyncset.done $0x0  }
0x44: {  	[sflag:s16] =	ssyncadd.s32 $0xFFFFEC00  }
0x45: {  	v26 =	vld [tilespmem:$0x0]  }
0x46: {  	v27 =	vld [tilespmem:$0x10];
	_ =	sdelay $0x1  }
0x47: {  	v28 =	vld [tilespmem:$0x20];
	_ =	sdelay $0x1  }
0x48: {  	v29 =	vld [tilespmem:$0x30]  }
0x49: {  	vm3 =	vgt.f32 v27, v26  }
0x4a: {  	v26 =	vsel vm3, v27, v26;
	v27 =	vld [tilespmem:$0x40]  }
0x4b: {  	vm4 =	vgt.f32 v28, v26  }
0x4c: {  	v26 =	vsel vm4, v28, v26;
	v28 =	vld [tilespmem:$0x50]  }
0x4d: {  	vm5 =	vgt.f32 v29, v26  }
0x4e: {  	v26 =	vsel vm5, v29, v26;
	v29 =	vld [tilespmem:$0x60]  }
0x4f: {  	vm6 =	vgt.f32 v27, v26  }
0x50: {  	v26 =	vsel vm6, v27, v26;
	v27 =	vld [tilespmem:$0x70]  }
0x51: {  	vm7 =	vgt.f32 v28, v26  }
0x52: {  	v26 =	vsel vm7, v28, v26;
	v28 =	vld [tilespmem:$0x80]  }
0x53: {  	vm8 =	vgt.f32 v29, v26  }
0x54: {  	v26 =	vsel vm8, v29, v26;
	v29 =	vld [tilespmem:$0x90]  }
0x55: {  	vm9 =	vgt.f32 v27, v26  }
0x56: {  	v26 =	vsel vm9, v27, v26;
	v27 =	vld [tilespmem:$0xA0]  }
0x57: {  	vm10 =	vgt.f32 v28, v26  }
0x58: {  	v26 =	vsel vm10, v28, v26;
	v28 =	vld [tilespmem:$0xB0]  }
0x59: {  	vm11 =	vgt.f32 v29, v26  }
0x5a: {  	v26 =	vsel vm11, v29, v26;
	v29 =	vld [tilespmem:$0xC0]  }
0x5b: {  	vm12 =	vgt.f32 v27, v26  }
0x5c: {  	v30 =	vsel vm3, v2, v1;
	v26 =	vsel vm12, v27, v26;
	v27 =	vld [tilespmem:$0xD0]  }
0x5d: {  	v30 =	vsel vm4, v3, v30;
	vm3 =	vgt.f32 v28, v26  }
0x5e: {  	v30 =	vsel vm5, v4, v30;
	v26 =	vsel vm3, v28, v26;
	v28 =	vld [tilespmem:$0xE0]  }
0x5f: {  	v30 =	vsel vm6, v5, v30;
	vm4 =	vgt.f32 v29, v26  }
0x60: {  	v30 =	vsel vm7, v6, v30;
	v26 =	vsel vm4, v29, v26;
	v29 =	vld [tilespmem:$0xF0]  }
0x61: {  	v30 =	vsel vm8, v7, v30;
	vm15 =	vgt.f32 v27, v26  }
0x62: {  	v30 =	vsel vm9, v8, v30;
	v26 =	vsel vm15, v27, v26;
	v27 =	vld [tilespmem:$0x100]  }
0x63: {  	v30 =	vsel vm10, v9, v30;
	vm13 =	vgt.f32 v28, v26  }
0x64: {  	v30 =	vsel vm11, v10, v30;
	v26 =	vsel vm13, v28, v26;
	v28 =	vld [tilespmem:$0x110]  }
0x65: {  	v30 =	vsel vm12, v11, v30;
	vm14 =	vgt.f32 v29, v26  }
0x66: {  	v30 =	vsel vm3, v12, v30;
	v26 =	vsel vm14, v29, v26;
	v29 =	vld [tilespmem:$0x120]  }
0x67: {  	v30 =	vsel vm4, v13, v30;
	vm3 =	vgt.f32 v27, v26  }
0x68: {  	v30 =	vsel vm15, v14, v30;
	v26 =	vsel vm3, v27, v26;
	v27 =	vld [tilespmem:$0x130]  }
0x69: {  	v30 =	vsel vm13, v15, v30;
	vm15 =	vgt.f32 v28, v26  }
0x6a: {  	v26 =	vsel vm15, v28, v26;
	v28 =	vsel vm14, v16, v30  }
0x6b: {  	v28 =	vsel vm3, v17, v28;
	vm3 =	vgt.f32 v29, v26  }
0x6c: {  	v28 =	vsel vm15, v18, v28;
	v26 =	vsel vm3, v29, v26  }
0x6d: {  	v28 =	vsel vm3, v19, v28;
	vm3 =	vgt.f32 v27, v26  }
0x6e: {  	v26 =	vsel vm3, v27, v26;
	v27 =	vsel vm3, v20, v28  }
0x6f: {  	v28 =	vperm.xlane v26, v22;
	v29 =	vperm.xlane v27, v22;
	_ =	sdelay $0x1  }
0x70: {  	vm3 =	veq.f32 v28, v26;
	vm8 =	vlt.s32 v29, v27  }
0x71: {  	vm9 =	vgt.f32 v28, v26;
	vm3 =	vmand vm3, vm8  }
0x72: {  	vm3 =	vmor vm9, vm3  }
0x73: {  	v26 =	vsel vm3, v28, v26;
	v27 =	vsel vm3, v29, v27  }
0x74: {  	v28 =	vperm.xlane v26, v23;
	v29 =	vperm.xlane v27, v23;
	_ =	sdelay $0x1  }
0x75: {  	vm3 =	veq.f32 v28, v26;
	vm10 =	vlt.s32 v29, v27  }
0x76: {  	vm11 =	vgt.f32 v28, v26;
	vm3 =	vmand vm3, vm10  }
0x77: {  	vm3 =	vmor vm11, vm3  }
0x78: {  	v26 =	vsel vm3, v28, v26;
	v27 =	vsel vm3, v29, v27  }
0x79: {  	v28 =	vperm.xlane v26, v24;
	v29 =	vperm.xlane v27, v24;
	_ =	sdelay $0x1  }
0x7a: {  	vm3 =	veq.f32 v28, v26;
	vm12 =	vlt.s32 v29, v27  }
0x7b: {  	vm13 =	vgt.f32 v28, v26;
	vm3 =	vmand vm3, vm12  }
0x7c: {  	vm3 =	vmor vm13, vm3  }
0x7d: {  	v26 =	vsel vm3, v28, v26;
	v28 =	vsel vm3, v29, v27  }
0x7e: {  	v27 =	vperm.xlane v26, v21;
	v29 =	vperm.xlane v28, v21;
	_ =	sdelay $0x1  }
0x7f: {  	vm3 =	veq.f32 v27, v26;
	vm14 =	vlt.s32 v29, v28  }
0x80: {  	vm15 =	vgt.f32 v27, v26;
	vm3 =	vmand vm3, vm14  }
0x81: {  	vm3 =	vmor vm15, vm3  }
0x82: {  	s17 =	simm.s32 $0x0;
	s18 =	simm.s32 $0x0;
	v27 =	vsel vm3, v27, v26;
	v26 =	vsel vm3, v29, v28  }
.LBB2_2:
0x83: {  	s19 =	sand.u32 $0x800, s17  }
0x84: {  	[tilespmem:$0x5B80] =	vst v27;
	s19 =	sadd.s32 s19, s1  }
0x85: {  	[tilespmem:$0x5B90] =	vst v26;
	s20 =	sadd.s32 s25, s19  }
0x86: {  	[spmem:s20] =	stream.linear.scatter [tilespmem:s28], [sflag:$0x1], $0x20, $0x38;
	[tilespmem:$0x6500] =	vst v63  }
0x87: {  	_ =	swait.ge [sflag:s16], $0x20  }
0x88: {  	[sflag:s16] =	ssyncset.done $0x0  }
0x89: {  	[sflag:s16] =	ssyncadd.s32 $0xFFFFFFE0  }
0x8a: {  	[bflag:$0x0] =	sbarrier.arrive $0xFFFF  }
0x8b: {  	[tilespmem:s29], [sflag:$0x1] =	stream.linear.gather [spmem:s19], $0x800, $0x38;
	[tilespmem:$0x6500] =	vst v63  }
0x8c: {  	_ =	swait.ge [sflag:s16], $0x800  }
0x8d: {  	[sflag:s16] =	ssyncset.done $0x0  }
0x8e: {  	[sflag:s16] =	ssyncadd.s32 $0xFFFFF800  }
0x8f: {  	v26 =	vld [tilespmem:$0x5C00]  }
0x90: {  	v27 =	vld [tilespmem:$0x5C10]  }
0x91: {  	v28 =	vld [tilespmem:$0x5C80]  }
0x92: {  	v29 =	vld [tilespmem:$0x5C90];
	_ =	sdelay $0x2  }
0x93: {  	v30 =	vld [tilespmem:$0x5D00]  }
0x94: {  	v31 =	vld [tilespmem:$0x5D10]  }
0x95: {  	vm3 =	veq.f32 v28, v26;
	vm4 =	vlt.s32 v29, v27  }
0x96: {  	vm5 =	vgt.f32 v28, v26;
	vm3 =	vmand vm3, vm4  }
0x97: {  	v32 =	vld [tilespmem:$0x5D80];
	vm3 =	vmor vm5, vm3  }
0x98: {  	v26 =	vsel vm3, v28, v26;
	v27 =	vsel vm3, v29, v27;
	v28 =	vld [tilespmem:$0x5D90]  }
0x99: {  	vm3 =	veq.f32 v30, v26;
	vm15 =	vlt.s32 v31, v27  }
0x9a: {  	vm8 =	vgt.f32 v30, v26;
	vm3 =	vmand vm3, vm15  }
0x9b: {  	v61 =	vld [tilespmem:$0x5E10];
	vm3 =	vmor vm8, vm3  }
0x9c: {  	v29 =	vld [tilespmem:$0x5E00];
	v26 =	vsel vm3, v30, v26;
	v27 =	vsel vm3, v31, v27  }
0x9d: {  	vm3 =	veq.f32 v32, v26;
	vm9 =	vlt.s32 v28, v27  }
0x9e: {  	vm10 =	vgt.f32 v32, v26;
	vm3 =	vmand vm3, vm9  }
0x9f: {  	v62 =	vld [tilespmem:$0x5E80];
	vm3 =	vmor vm10, vm3  }
0xa0: {  	v26 =	vsel vm3, v32, v26;
	v27 =	vsel vm3, v28, v27;
	v28 =	vld [tilespmem:$0x5E90]  }
0xa1: {  	vm3 =	veq.f32 v29, v26;
	vm11 =	vlt.s32 v61, v27  }
0xa2: {  	vm12 =	vgt.f32 v29, v26;
	vm3 =	vmand vm3, vm11  }
0xa3: {  	v63 =	vld [tilespmem:$0x5F00];
	vm3 =	vmor vm12, vm3  }
0xa4: {  	v26 =	vsel vm3, v29, v26;
	v27 =	vsel vm3, v61, v27;
	v29 =	vld [tilespmem:$0x5F10]  }
0xa5: {  	vm3 =	veq.f32 v62, v26;
	vm13 =	vlt.s32 v28, v27  }
0xa6: {  	vm14 =	vgt.f32 v62, v26;
	vm3 =	vmand vm3, vm13  }
0xa7: {  	v36 =	vld [tilespmem:$0x5F80];
	vm3 =	vmor vm14, vm3  }
0xa8: {  	v26 =	vsel vm3, v62, v26;
	v27 =	vsel vm3, v28, v27;
	v28 =	vld [tilespmem:$0x5F90]  }
0xa9: {  	vm3 =	veq.f32 v63, v26;
	vm15 =	vlt.s32 v29, v27  }
0xaa: {  	vm8 =	vgt.f32 v63, v26;
	vm3 =	vmand vm3, vm15  }
0xab: {  	v37 =	vld [tilespmem:$0x6000];
	vm3 =	vmor vm8, vm3  }
0xac: {  	v26 =	vsel vm3, v63, v26;
	v27 =	vsel vm3, v29, v27;
	v29 =	vld [tilespmem:$0x6010]  }
0xad: {  	vm3 =	veq.f32 v36, v26;
	vm9 =	vlt.s32 v28, v27  }
0xae: {  	vm10 =	vgt.f32 v36, v26;
	vm3 =	vmand vm3, vm9  }
0xaf: {  	v38 =	vld [tilespmem:$0x6080];
	vm3 =	vmor vm10, vm3  }
0xb0: {  	v26 =	vsel vm3, v36, v26;
	v27 =	vsel vm3, v28, v27;
	v28 =	vld [tilespmem:$0x6090]  }
0xb1: {  	vm3 =	veq.f32 v37, v26;
	vm11 =	vlt.s32 v29, v27  }
0xb2: {  	vm12 =	vgt.f32 v37, v26;
	vm3 =	vmand vm3, vm11  }
0xb3: {  	v39 =	vld [tilespmem:$0x6100];
	vm3 =	vmor vm12, vm3  }
0xb4: {  	v26 =	vsel vm3, v37, v26;
	v27 =	vsel vm3, v29, v27;
	v29 =	vld [tilespmem:$0x6110]  }
0xb5: {  	vm3 =	veq.f32 v38, v26;
	vm13 =	vlt.s32 v28, v27  }
0xb6: {  	vm14 =	vgt.f32 v38, v26;
	vm3 =	vmand vm3, vm13  }
0xb7: {  	v40 =	vld [tilespmem:$0x6180];
	vm3 =	vmor vm14, vm3  }
0xb8: {  	v26 =	vsel vm3, v38, v26;
	v27 =	vsel vm3, v28, v27;
	v28 =	vld [tilespmem:$0x6190]  }
0xb9: {  	vm3 =	veq.f32 v39, v26;
	vm15 =	vlt.s32 v29, v27  }
0xba: {  	vm8 =	vgt.f32 v39, v26;
	vm3 =	vmand vm3, vm15  }
0xbb: {  	v41 =	vld [tilespmem:$0x6200];
	vm3 =	vmor vm8, vm3  }
0xbc: {  	v26 =	vsel vm3, v39, v26;
	v27 =	vsel vm3, v29, v27;
	v29 =	vld [tilespmem:$0x6210]  }
0xbd: {  	vm3 =	veq.f32 v40, v26;
	vm9 =	vlt.s32 v28, v27  }
0xbe: {  	vm10 =	vgt.f32 v40, v26;
	vm3 =	vmand vm3, vm9  }
0xbf: {  	v42 =	vld [tilespmem:$0x6280];
	vm3 =	vmor vm10, vm3  }
0xc0: {  	v26 =	vsel vm3, v40, v26;
	v27 =	vsel vm3, v28, v27;
	v28 =	vld [tilespmem:$0x6290]  }
0xc1: {  	vm3 =	veq.f32 v41, v26;
	vm11 =	vlt.s32 v29, v27  }
0xc2: {  	vm12 =	vgt.f32 v41, v26;
	vm3 =	vmand vm3, vm11  }
0xc3: {  	v43 =	vld [tilespmem:$0x6300];
	vm3 =	vmor vm12, vm3  }
0xc4: {  	v26 =	vsel vm3, v41, v26;
	v27 =	vsel vm3, v29, v27;
	v29 =	vld [tilespmem:$0x6310]  }
0xc5: {  	vm3 =	veq.f32 v42, v26;
	vm13 =	vlt.s32 v28, v27  }
0xc6: {  	vm14 =	vgt.f32 v42, v26;
	vm3 =	vmand vm3, vm13  }
0xc7: {  	v44 =	vld [tilespmem:$0x6380];
	vm3 =	vmor vm14, vm3  }
0xc8: {  	v26 =	vsel vm3, v42, v26;
	v27 =	vsel vm3, v28, v27;
	v28 =	vld [tilespmem:$0x6390]  }
0xc9: {  	vm3 =	veq.f32 v43, v26;
	vm15 =	vlt.s32 v29, v27  }
0xca: {  	vm8 =	vgt.f32 v43, v26;
	vm3 =	vmand vm3, vm15  }
0xcb: {  	vm3 =	vmor vm8, vm3  }
0xcc: {  	v30 =	vsel vm3, v43, v26;
	v26 =	vsel vm3, v29, v27  }
0xcd: {  	vm3 =	veq.f32 v44, v30;
	vm9 =	vlt.s32 v28, v26  }
0xce: {  	vm10 =	vgt.f32 v44, v30;
	vm3 =	vmand vm3, vm9  }
0xcf: {  	vm3 =	vmor vm10, vm3  }
0xd0: {  	v28 =	vsel vm3, v28, v26;
	_ =	sdelay $0x4  }
0xd1: {  	v27 =	vld.idx.msk [tilespmem:v28+s22+$0x0], $0xffff  }
0xd2: {  	v26 =	vld.idx.msk [tilespmem:v28+s23+$0x0], $0xffff  }
0xd3: {  	v29 =	vld.idx.msk [tilespmem:v28+s24+$0x0], $0xffff  }
0xd4: {  	v28 =	vld.idx.msk [tilespmem:v28+s26+$0x0], $0xffff;
	_ =	sdelay $0x4  }
0xd5: {  	v29 =	vadd.f32 v29, v27;
	v28 =	vadd.f32 v28, v26  }
0xd6: {  	v45 =	vmov s18  }
0xd7: {  	v33 =	vshll.u32 v45, $0x2;
	v29 =	vadd.f32 $-1.000000000e+00, v29;
	v28 =	vadd.f32 $-1.000000000e+00, v28  }
0xd8: {  	v33 =	vadd.s32 v0, v33  }
0xd9: {  	v30 =	vsel vm3, v44, v30;
	v46 =	vsel vm0, v28, v29  }
0xda: {  	vm3 =	vgt.f32 v30, $0.0e+00;
	v32 =	vsel vm1, v46, v26  }
0xdb: {  	v30 =	vnsel vm3, $0x0, v30;
	v32 =	vsel vm2, v27, v32  }
0xdc: {  	[tilespmem:v45+s30+$0x0] =	vst.idx.msk $0x1, v30;
	v47 =	vsel vm3, v32, v25  }
0xdd: {  	[tilespmem:v33+s31+$0x0] =	vst.idx.msk $0xf, v47  }
0xde: {  	v30 =	vld [tilespmem:$0x180]  }
0xdf: {  	v31 =	vld [tilespmem:$0x300]  }
0xe0: {  	v48 =	vld [tilespmem:$0x480]  }
0xe1: {  	v33 =	vld [tilespmem:$0x600]  }
0xe2: {  	v37 =	vld [tilespmem:$0x190]  }
0xe3: {  	v49 =	vld [tilespmem:$0x310]  }
0xe4: {  	v52 =	vld [tilespmem:$0x490]  }
0xe5: {  	v39 =	vld [tilespmem:$0x610]  }
0xe6: {  	v54 =	vld [tilespmem:$0x1A0]  }
0xe7: {  	v41 =	vld [tilespmem:$0x1B0]  }
0xe8: {  	v34 =	vsub.f32 v29, v27;
	v35 =	vsub.f32 v28, v26;
	v42 =	vld [tilespmem:$0x4B0]  }
0xe9: {  	v43 =	vld [tilespmem:$0x630]  }
0xea: {  	v50 =	vadd.f32 $1.000000000e+00, v34;
	v51 =	vadd.f32 $1.000000000e+00, v35;
	v55 =	vld [tilespmem:$0x320]  }
0xeb: {  	v57 =	vld [tilespmem:$0x620];
	v32 =	vmin.f32 v29, v48;
	v30 =	vmax.f32 v27, v30;
	v33 =	vmin.f32 v28, v33  }
0xec: {  	v45 =	vld [tilespmem:$0x350];
	v31 =	vmax.f32 v26, v31;
	v35 =	vmin.f32 v29, v52;
	v37 =	vmax.f32 v27, v37  }
0xed: {  	v58 =	vld [tilespmem:$0x330];
	v39 =	vmin.f32 v28, v39;
	v34 =	vmax.f32 v27, v54;
	v62 =	vmin.f32 v29, v42  }
0xee: {  	v36 =	vld [tilespmem:$0x780];
	v41 =	vmax.f32 v27, v41;
	v48 =	vmin.f32 v28, v43;
	v30 =	vsub.f32 v32, v30  }
0xef: {  	v40 =	vld [tilespmem:$0x790];
	v31 =	vsub.f32 v33, v31;
	v35 =	vsub.f32 v35, v37;
	v32 =	vmax.f32 v26, v49  }
0xf0: {  	v56 =	vld [tilespmem:$0x4A0];
	v37 =	vmin.f32 v28, v57;
	v33 =	vmax.f32 v26, v55;
	v32 =	vsub.f32 v39, v32  }
0xf1: {  	v59 =	vld [tilespmem:$0x7A0];
	v45 =	vmax.f32 v26, v45;
	v33 =	vsub.f32 v37, v33;
	v30 =	vadd.f32 $1.000000000e+00, v30  }
0xf2: {  	v63 =	vld [tilespmem:$0x1C0];
	v39 =	vmax.f32 v26, v58;
	v38 =	vadd.f32 $1.000000000e+00, v31;
	v35 =	vadd.f32 $1.000000000e+00, v35  }
0xf3: {  	v49 =	vld [tilespmem:$0x340];
	v31 =	vmul.f32 v51, v50;
	v39 =	vsub.f32 v48, v39;
	v32 =	vadd.f32 $1.000000000e+00, v32  }
0xf4: {  	v57 =	vld [tilespmem:$0x1D0];
	v33 =	vadd.f32 $1.000000000e+00, v33;
	v30 =	vmax.f32 v30, $0.0e+00;
	v53 =	vmax.f32 v38, $0.0e+00  }
0xf5: {  	v55 =	vld [tilespmem:$0x7C0];
	v36 =	vadd.f32 v36, v31;
	v35 =	vmax.f32 v35, $0.0e+00;
	v60 =	vadd.f32 v40, v31  }
0xf6: {  	v51 =	vld [tilespmem:$0x640];
	v38 =	vmin.f32 v29, v56;
	v39 =	vadd.f32 $1.000000000e+00, v39;
	v52 =	vadd.f32 v59, v31  }
0xf7: {  	v50 =	vld [tilespmem:$0x4C0];
	v40 =	vmax.f32 v27, v63;
	v30 =	vmul.f32 v53, v30;
	v32 =	vmax.f32 v32, $0.0e+00  }
0xf8: {  	v34 =	vsub.f32 v38, v34;
	v38 =	vsub.f32 v62, v41;
	v33 =	vmax.f32 v33, $0.0e+00  }
0xf9: {  	v63 =	vld [tilespmem:$0x1E0];
	v43 =	vmax.f32 v26, v49;
	v41 =	vmax.f32 v27, v57;
	v32 =	vmul.f32 v32, v35  }
0xfa: {  	v54 =	vmax.f32 v39, $0.0e+00;
	v36 =	vsub.f32 v36, v30;
	v34 =	vadd.f32 $1.000000000e+00, v34  }
0xfb: {  	v61 =	vld [tilespmem:$0x7B0];
	v38 =	vadd.f32 $1.000000000e+00, v38;
	v42 =	vmin.f32 v28, v51;
	v51 =	vadd.f32 v55, v31  }
0xfc: {  	v59 =	vld [tilespmem:$0x4D0];
	v56 =	vmin.f32 v29, v50;
	v35 =	vsub.f32 v60, v32;
	v58 =	vsub.f32 v42, v43  }
0xfd: {  	v50 =	vld [tilespmem:$0x4E0];
	v36 =	vadd.f32 $9.999999710e-10, v36;
	v34 =	vmax.f32 v34, $0.0e+00;
	v53 =	vmax.f32 v38, $0.0e+00  }
0xfe: {  	v60 =	vld [tilespmem:$0x650];
	v38 =	vsub.f32 v56, v40;
	v40 =	vmax.f32 v27, v63;
	v35 =	vadd.f32 $9.999999710e-10, v35  }
0xff: {  	v33 =	vmul.f32 v33, v34;
	v37 =	vmul.f32 v54, v53;
	v62 =	vadd.f32 $1.000000000e+00, v58  }
0x100: {  	v49 =	vld [tilespmem:$0x360];
	(erf) = vrcp.f32 v36;
	v36 =	vadd.f32 v61, v31;
	v61 =	vadd.f32 $1.000000000e+00, v38  }
0x101: {  	v53 =	vld [tilespmem:$0x660];
	v34 =	vsub.f32 v52, v33;
	(erf) = vrcp.f32 v35;
	v38 =	vmax.f32 v62, $0.0e+00  }
0x102: {  	v52 =	vmin.f32 v29, v59;
	v59 =	vmin.f32 v29, v50;
	v36 =	vsub.f32 v36, v37  }
0x103: {  	v58 =	vld [tilespmem:$0x7D0];
	v35 =	vmax.f32 v61, $0.0e+00;
	v43 =	vmin.f32 v28, v60;
	v39 =	vsub.f32 v52, v41  }
0x104: {  	v40 =	vsub.f32 v59, v40;
	v48 =	vadd.f32 $9.999999710e-10, v34;
	v35 =	vmul.f32 v38, v35  }
0x105: {  	v61 =	vld [tilespmem:$0x7E0];
	v54 =	vsub.f32 v43, v45;
	v34 =	vmax.f32 v26, v49;
	v36 =	vadd.f32 $9.999999710e-10, v36  }
0x106: {  	v49 =	vld [tilespmem:$0x370];
	v56 =	vadd.f32 $1.000000000e+00, v39;
	v42 =	vmin.f32 v28, v53;
	v40 =	vadd.f32 $1.000000000e+00, v40  }
0x107: {  	v44 =	vld [tilespmem:$0x0];
	(erf) = vrcp.f32 v48;
	v57 =	vadd.f32 $1.000000000e+00, v54;
	v34 =	vsub.f32 v42, v34  }
0x108: {  	v55 =	vsub.f32 v51, v35;
	v48 =	vadd.f32 v58, v31;
	v51 =	vld [tilespmem:$0x4F0];
	(erf) = vrcp.f32 v36  }
0x109: {  	v63 =	vld [tilespmem:$0x1F0];
	v38 =	vmax.f32 v56, $0.0e+00;
	v39 =	vmax.f32 v57, $0.0e+00;
	v34 =	vadd.f32 $1.000000000e+00, v34  }
0x10a: {  	v50 =	vmax.f32 v40, $0.0e+00;
	v36 =	vadd.f32 $9.999999710e-10, v55;
	v55 =	vld [tilespmem:$0x670];
	v38 =	vmul.f32 v39, v38  }
0x10b: {  	v54 =	vadd.f32 v61, v31;
	v61 =	vld [tilespmem:$0x200];
	v39 =	vmax.f32 v26, v49;
	v46 =	vpop (erf);
	v34 =	vmax.f32 v34, $0.0e+00  }
0x10c: {  	v62 =	vld [tilespmem:$0x10];
	v30 =	vmul.f32 v46, v30;
	v60 =	vpop (erf);
	v53 =	vsub.f32 v48, v38;
	v46 =	vmul.f32 v34, v50  }
0x10d: {  	v59 =	vld [tilespmem:$0x30];
	(erf) = vrcp.f32 v36;
	v40 =	vmin.f32 v29, v51;
	v32 =	vmul.f32 v60, v32  }
0x10e: {  	v50 =	vld [tilespmem:$0x390];
	vm3 =	vge.f32 v30, $5.000000000e-01;
	v45 =	vadd.f32 $9.999999710e-10, v53;
	v34 =	vsub.f32 v54, v46  }
0x10f: {  	v51 =	vld [tilespmem:$0x220];
	v36 =	vmin.f32 v28, v55;
	v30 =	vsel vm3, $0xBF800000, v44;
	vm11 =	vge.f32 v32, $5.000000000e-01  }
0x110: {  	v60 =	vld [tilespmem:$0x7F0];
	v44 =	vmax.f32 v27, v63;
	v36 =	vsub.f32 v36, v39;
	v39 =	vmax.f32 v27, v61  }
0x111: {  	v57 =	vld [tilespmem:$0x20];
	vm3 =	vgt.f32 v30, $-1.000000000e+00;
	v32 =	vsel vm11, $0xBF800000, v62;
	(erf) = vrcp.f32 v45  }
0x112: {  	v53 =	vld [tilespmem:$0x680];
	v52 =	vpop (erf);
	v34 =	vadd.f32 $9.999999710e-10, v34;
	v40 =	vsub.f32 v40, v44;
	v56 =	vnsel vm3, $0xBF800000, v30  }
0x113: {  	v48 =	vld [tilespmem:$0x500];
	v33 =	vmul.f32 v52, v33;
	v58 =	vpop (erf);
	v36 =	vadd.f32 $1.000000000e+00, v36;
	v50 =	vmax.f32 v26, v50  }
0x114: {  	v63 =	vld [tilespmem:$0x380];
	v51 =	vmax.f32 v27, v51;
	vm3 =	vgt.f32 v32, v56;
	v37 =	vmul.f32 v58, v37  }
0x115: {  	(erf) = vrcp.f32 v34;
	v40 =	vadd.f32 $1.000000000e+00, v40;
	v55 =	vadd.f32 v60, v31  }
0x116: {  	v42 =	vsel vm3, v32, v56;
	vm12 =	vge.f32 v33, $5.000000000e-01;
	v62 =	vsel vm3, v2, v1  }
0x117: {  	v36 =	vmax.f32 v36, $0.0e+00;
	v43 =	vmin.f32 v28, v53;
	v33 =	vsel vm12, $0xBF800000, v57  }
0x118: {  	v58 =	vld [tilespmem:$0x210];
	vm13 =	vge.f32 v37, $5.000000000e-01;
	v40 =	vmax.f32 v40, $0.0e+00;
	v57 =	vmin.f32 v29, v48  }
0x119: {  	v47 =	vld [tilespmem:$0x40];
	v52 =	vpop (erf);
	v37 =	vmax.f32 v26, v63;
	vm3 =	vgt.f32 v33, v42;
	v34 =	vsel vm13, $0xBF800000, v59  }
0x11a: {  	v56 =	vld [tilespmem:$0x800];
	v35 =	vmul.f32 v52, v35;
	v40 =	vmul.f32 v36, v40;
	v39 =	vsub.f32 v57, v39  }
0x11b: {  	v63 =	vld [tilespmem:$0x3A0];
	v37 =	vsub.f32 v43, v37;
	v42 =	vsel vm3, v33, v42;
	v41 =	vsel vm3, v3, v62  }
0x11c: {  	v61 =	vld [tilespmem:$0x690];
	vm4 =	vgt.f32 v34, v42;
	vm14 =	vge.f32 v35, $5.000000000e-01;
	v36 =	vsub.f32 v55, v40  }
0x11d: {  	v59 =	vld [tilespmem:$0x510];
	v39 =	vadd.f32 $1.000000000e+00, v39;
	v37 =	vadd.f32 $1.000000000e+00, v37;
	v48 =	vmax.f32 v27, v58  }
0x11e: {  	v42 =	vsel vm4, v34, v42;
	v35 =	vsel vm14, $0xBF800000, v47;
	v41 =	vsel vm4, v4, v41  }
0x11f: {  	v54 =	vld [tilespmem:$0x50];
	v55 =	vadd.f32 v56, v31;
	vm3 =	vgt.f32 v35, v42;
	v60 =	vadd.f32 $9.999999710e-10, v36  }
0x120: {  	v56 =	vld [tilespmem:$0x6A0];
	v49 =	vpop (erf);
	v39 =	vmax.f32 v39, $0.0e+00;
	v37 =	vmax.f32 v37, $0.0e+00;
	v44 =	vmax.f32 v26, v63  }
0x121: {  	v47 =	vld [tilespmem:$0x240];
	v38 =	vmul.f32 v49, v38;
	v42 =	vsel vm3, v35, v42;
	v41 =	vsel vm3, v5, v41  }
0x122: {  	v53 =	vld [tilespmem:$0x530];
	v39 =	vmul.f32 v37, v39;
	v43 =	vmin.f32 v29, v59;
	v49 =	vmin.f32 v28, v61  }
0x123: {  	v57 =	vld [tilespmem:$0x60];
	v62 =	vpop (erf);
	(erf) = vrcp.f32 v60;
	v43 =	vsub.f32 v43, v48;
	v58 =	vsub.f32 v49, v50  }
0x124: {  	v52 =	vld [tilespmem:$0x820];
	vm15 =	vge.f32 v38, $5.000000000e-01;
	v38 =	vmul.f32 v62, v46;
	v59 =	vsub.f32 v55, v39  }
0x125: {  	v60 =	vld [tilespmem:$0x810];
	v36 =	vsel vm15, $0xBF800000, v54;
	v43 =	vadd.f32 $1.000000000e+00, v43;
	v48 =	vadd.f32 $1.000000000e+00, v58  }
0x126: {  	v62 =	vld [tilespmem:$0x3B0];
	v45 =	vmin.f32 v28, v56;
	v47 =	vmax.f32 v27, v47;
	vm3 =	vgt.f32 v36, v42  }
0x127: {  	v54 =	vld [tilespmem:$0x520];
	vm8 =	vge.f32 v38, $5.000000000e-01;
	v44 =	vsub.f32 v45, v44;
	v61 =	vadd.f32 $9.999999710e-10, v59  }
0x128: {  	v45 =	vld [tilespmem:$0x230];
	v59 =	vmin.f32 v29, v53;
	v42 =	vsel vm3, v36, v42;
	v37 =	vsel vm8, $0xBF800000, v57  }
0x129: {  	v56 =	vld [tilespmem:$0x6B0];
	v43 =	vmax.f32 v43, $0.0e+00;
	v48 =	vmax.f32 v48, $0.0e+00;
	v57 =	vadd.f32 v52, v31  }
0x12a: {  	v58 =	vld [tilespmem:$0x540];
	v41 =	vsel vm3, v6, v41;
	v43 =	vmul.f32 v48, v43;
	v55 =	vadd.f32 v60, v31  }
0x12b: {  	v38 =	vld [tilespmem:$0x70];
	vm4 =	vgt.f32 v37, v42;
	v44 =	vadd.f32 $1.000000000e+00, v44;
	(erf) = vrcp.f32 v61  }
0x12c: {  	v53 =	vld [tilespmem:$0x250];
	v42 =	vsel vm4, v37, v42;
	v46 =	vmin.f32 v29, v54;
	v48 =	vsub.f32 v55, v43  }
0x12d: {  	v60 =	vld [tilespmem:$0x6C0];
	v49 =	vmax.f32 v26, v62;
	v46 =	vsub.f32 v46, v51;
	v45 =	vmax.f32 v27, v45  }
0x12e: {  	v50 =	vmin.f32 v28, v56;
	v51 =	vld [tilespmem:$0x3C0];
	v63 =	vpop (erf);
	v48 =	vadd.f32 $9.999999710e-10, v48;
	v45 =	vsub.f32 v59, v45  }
0x12f: {  	v62 =	vld [tilespmem:$0x830];
	v61 =	vsub.f32 v50, v49;
	v46 =	vadd.f32 $1.000000000e+00, v46;
	v40 =	vmul.f32 v63, v40  }
0x130: {  	v44 =	vmax.f32 v44, $0.0e+00;
	v54 =	vld [tilespmem:$0x80];
	(erf) = vrcp.f32 v48;
	v45 =	vadd.f32 $1.000000000e+00, v45  }
0x131: {  	v56 =	vld [tilespmem:$0x3E0];
	v48 =	vadd.f32 $1.000000000e+00, v61;
	v46 =	vmax.f32 v46, $0.0e+00;
	vm3 =	vge.f32 v40, $5.000000000e-01  }
0x132: {  	v63 =	vld [tilespmem:$0x840];
	v40 =	vmin.f32 v29, v58;
	v44 =	vmul.f32 v44, v46;
	v38 =	vsel vm3, $0xBF800000, v38  }
0x133: {  	v49 =	vld [tilespmem:$0x260];
	v51 =	vmax.f32 v26, v51;
	v40 =	vsub.f32 v40, v47;
	v45 =	vmax.f32 v45, $0.0e+00  }
0x134: {  	v47 =	vld [tilespmem:$0x3D0];
	v48 =	vmax.f32 v48, $0.0e+00;
	v55 =	vpop (erf);
	vm3 =	vgt.f32 v38, v42;
	v46 =	vsub.f32 v57, v44  }
0x135: {  	v57 =	vmin.f32 v28, v60;
	v39 =	vmul.f32 v55, v39;
	v59 =	vadd.f32 $1.000000000e+00, v40;
	v55 =	vld [tilespmem:$0x6D0]  }
0x136: {  	v40 =	vsel vm3, v38, v42;
	v42 =	vmul.f32 v48, v45;
	v60 =	vadd.f32 v62, v31;
	v48 =	vld [tilespmem:$0x850]  }
0x137: {  	v41 =	vsel vm4, v7, v41;
	v50 =	vadd.f32 v63, v31;
	v63 =	vld [tilespmem:$0x560];
	v58 =	vsub.f32 v57, v51  }
0x138: {  	v51 =	vld [tilespmem:$0x550];
	v46 =	vadd.f32 $9.999999710e-10, v46;
	vm9 =	vge.f32 v39, $5.000000000e-01;
	v45 =	vsub.f32 v60, v42  }
0x139: {  	v53 =	vmax.f32 v27, v53;
	v49 =	vmax.f32 v27, v49;
	v57 =	vld [tilespmem:$0x270];
	v39 =	vsel vm9, $0xBF800000, v54  }
0x13a: {  	v54 =	vld [tilespmem:$0x6E0];
	(erf) = vrcp.f32 v46;
	v46 =	vadd.f32 $1.000000000e+00, v58;
	v45 =	vadd.f32 $9.999999710e-10, v45  }
0x13b: {  	v61 =	vmax.f32 v59, $0.0e+00;
	v47 =	vmax.f32 v26, v47;
	v58 =	vmax.f32 v26, v56;
	v56 =	vld [tilespmem:$0x280]  }
0x13c: {  	v62 =	vpop (erf);
	v55 =	vmin.f32 v28, v55;
	v46 =	vmax.f32 v46, $0.0e+00;
	(erf) = vrcp.f32 v45;
	v45 =	vld [tilespmem:$0x570]  }
0x13d: {  	v43 =	vmul.f32 v62, v43;
	v51 =	vmin.f32 v29, v51;
	v62 =	vmin.f32 v29, v63;
	v63 =	vld [tilespmem:$0x6F0]  }
0x13e: {  	v47 =	vsub.f32 v55, v47;
	v46 =	vmul.f32 v46, v61;
	v51 =	vsub.f32 v51, v53;
	v53 =	vld [tilespmem:$0x3F0]  }
0x13f: {  	v41 =	vsel vm3, v8, v41;
	v48 =	vadd.f32 v48, v31;
	v59 =	vsub.f32 v62, v49  }
0x140: {  	v62 =	vmax.f32 v27, v57;
	v47 =	vadd.f32 $1.000000000e+00, v47;
	v50 =	vsub.f32 v50, v46  }
0x141: {  	v57 =	vld [tilespmem:$0x580];
	vm3 =	vge.f32 v43, $5.000000000e-01;
	v54 =	vmin.f32 v28, v54;
	v56 =	vmax.f32 v27, v56  }
0x142: {  	v47 =	vmax.f32 v47, $0.0e+00;
	v61 =	vadd.f32 $9.999999710e-10, v50;
	v50 =	vadd.f32 $1.000000000e+00, v51  }
0x143: {  	v55 =	vld [tilespmem:$0x410];
	v45 =	vmin.f32 v29, v45;
	v52 =	vmin.f32 v28, v63;
	v53 =	vmax.f32 v26, v53  }
0x144: {  	v45 =	vsub.f32 v45, v62;
	v60 =	vpop (erf);
	(erf) = vrcp.f32 v61;
	v61 =	vld [tilespmem:$0x860];
	v50 =	vmax.f32 v50, $0.0e+00  }
0x145: {  	v63 =	vsub.f32 v52, v53;
	v52 =	vld [tilespmem:$0x400];
	v43 =	vmul.f32 v60, v44;
	v60 =	vsub.f32 v54, v58  }
0x146: {  	v53 =	vmin.f32 v29, v57;
	v44 =	vadd.f32 $1.000000000e+00, v59;
	v54 =	vld [tilespmem:$0x870];
	v45 =	vadd.f32 $1.000000000e+00, v45  }
0x147: {  	v47 =	vmul.f32 v47, v50;
	v50 =	vld [tilespmem:$0x700];
	v53 =	vsub.f32 v53, v56;
	v58 =	vpop (erf);
	v59 =	vadd.f32 $1.000000000e+00, v63  }
0x148: {  	v56 =	vld [tilespmem:$0x420];
	v49 =	vadd.f32 $1.000000000e+00, v60;
	v44 =	vmax.f32 v44, $0.0e+00;
	v42 =	vmul.f32 v58, v42  }
0x149: {  	vm10 =	vge.f32 v43, $5.000000000e-01;
	v60 =	vsub.f32 v48, v47;
	v45 =	vmax.f32 v45, $0.0e+00  }
0x14a: {  	v48 =	vld [tilespmem:$0x290];
	v49 =	vmax.f32 v49, $0.0e+00;
	v51 =	vadd.f32 v61, v31;
	vm11 =	vge.f32 v42, $5.000000000e-01  }
0x14b: {  	v43 =	vadd.f32 $9.999999710e-10, v60;
	v60 =	vld [tilespmem:$0x710];
	v44 =	vmul.f32 v49, v44;
	v49 =	vmax.f32 v59, $0.0e+00  }
0x14c: {  	v52 =	vmax.f32 v26, v52;
	v62 =	vadd.f32 v54, v31;
	v54 =	vld [tilespmem:$0x590];
	v45 =	vmul.f32 v49, v45  }
0x14d: {  	v57 =	vld [tilespmem:$0x2A0];
	v50 =	vmin.f32 v28, v50;
	v59 =	vmax.f32 v26, v55;
	v56 =	vmax.f32 v26, v56  }
0x14e: {  	(erf) = vrcp.f32 v43;
	v43 =	vld [tilespmem:$0x5A0];
	v51 =	vsub.f32 v51, v44;
	v61 =	vpop (erf);
	v49 =	vsub.f32 v62, v45  }
0x14f: {  	v48 =	vmax.f32 v27, v48;
	v42 =	vmul.f32 v61, v46;
	v61 =	vsub.f32 v50, v52;
	v50 =	vld [tilespmem:$0x720]  }
0x150: {  	v63 =	vadd.f32 $9.999999710e-10, v51;
	v51 =	vmin.f32 v28, v60;
	v52 =	vld [tilespmem:$0x730];
	v62 =	vadd.f32 $9.999999710e-10, v49  }
0x151: {  	v60 =	vld [tilespmem:$0x430];
	v58 =	vmin.f32 v29, v54;
	v51 =	vsub.f32 v51, v59;
	vm6 =	vge.f32 v42, $5.000000000e-01  }
0x152: {  	v54 =	vld [tilespmem:$0x5B0];
	(erf) = vrcp.f32 v63;
	v63 =	vadd.f32 $1.000000000e+00, v53;
	v42 =	vadd.f32 $1.000000000e+00, v61  }
0x153: {  	v53 =	vld [tilespmem:$0x2B0];
	v48 =	vsub.f32 v58, v48;
	v43 =	vmin.f32 v29, v43;
	(erf) = vrcp.f32 v62  }
0x154: {  	v61 =	vld [tilespmem:$0x880];
	v51 =	vadd.f32 $1.000000000e+00, v51;
	v62 =	vmax.f32 v27, v57;
	v49 =	vmax.f32 v63, $0.0e+00  }
0x155: {  	v59 =	vld [tilespmem:$0x90];
	v42 =	vmax.f32 v42, $0.0e+00;
	v46 =	vadd.f32 $1.000000000e+00, v48;
	v43 =	vsub.f32 v43, v62  }
0x156: {  	v63 =	vld [tilespmem:$0x890];
	v42 =	vmul.f32 v42, v49;
	v50 =	vmin.f32 v28, v50;
	v28 =	vmin.f32 v28, v52  }
0x157: {  	v58 =	vld [tilespmem:$0x8A0];
	v51 =	vmax.f32 v51, $0.0e+00;
	v26 =	vmax.f32 v26, v60;
	v50 =	vsub.f32 v50, v56  }
0x158: {  	v60 =	vld [tilespmem:$0x8B0];
	v29 =	vmin.f32 v29, v54;
	v46 =	vmax.f32 v46, $0.0e+00;
	v43 =	vadd.f32 $1.000000000e+00, v43  }
0x159: {  	v52 =	vld [tilespmem:$0xA0];
	v26 =	vsub.f32 v28, v26;
	v27 =	vmax.f32 v27, v53;
	v28 =	vadd.f32 v61, v31  }
0x15a: {  	v46 =	vmul.f32 v51, v46;
	v50 =	vadd.f32 $1.000000000e+00, v50;
	v27 =	vsub.f32 v29, v27  }
0x15b: {  	v29 =	vmax.f32 v43, $0.0e+00;
	v26 =	vadd.f32 $1.000000000e+00, v26;
	v62 =	vadd.f32 v63, v31  }
0x15c: {  	v63 =	vadd.f32 v58, v31;
	v28 =	vsub.f32 v28, v42;
	v61 =	vmax.f32 v50, $0.0e+00  }
0x15d: {  	v50 =	vsel vm3, $0xBF800000, v59;
	v27 =	vadd.f32 $1.000000000e+00, v27;
	vm3 =	vgt.f32 v39, v40  }
0x15e: {  	v31 =	vadd.f32 v60, v31;
	v26 =	vmax.f32 v26, $0.0e+00;
	v48 =	vsel vm10, $0xBF800000, v52  }
0x15f: {  	v29 =	vmul.f32 v61, v29;
	v40 =	vsel vm3, v39, v40;
	v27 =	vmax.f32 v27, $0.0e+00  }
0x160: {  	v28 =	vadd.f32 $9.999999710e-10, v28;
	v43 =	vsub.f32 v62, v46;
	v26 =	vmul.f32 v26, v27;
	v27 =	vld [tilespmem:$0xB0]  }
0x161: {  	v41 =	vsel vm3, v9, v41;
	vm3 =	vgt.f32 v50, v40;
	v49 =	vsub.f32 v63, v29  }
0x162: {  	v54 =	vpop (erf);
	(erf) = vrcp.f32 v28;
	v28 =	vld [tilespmem:$0xC0];
	v43 =	vadd.f32 $9.999999710e-10, v43;
	v40 =	vsel vm3, v50, v40  }
0x163: {  	v47 =	vmul.f32 v54, v47;
	vm4 =	vgt.f32 v48, v40  }
0x164: {  	v53 =	vld [tilespmem:$0xD0];
	v31 =	vsub.f32 v31, v26;
	v49 =	vadd.f32 $9.999999710e-10, v49;
	(erf) = vrcp.f32 v43  }
0x165: {  	vm12 =	vge.f32 v47, $5.000000000e-01;
	v40 =	vsel vm4, v48, v40;
	v27 =	vsel vm11, $0xBF800000, v27  }
0x166: {  	v55 =	vld [tilespmem:$0xE0];
	v31 =	vadd.f32 $9.999999710e-10, v31;
	(erf) = vrcp.f32 v49;
	vm5 =	vgt.f32 v27, v40  }
0x167: {  	v56 =	vpop (erf);
	v41 =	vsel vm3, v10, v41;
	v28 =	vsel vm6, $0xBF800000, v28;
	v40 =	vsel vm5, v27, v40  }
0x168: {  	v57 =	vld [tilespmem:$0xF0];
	v58 =	vpop (erf);
	(erf) = vrcp.f32 v31;
	v31 =	vmul.f32 v56, v44;
	vm3 =	vgt.f32 v28, v40  }
0x169: {  	v59 =	vmul.f32 v58, v45;
	v43 =	vsel vm12, $0xBF800000, v53;
	v40 =	vsel vm3, v28, v40  }
0x16a: {  	v60 =	vld [tilespmem:$0x100];
	v41 =	vsel vm4, v11, v41;
	vm14 =	vge.f32 v31, $5.000000000e-01;
	vm13 =	vgt.f32 v43, v40  }
0x16b: {  	vm9 =	vge.f32 v59, $5.000000000e-01;
	v61 =	vpop (erf);
	v49 =	vsel vm14, $0xBF800000, v55;
	v40 =	vsel vm13, v43, v40  }
0x16c: {  	v63 =	vld [tilespmem:$0x110];
	v41 =	vsel vm5, v12, v41;
	v62 =	vmul.f32 v61, v42;
	vm15 =	vgt.f32 v49, v40  }
0x16d: {  	v44 =	vsel vm9, $0xBF800000, v57;
	v41 =	vsel vm3, v13, v41;
	v51 =	vpop (erf);
	v40 =	vsel vm15, v49, v40  }
0x16e: {  	v53 =	vld [tilespmem:$0x120];
	vm10 =	vge.f32 v62, $5.000000000e-01;
	v52 =	vmul.f32 v51, v46;
	vm3 =	vgt.f32 v44, v40  }
0x16f: {  	v41 =	vsel vm13, v14, v41;
	v54 =	vpop (erf);
	v45 =	vsel vm10, $0xBF800000, v60;
	v40 =	vsel vm3, v44, v40  }
0x170: {  	v56 =	vld [tilespmem:$0x130];
	vm12 =	vge.f32 v52, $5.000000000e-01;
	v29 =	vmul.f32 v54, v29;
	vm11 =	vgt.f32 v45, v40  }
0x171: {  	v41 =	vsel vm15, v15, v41;
	v55 =	vpop (erf);
	v57 =	vsel vm12, $0xBF800000, v63;
	v40 =	vsel vm11, v45, v40  }
0x172: {  	v26 =	vmul.f32 v55, v26;
	vm14 =	vge.f32 v29, $5.000000000e-01;
	vm13 =	vgt.f32 v57, v40  }
0x173: {  	v29 =	vsel vm3, v16, v41;
	v58 =	vsel vm14, $0xBF800000, v53;
	v40 =	vsel vm13, v57, v40  }
0x174: {  	v29 =	vsel vm11, v17, v29;
	vm15 =	vge.f32 v26, $5.000000000e-01;
	vm3 =	vgt.f32 v58, v40  }
0x175: {  	v26 =	vsel vm13, v18, v29;
	v59 =	vsel vm15, $0xBF800000, v56;
	v29 =	vsel vm3, v58, v40  }
0x176: {  	v26 =	vsel vm3, v19, v26;
	vm3 =	vgt.f32 v59, v29  }
0x177: {  	v29 =	vsel vm3, v59, v29;
	v26 =	vsel vm3, v20, v26  }
0x178: {  	v60 =	vperm.xlane v29, v22;
	v61 =	vperm.xlane v26, v22;
	_ =	sdelay $0x1  }
0x179: {  	vm3 =	veq.f32 v60, v29;
	vm8 =	vlt.s32 v61, v26  }
0x17a: {  	vm9 =	vgt.f32 v60, v29;
	vm3 =	vmand vm3, vm8  }
0x17b: {  	[tilespmem:$0x0] =	vst v30;
	vm3 =	vmor vm9, vm3  }
0x17c: {  	[tilespmem:$0x10] =	vst v32;
	v29 =	vsel vm3, v60, v29;
	v26 =	vsel vm3, v61, v26  }
0x17d: {  	[tilespmem:$0x20] =	vst v33;
	v62 =	vperm.xlane v29, v23;
	v63 =	vperm.xlane v26, v23  }
0x17e: {  	[tilespmem:$0x30] =	vst v34  }
0x17f: {  	[tilespmem:$0x40] =	vst v35;
	vm3 =	veq.f32 v62, v29;
	vm10 =	vlt.s32 v63, v26  }
0x180: {  	[tilespmem:$0x50] =	vst v36;
	vm11 =	vgt.f32 v62, v29;
	vm3 =	vmand vm3, vm10  }
0x181: {  	[tilespmem:$0x60] =	vst v37;
	vm3 =	vmor vm11, vm3  }
0x182: {  	[tilespmem:$0x70] =	vst v38;
	v29 =	vsel vm3, v62, v29;
	v26 =	vsel vm3, v63, v26  }
0x183: {  	[tilespmem:$0x80] =	vst v39;
	v30 =	vperm.xlane v29, v24;
	v32 =	vperm.xlane v26, v24  }
0x184: {  	[tilespmem:$0x90] =	vst v50  }
0x185: {  	[tilespmem:$0xA0] =	vst v48;
	vm3 =	veq.f32 v30, v29;
	vm12 =	vlt.s32 v32, v26  }
0x186: {  	[tilespmem:$0xD0] =	vst v43;
	vm13 =	vgt.f32 v30, v29;
	vm3 =	vmand vm3, vm12  }
0x187: {  	[tilespmem:$0xB0] =	vst v27;
	vm3 =	vmor vm13, vm3  }
0x188: {  	[tilespmem:$0xC0] =	vst v28;
	v27 =	vsel vm3, v30, v29;
	v26 =	vsel vm3, v32, v26  }
0x189: {  	p1 =	sne.s32 s18, $0x63;
	[tilespmem:$0xF0] =	vst v44;
	v28 =	vperm.xlane v27, v21;
	v29 =	vperm.xlane v26, v21  }
.Ltmp0:
0x18a: {  	[tilespmem:$0xE0] =	vst v49;
	(pc) =	sbr.rel @p1 .LBB2_2-.Ltmp0, $4  }
0x18b: {  	[tilespmem:$0x100] =	vst v45;
	vm3 =	veq.f32 v28, v27;
	vm14 =	vlt.s32 v29, v26  }
0x18c: {  	[tilespmem:$0x110] =	vst v57;
	vm15 =	vgt.f32 v28, v27;
	vm3 =	vmand vm3, vm14  }
0x18d: {  	[tilespmem:$0x120] =	vst v58;
	vm3 =	vmor vm15, vm3  }
0x18e: {  	s17 =	sadd.s32 $0x800, s17;
	s18 =	sadd.s32 $0x1, s18;
	[tilespmem:$0x130] =	vst v59;
	v27 =	vsel vm3, v28, v27;
	v26 =	vsel vm3, v29, v26  }
0x18f: {  	s17 =	simm.s32 @!p0 $0x0;
	s18 =	simm.s32 @!p0 $0x5900  }
0x190: {  	[hbm4b:s13+s17] =	stream.linear.scatter @!p0 [tilespmem:s18], [sflag:$0x1], $0x80, $0x38;
	[tilespmem:$0x6500] =	vst v63  }
0x191: {  	s18 =	simm.s32 @!p0 $0x1  }
0x192: {  	s0 =	sadd.s32 $0x1, s0;
	_ =	swait.ge @!p0 [sflag:s18], $0x80  }
0x193: {  	p1 =	sne.s32 s0, s15;
	[sflag:s18] =	ssyncset.done @!p0 $0x0  }
.Ltmp1:
0x194: {  	s19 =	simm.s32 @!p0 $0x5980;
	[sflag:s18] =	ssyncadd.s32 @!p0 $0xFFFFFF80;
	(pc) =	sbr.rel @p1 .LBB2_1-.Ltmp1, $4  }
0x195: {  	[hbm4b:s14+s17] =	stream.linear.scatter @!p0 [tilespmem:s19], [sflag:$0x1], $0x200, $0x38;
	[tilespmem:$0x6500] =	vst v63  }
0x196: {  	_ =	swait.ge @!p0 [sflag:s18], $0x200  }
0x197: {  	[sflag:s18] =	ssyncset.done @!p0 $0x0  }
0x198: {  	[sflag:s18] =	ssyncadd.s32 @!p0 $0xFFFFFE00  }
0x199: {  	_ =	sfence.sel $0x180000  }
0x19a: {  	[bflag:$0x0] =	sbarrier.arrive $0xFFFF  }
0x19b: {  	_ =	strace $0x90000047  }
0x19c: {  	[bflag:$0x2] =	sbarrier.arrive $0xFFFF  }
0x19d: {  	s0 =	rddreg [dreg:$0x4]  }
0x19e: {  	s0 =	sadd.s32 @!p0 $0x100000, s0  }
0x19f: {  	[sflag:s0] =	ssyncadd.tile.s32 @!p0 $0x1;
	_ =	shalt  }
.Lfunc_end2:
_tile_overlayer_lowered:
.L_overlay_start_2:
0x1a0: {  	(tag) =	ssettag $0x2  }
0x1a1: {  	s0 =	rddreg [dreg:$0x0];
	s2 =	stileid.u32  }
0x1a2: {  	s1 =	rddreg [dreg:$0x1];
	p0 =	sne.s32 s2, $0x0  }
0x1a3: {  	s3 =	rddreg [dreg:$0x2];
	[bflag:$0x3] =	sbarrier.arrive $0xFFFF;
	s2 =	simm.s32 @!p0 $0x1C01  }
0x1a4: {  	[timem:s3], [sflag:s2] =	dma.local @!p0 [hbm:s0], s1  }
0x1a5: {  	s0 =	simm.s32 @!p0 $0x1  }
0x1a6: {  	_ =	swait.ge @!p0 [sflag:s0], s1  }
0x1a7: {  	s1 =	ssub.s32 @!p0 $0x0, s1;
	[sflag:s0] =	ssyncset.done @!p0 $0x0  }
0x1a8: {  	[sflag:s0] =	ssyncadd.s32 @!p0 s1  }
0x1a9: {  	[bflag:$0x3] =	sbarrier.arrive $0xFFFF  }
0x1aa: {  	_ =	shalt  }

</sc_bundles>
